<compile_context>
chip_gen: v7x
topology: tpu7x:2x2x1
jax: 0.10.2.dev20260603
libtpu: 0.0.44.dev20260713+nightly
codegen_flags: <defaults>
</compile_context>

<pallas_src>
import functools

import jax
import jax.numpy as jnp
from jax import lax
from jax.experimental import pallas as pl
from jax.experimental.pallas import tpu as pltpu
from jax.experimental.pallas import tpu_sc as plsc

_CH = 80
_NBUF = 3


def _leaky(x, slope):
    return jnp.where(x >= 0, x, slope * x)


def _tc1_body(nf_ref, w1a_ref, w1b_ref, sp_ref, dp_ref):
    nf = nf_ref[...]
    sp_ref[...] = jnp.dot(nf, w1a_ref[...], preferred_element_type=jnp.float32)
    dp_ref[...] = jnp.dot(nf, w1b_ref[...], preferred_element_type=jnp.float32)


def _make_tc1(N, D, blk):
    grid = N // blk
    return pl.pallas_call(
        _tc1_body,
        grid=(grid,),
        in_specs=[
            pl.BlockSpec((blk, D), lambda i: (i, 0)),
            pl.BlockSpec((D, D), lambda i: (0, 0)),
            pl.BlockSpec((D, D), lambda i: (0, 0)),
        ],
        out_specs=[
            pl.BlockSpec((blk, D), lambda i: (i, 0)),
            pl.BlockSpec((blk, D), lambda i: (i, 0)),
        ],
        out_shape=[
            jax.ShapeDtypeStruct((N, D), jnp.float32),
            jax.ShapeDtypeStruct((N, D), jnp.float32),
        ],
    )


def _make_sc1(E, D, NC, NS):
    NW = NC * NS
    EPW = E // NW
    CH, NB = _CH, _NBUF
    NCHUNK = EPW // CH
    NSUP = NCHUNK // NB
    NTAIL = NCHUNK - NSUP * NB
    assert EPW % CH == 0

    mesh = plsc.VectorSubcoreMesh(core_axis_name="c", subcore_axis_name="s")

    @functools.partial(
        pl.kernel,
        mesh=mesh,
        out_type=jax.ShapeDtypeStruct((E, D), jnp.float32),
        compiler_params=pltpu.CompilerParams(use_tc_tiling_on_sc=False,
                                             needs_layout_passes=False),
        scratch_types=[
            pltpu.VMEM((NCHUNK, CH), jnp.int32),
            pltpu.VMEM((NCHUNK, CH), jnp.int32),
            pltpu.VMEM((NB * CH,), jnp.int32),
            pltpu.VMEM((NB * CH, D), jnp.float32),
            pltpu.VMEM((NB * CH, D), jnp.float32),
            pltpu.VMEM_SHARED((NS * NB * CH, D), jnp.float32),
            pltpu.SemaphoreType.DMA((NB,)),
            pltpu.SemaphoreType.DMA((NB,)),
        ],
    )
    def sc1(sp_hbm, dp_hbm, src_hbm, dst_hbm, out_hbm,
            idxs, idxd, identb, bufA, bufB, acc,
            gsA, gsB):
        c = lax.axis_index("c")
        s = lax.axis_index("s")
        wid = s * NC + c
        base = wid * EPW
        sbase = s * NB * CH
        pltpu.sync_copy(src_hbm.at[wid], idxs)
        pltpu.sync_copy(dst_hbm.at[wid], idxd)
        for k in range((NB * CH) // 16):
            identb[pl.ds(k * 16, 16)] = (
                lax.iota(jnp.int32, 16) + (sbase + 16 * k))

        for j in range(NB):
            pltpu.async_copy(sp_hbm.at[idxs.at[j]],
                             bufA.at[pl.ds(j * CH, CH)], gsA.at[j])
            pltpu.async_copy(dp_hbm.at[idxd.at[j]],
                             bufB.at[pl.ds(j * CH, CH)], gsB.at[j])

        def super_body(sidx, carry):
            for j in range(NB):
                pltpu.make_async_copy(sp_hbm.at[idxs.at[0]],
                                      bufA.at[pl.ds(j * CH, CH)],
                                      gsA.at[j]).wait()
                pltpu.make_async_copy(dp_hbm.at[idxd.at[0]],
                                      bufB.at[pl.ds(j * CH, CH)],
                                      gsB.at[j]).wait()
            for j in range(NB):
                ch = sidx * NB + j
                off = base + ch * CH
                pltpu.sync_copy(bufA.at[pl.ds(j * CH, CH)],
                                acc.at[pl.ds(sbase + j * CH, CH)])
                pltpu.sync_copy(bufB.at[pl.ds(j * CH, CH)],
                                acc.at[identb.at[pl.ds(j * CH, CH)]], add=True)
                pltpu.sync_copy(acc.at[pl.ds(sbase + j * CH, CH)],
                                out_hbm.at[pl.ds(off, CH)])

                @pl.when(sidx < NSUP - 1)
                def _():
                    nch = ch + NB
                    pltpu.async_copy(sp_hbm.at[idxs.at[nch]],
                                     bufA.at[pl.ds(j * CH, CH)], gsA.at[j])
                    pltpu.async_copy(dp_hbm.at[idxd.at[nch]],
                                     bufB.at[pl.ds(j * CH, CH)], gsB.at[j])
            return carry

        lax.fori_loop(0, NSUP, super_body, 0)
        for t in range(NTAIL):
            ch = NSUP * NB + t
            off = base + ch * CH
            cpA = pltpu.async_copy(sp_hbm.at[idxs.at[ch]],
                                   bufA.at[pl.ds(0, CH)], gsA.at[0])
            cpB = pltpu.async_copy(dp_hbm.at[idxd.at[ch]],
                                   bufB.at[pl.ds(0, CH)], gsB.at[0])
            cpA.wait()
            cpB.wait()
            pltpu.sync_copy(bufA.at[pl.ds(0, CH)], acc.at[pl.ds(sbase, CH)])
            pltpu.sync_copy(bufB.at[pl.ds(0, CH)],
                            acc.at[identb.at[pl.ds(0, CH)]], add=True)
            pltpu.sync_copy(acc.at[pl.ds(sbase, CH)], out_hbm.at[pl.ds(off, CH)])

    return sc1


def _make_tc2_body(D, W):
    def body(g_ref, ef_ref, w1c_ref, w2_ref, w3_ref, e_ref, p_ref):
        x = g_ref[...] + jnp.dot(ef_ref[...], w1c_ref[...],
                                 preferred_element_type=jnp.float32)
        e = _leaky(x, 1e-4)
        e_ref[...] = e
        w3e = _leaky(jnp.dot(e, w3_ref[...], preferred_element_type=jnp.float32),
                     0.01)
        lg = _leaky(jnp.dot(e, w2_ref[...], preferred_element_type=jnp.float32),
                    1e-4)
        ex = jnp.exp(lg)
        p_ref[:, :D] = w3e * ex
        p_ref[:, D:D + 1] = ex
        p_ref[:, D + 1:] = jnp.zeros((ex.shape[0], W - D - 1), jnp.float32)
    return body


def _make_tc2(E, D, W, blk):
    grid = E // blk
    return pl.pallas_call(
        _make_tc2_body(D, W),
        grid=(grid,),
        in_specs=[
            pl.BlockSpec((blk, D), lambda i: (i, 0)),
            pl.BlockSpec((blk, D), lambda i: (i, 0)),
            pl.BlockSpec((D, D), lambda i: (0, 0)),
            pl.BlockSpec((D, 1), lambda i: (0, 0)),
            pl.BlockSpec((D, D), lambda i: (0, 0)),
        ],
        out_specs=[
            pl.BlockSpec((blk, D), lambda i: (i, 0)),
            pl.BlockSpec((blk, W), lambda i: (i, 0)),
        ],
        out_shape=[
            jax.ShapeDtypeStruct((E, D), jnp.float32),
            jax.ShapeDtypeStruct((E, W), jnp.float32),
        ],
    )


def _make_sc2(E, N, D, W, NC, NS):
    NW = NC * NS
    EPW = E // NW
    CH, NB = _CH, 2
    NCHUNK = EPW // CH
    NSUP = NCHUNK // NB
    NTAIL = NCHUNK - NSUP * NB
    NCH_N = N // CH
    assert N % CH == 0
    mesh = plsc.VectorSubcoreMesh(core_axis_name="c", subcore_axis_name="s")

    @functools.partial(
        pl.kernel,
        mesh=mesh,
        out_type=jax.ShapeDtypeStruct((NC, N, W), jnp.float32),
        compiler_params=pltpu.CompilerParams(use_tc_tiling_on_sc=False,
                                             needs_layout_passes=False),
        scratch_types=[
            pltpu.VMEM((EPW,), jnp.int32),
            pltpu.VMEM((NB * CH, W), jnp.float32),
            pltpu.VMEM_SHARED((N, W), jnp.float32),
            pltpu.SemaphoreType.DMA((NB,)),
        ],
    )
    def sc2(p_hbm, dst_hbm, out_hbm, idxd, bufP, mtab, lsem):
        c = lax.axis_index("c")
        s = lax.axis_index("s")
        wid = s * NC + c
        base = wid * EPW
        nstripe = (NCH_N - s + NS - 1) // NS

        pltpu.sync_copy(dst_hbm.at[wid], idxd)

        zf = jnp.zeros((16,), jnp.float32)

        def zrow(r, carry):
            for k in range(W // 16):
                bufP[r, pl.ds(k * 16, 16)] = zf
            return carry

        lax.fori_loop(0, CH, zrow, 0)

        def zstep(j, carry):
            pltpu.sync_copy(bufP.at[pl.ds(0, CH)],
                            mtab.at[pl.ds((s + j * NS) * CH, CH)])
            return carry

        lax.fori_loop(0, nstripe, zstep, 0)
        plsc.subcore_barrier()

        for j in range(NB):
            pltpu.async_copy(p_hbm.at[pl.ds(base + j * CH, CH)],
                             bufP.at[pl.ds(j * CH, CH)], lsem.at[j])

        def super_body(sidx, carry):
            for j in range(NB):
                ch = sidx * NB + j
                pltpu.make_async_copy(p_hbm.at[pl.ds(base, CH)],
                                      bufP.at[pl.ds(j * CH, CH)],
                                      lsem.at[j]).wait()
                pltpu.sync_copy(bufP.at[pl.ds(j * CH, CH)],
                                mtab.at[idxd.at[pl.ds(ch * CH, CH)]],
                                add=True)

                @pl.when(sidx < NSUP - 1)
                def _():
                    off = base + (ch + NB) * CH
                    pltpu.async_copy(p_hbm.at[pl.ds(off, CH)],
                                     bufP.at[pl.ds(j * CH, CH)], lsem.at[j])
            return carry

        lax.fori_loop(0, NSUP, super_body, 0)
        for t in range(NTAIL):
            ch = NSUP * NB + t
            off = base + ch * CH
            pltpu.sync_copy(p_hbm.at[pl.ds(off, CH)], bufP.at[pl.ds(0, CH)])
            pltpu.sync_copy(bufP.at[pl.ds(0, CH)],
                            mtab.at[idxd.at[pl.ds(ch * CH, CH)]], add=True)
        plsc.subcore_barrier()

        def wstep(j, carry):
            r0 = (s + j * NS) * CH
            pltpu.sync_copy(mtab.at[pl.ds(r0, CH)],
                            out_hbm.at[c, pl.ds(r0, CH)])
            return carry

        lax.fori_loop(0, nstripe, wstep, 0)

    return sc2


def _make_tc3_body(D):
    def body(m0_ref, m1_ref, nf_ref, wih_ref, whh_ref, bih_ref, bhh_ref, h_ref):
        msum = m0_ref[:, :D] + m1_ref[:, :D]
        den = m0_ref[:, D:D + 1] + m1_ref[:, D:D + 1]
        mdiv = jnp.where(den > 0, msum / jnp.where(den > 0, den, 1.0), 0.0)
        m = jnp.where(mdiv > 0, mdiv, jnp.exp(mdiv) - 1.0)
        nf = nf_ref[...]
        gi = jnp.dot(m, wih_ref[...], preferred_element_type=jnp.float32) + bih_ref[...]
        gh = jnp.dot(nf, whh_ref[...], preferred_element_type=jnp.float32) + bhh_ref[...]
        r = jax.nn.sigmoid(gi[:, :D] + gh[:, :D])
        z = jax.nn.sigmoid(gi[:, D:2 * D] + gh[:, D:2 * D])
        n = jnp.tanh(gi[:, 2 * D:] + r * gh[:, 2 * D:])
        h_ref[...] = jnp.maximum((1.0 - z) * n + z * nf, 0.0)
    return body


def _make_tc3(N, D, W, blk):
    grid = N // blk
    return pl.pallas_call(
        _make_tc3_body(D),
        grid=(grid,),
        in_specs=[
            pl.BlockSpec((blk, W), lambda i: (i, 0)),
            pl.BlockSpec((blk, W), lambda i: (i, 0)),
            pl.BlockSpec((blk, D), lambda i: (i, 0)),
            pl.BlockSpec((D, 3 * D), lambda i: (0, 0)),
            pl.BlockSpec((D, 3 * D), lambda i: (0, 0)),
            pl.BlockSpec((1, 3 * D), lambda i: (0, 0)),
            pl.BlockSpec((1, 3 * D), lambda i: (0, 0)),
        ],
        out_specs=pl.BlockSpec((blk, D), lambda i: (i, 0)),
        out_shape=jax.ShapeDtypeStruct((N, D), jnp.float32),
    )


def kernel(nfeats, efeats, edge_index, W1, W2, W3, W_ih, W_hh, b_ih, b_hh):
    N, D = nfeats.shape
    E = efeats.shape[0]
    W = D + 16
    info = plsc.get_sparse_core_info()
    NC, NS = info.num_cores, info.num_subcores
    NW = NC * NS
    NCHUNK = (E // NW) // _CH

    src = edge_index[0].reshape(NW, NCHUNK, _CH)
    dst = edge_index[1].reshape(NW, NCHUNK, _CH)

    sp, dp = _make_tc1(N, D, 2000)(nfeats, W1[:D], W1[D:2 * D])
    g = _make_sc1(E, D, NC, NS)(sp, dp, src, dst)
    e, p = _make_tc2(E, D, W, 3200)(g, efeats, W1[2 * D:], W2, W3)
    mtab = _make_sc2(E, N, D, W, NC, NS)(p, edge_index[1].reshape(NW, E // NW))
    h_new = _make_tc3(N, D, W, 2000)(
        mtab[0], mtab[1], nfeats, W_ih, W_hh,
        b_ih.reshape(1, 3 * D), b_hh.reshape(1, 3 * D))
    return (h_new, e)

# --- scband reference (transcript-rebuilt; emitter-appended) ---
"""Pipeline reference for scband-dticonv-graph12-layer-68745246539843 (READ-ONLY COPY).

The authoritative reference and input builder live on the scoring server;
editing this copy changes nothing except your own understanding.
"""

import jax, jax.numpy as jnp
import numpy as np

N = 10000
E = 320000
D = 128

def leaky(x):
    return jnp.where(x >= 0, x, 0.01 * x)

def setup_inputs(seed: int = 0) -> dict:
    key = jax.random.key(seed)
    ks = jax.random.split(key, 12)
    nfeats = jax.random.normal(ks[0], (N, D), dtype=jnp.float32)
    efeats = jax.random.normal(ks[1], (E, D), dtype=jnp.float32)
    edge_index = jax.random.randint(ks[2], (2, E), 0, N, dtype=jnp.int32)
    W1 = jax.random.normal(ks[3], (3 * D, D), dtype=jnp.float32) * 0.05
    W2 = jax.random.normal(ks[4], (D, 1), dtype=jnp.float32) * 0.05
    W3 = jax.random.normal(ks[5], (D, D), dtype=jnp.float32) * 0.05
    W_ih = jax.random.normal(ks[6], (D, 3 * D), dtype=jnp.float32) * 0.05
    W_hh = jax.random.normal(ks[7], (D, 3 * D), dtype=jnp.float32) * 0.05
    b_ih = jax.random.normal(ks[8], (3 * D,), dtype=jnp.float32) * 0.05
    b_hh = jax.random.normal(ks[9], (3 * D,), dtype=jnp.float32) * 0.05
    return {"nfeats": nfeats, "efeats": efeats, "edge_index": edge_index,
            "W1": W1, "W2": W2, "W3": W3,
            "W_ih": W_ih, "W_hh": W_hh, "b_ih": b_ih, "b_hh": b_hh}

def reference(nfeats, efeats, edge_index, W1, W2, W3, W_ih, W_hh, b_ih, b_hh):
    src = edge_index[0]
    dst = edge_index[1]
    # edge_update: w1 = Linear + LeakyReLU, then extra leaky_relu in edge_update
    h_src = jnp.take(nfeats, src, axis=0)
    h_dst = jnp.take(nfeats, dst, axis=0)
    e = leaky(leaky(jnp.concatenate([h_src, h_dst, efeats], axis=-1) @ W1))
    # attention logits: w2 = Linear + LeakyReLU, then extra leaky_relu
    logits = leaky(leaky(e @ W2))  # [E, 1]
    # edge_softmax over incoming edges per destination node
    mx = jax.ops.segment_max(logits, dst, num_segments=N)
    mx = jax.lax.stop_gradient(mx)
    ex = jnp.exp(logits - jnp.take(mx, dst, axis=0))
    denom = jax.ops.segment_sum(ex, dst, num_segments=N)
    a = ex / jnp.take(denom, dst, axis=0)
    # message: a * w3(e), w3 = Linear + LeakyReLU; sum-aggregate to dst
    msg = a * leaky(e @ W3)
    m = jax.ops.segment_sum(msg, dst, num_segments=N)
    m = jax.nn.elu(m)
    # node_update: GRUCell(m, h), torch gate order (r, z, n)
    gi = m @ W_ih + b_ih
    gh = nfeats @ W_hh + b_hh
    ir, iz, inn = jnp.split(gi, 3, axis=-1)
    hr, hz, hn = jnp.split(gh, 3, axis=-1)
    r = jax.nn.sigmoid(ir + hr)
    z = jax.nn.sigmoid(iz + hz)
    n = jnp.tanh(inn + r * hn)
    h_new = (1.0 - z) * n + z * nfeats
    h_new = jax.nn.relu(h_new)
    return (h_new, e)

if __name__ == "__main__":
    import jax
    _d = setup_inputs()
    print(jax.jit(kernel)(*tuple(_d.values())))

</pallas_src>

<mosaic_0001>
#map = affine_map<(d0, d1) -> (0, 0)>
#map1 = affine_map<(d0, d1) -> (0, 0, 0)>
module attributes {stable_mosaic.version = 14 : i64} {
  func.func @sc2(%arg0: i32, %arg1: i32, %arg2: memref<320000x144xf32, #tpu.memory_space<hbm>>, %arg3: memref<32x10000xi32, #tpu.memory_space<hbm>>, %arg4: memref<2x10000x144xf32, #tpu.memory_space<hbm>>, %arg5: memref<10000xi32, #tpu.memory_space<vmem>>, %arg6: memref<160x144xf32, #tpu.memory_space<vmem>>, %arg7: memref<10000x144xf32, #tpu.memory_space<vmem_shared>>, %arg8: memref<2x!tpu.dma_semaphore, #tpu.memory_space<semaphore_mem>>) attributes {dimension_semantics = [#tpu.dimension_semantics<core_parallel>, #tpu.dimension_semantics<subcore_parallel>], iteration_bounds = array<i64: 2, 16>, scalar_prefetch = 0 : i64, scratch_operands = 4 : i64, tpu.core_type = #tpu.core_type<sc_vector_subcore>, window_params = [{transform_indices = #map}, {transform_indices = #map}, {transform_indices = #map1}]} {
    %mul3A = arith.constant 2 : i32
    %mul3A_0 = arith.muli %arg1, %mul3A : i32
    %add3A = arith.addi %mul3A_0, %arg0 : i32
    %mul3A_1 = arith.constant 10000 : i32
    %mul3A_2 = arith.muli %add3A, %mul3A_1 : i32
    %sub3A = arith.constant 125 : i32
    %sub3A_3 = arith.subi %sub3A, %arg1 : i32
    %add3A_4 = arith.constant 16 : i32
    %add3A_5 = arith.addi %sub3A_3, %add3A_4 : i32
    %sub3A_6 = arith.constant 1 : i32
    %sub3A_7 = arith.subi %add3A_5, %sub3A_6 : i32
    %jit3A = arith.constant 16 : i32
    %div3A = arith.divsi %sub3A_7, %jit3A : i32
    %sign3A = arith.constant 0 : i32
    %sign3A_8 = arith.cmpi sgt, %sub3A_7, %sign3A : i32
    %sign3A_9 = arith.extui %sign3A_8 : i1 to i32
    %sign3A_10 = arith.constant 0 : i32
    %sign3A_11 = arith.cmpi slt, %sub3A_7, %sign3A_10 : i32
    %sign3A_12 = arith.extui %sign3A_11 : i1 to i32
    %sign3A_13 = arith.subi %sign3A_9, %sign3A_12 : i32
    %sign3A_14 = arith.constant 0 : i32
    %sign3A_15 = arith.cmpi sgt, %jit3A, %sign3A_14 : i32
    %sign3A_16 = arith.extui %sign3A_15 : i1 to i32
    %sign3A_17 = arith.constant 0 : i32
    %sign3A_18 = arith.cmpi slt, %jit3A, %sign3A_17 : i32
    %sign3A_19 = arith.extui %sign3A_18 : i1 to i32
    %sign3A_20 = arith.subi %sign3A_16, %sign3A_19 : i32
    %ne3A = arith.cmpi ne, %sign3A_13, %sign3A_20 : i32
    %rem3A = arith.remsi %sub3A_7, %jit3A : i32
    %ne3A_21 = arith.constant 0 : i32
    %ne3A_22 = arith.cmpi ne, %rem3A, %ne3A_21 : i32
    %and3A = arith.andi %ne3A, %ne3A_22 : i1
    %sub3A_23 = arith.constant 1 : i32
    %sub3A_24 = arith.subi %div3A, %sub3A_23 : i32
    %select_n3A = arith.select %and3A, %sub3A_24, %div3A : i32
    "tpu.region"() ({
      %run_scoped3A = tpu.sem_alloc : memref<!tpu.dma_semaphore, #tpu.memory_space<semaphore_mem>>
      %dma_start3A_88 = arith.constant 0 : i32
      %dma_start3A_89 = tpu.memref_slice %arg3[%add3A, %dma_start3A_88] : memref<32x10000xi32, #tpu.memory_space<hbm>> -> memref<1x10000xi32, #tpu.memory_space<hbm>>
      %dma_start3A_90 = tpu.memref_squeeze %dma_start3A_89 : memref<1x10000xi32, #tpu.memory_space<hbm>> -> memref<10000xi32, #tpu.memory_space<hbm>>
      %dma_start3A_91 = arith.constant 0 : i32
      %dma_start3A_92 = tpu.memref_slice %arg3[%add3A, %dma_start3A_91] : memref<32x10000xi32, #tpu.memory_space<hbm>> -> memref<1x10000xi32, #tpu.memory_space<hbm>>
      %dma_start3A_93 = tpu.memref_squeeze %dma_start3A_92 : memref<1x10000xi32, #tpu.memory_space<hbm>> -> memref<10000xi32, #tpu.memory_space<hbm>>
      tpu.enqueue_dma source(%dma_start3A_93 : memref<10000xi32, #tpu.memory_space<hbm>>) target(%arg5 : memref<10000xi32, #tpu.memory_space<vmem>>) target_semaphore(%run_scoped3A : memref<!tpu.dma_semaphore, #tpu.memory_space<semaphore_mem>>)
      %dma_wait3A = arith.constant 0 : i32
      %dma_wait3A_94 = tpu.memref_slice %arg3[%add3A, %dma_wait3A] : memref<32x10000xi32, #tpu.memory_space<hbm>> -> memref<1x10000xi32, #tpu.memory_space<hbm>>
      %dma_wait3A_95 = tpu.memref_squeeze %dma_wait3A_94 : memref<1x10000xi32, #tpu.memory_space<hbm>> -> memref<10000xi32, #tpu.memory_space<hbm>>
      %dma_wait3A_96 = arith.constant 0 : i32
      %dma_wait3A_97 = tpu.memref_slice %arg3[%add3A, %dma_wait3A_96] : memref<32x10000xi32, #tpu.memory_space<hbm>> -> memref<1x10000xi32, #tpu.memory_space<hbm>>
      %dma_wait3A_98 = tpu.memref_squeeze %dma_wait3A_97 : memref<1x10000xi32, #tpu.memory_space<hbm>> -> memref<10000xi32, #tpu.memory_space<hbm>>
      tpu.wait_dma2 semaphore(%run_scoped3A : memref<!tpu.dma_semaphore, #tpu.memory_space<semaphore_mem>>) src(%dma_wait3A_98 : memref<10000xi32, #tpu.memory_space<hbm>>) dst(%arg5 : memref<10000xi32, #tpu.memory_space<vmem>>)
      tpu.yield
    }) : () -> ()
    %broadcast_in_dim3A = arith.constant 0.000000e+00 : f32
    %broadcast_in_dim3A_25 = vector.broadcast %broadcast_in_dim3A : f32 to vector<16xf32>
    %scan3A = arith.constant 0 : i32
    %scan3A_26 = arith.constant 0 : i32
    %scan3A_27 = arith.constant 80 : i32
    %scan3A_28 = arith.addi %scan3A_26, %scan3A_27 : i32
    %scan3A_29 = arith.constant 1 : i32
    scf.for %scan3A_88 = %scan3A_26 to %scan3A_28 step %scan3A_29  : i32 {
      %swap3A = arith.index_cast %scan3A_88 : i32 to index
      %swap3A_89 = arith.constant 0 : index
      %swap3A_90 = tpu.vector_load %arg6[%swap3A, %swap3A_89] {strides = array<i32>} : memref<160x144xf32, #tpu.memory_space<vmem>>, vector<16xf32>,
      tpu.vector_store %arg6[%swap3A, %swap3A_89], %broadcast_in_dim3A_25 {strides = array<i32>} : memref<160x144xf32, #tpu.memory_space<vmem>>, vector<16xf32>,
      %swap3A_91 = arith.index_cast %scan3A_88 : i32 to index
      %swap3A_92 = arith.constant 16 : index
      %swap3A_93 = tpu.vector_load %arg6[%swap3A_91, %swap3A_92] {strides = array<i32>} : memref<160x144xf32, #tpu.memory_space<vmem>>, vector<16xf32>,
      tpu.vector_store %arg6[%swap3A_91, %swap3A_92], %broadcast_in_dim3A_25 {strides = array<i32>} : memref<160x144xf32, #tpu.memory_space<vmem>>, vector<16xf32>,
      %swap3A_94 = arith.index_cast %scan3A_88 : i32 to index
      %swap3A_95 = arith.constant 32 : index
      %swap3A_96 = tpu.vector_load %arg6[%swap3A_94, %swap3A_95] {strides = array<i32>} : memref<160x144xf32, #tpu.memory_space<vmem>>, vector<16xf32>,
      tpu.vector_store %arg6[%swap3A_94, %swap3A_95], %broadcast_in_dim3A_25 {strides = array<i32>} : memref<160x144xf32, #tpu.memory_space<vmem>>, vector<16xf32>,
      %swap3A_97 = arith.index_cast %scan3A_88 : i32 to index
      %swap3A_98 = arith.constant 48 : index
      %swap3A_99 = tpu.vector_load %arg6[%swap3A_97, %swap3A_98] {strides = array<i32>} : memref<160x144xf32, #tpu.memory_space<vmem>>, vector<16xf32>,
      tpu.vector_store %arg6[%swap3A_97, %swap3A_98], %broadcast_in_dim3A_25 {strides = array<i32>} : memref<160x144xf32, #tpu.memory_space<vmem>>, vector<16xf32>,
      %swap3A_100 = arith.index_cast %scan3A_88 : i32 to index
      %swap3A_101 = arith.constant 64 : index
      %swap3A_102 = tpu.vector_load %arg6[%swap3A_100, %swap3A_101] {strides = array<i32>} : memref<160x144xf32, #tpu.memory_space<vmem>>, vector<16xf32>,
      tpu.vector_store %arg6[%swap3A_100, %swap3A_101], %broadcast_in_dim3A_25 {strides = array<i32>} : memref<160x144xf32, #tpu.memory_space<vmem>>, vector<16xf32>,
      %swap3A_103 = arith.index_cast %scan3A_88 : i32 to index
      %swap3A_104 = arith.constant 80 : index
      %swap3A_105 = tpu.vector_load %arg6[%swap3A_103, %swap3A_104] {strides = array<i32>} : memref<160x144xf32, #tpu.memory_space<vmem>>, vector<16xf32>,
      tpu.vector_store %arg6[%swap3A_103, %swap3A_104], %broadcast_in_dim3A_25 {strides = array<i32>} : memref<160x144xf32, #tpu.memory_space<vmem>>, vector<16xf32>,
      %swap3A_106 = arith.index_cast %scan3A_88 : i32 to index
      %swap3A_107 = arith.constant 96 : index
      %swap3A_108 = tpu.vector_load %arg6[%swap3A_106, %swap3A_107] {strides = array<i32>} : memref<160x144xf32, #tpu.memory_space<vmem>>, vector<16xf32>,
      tpu.vector_store %arg6[%swap3A_106, %swap3A_107], %broadcast_in_dim3A_25 {strides = array<i32>} : memref<160x144xf32, #tpu.memory_space<vmem>>, vector<16xf32>,
      %swap3A_109 = arith.index_cast %scan3A_88 : i32 to index
      %swap3A_110 = arith.constant 112 : index
      %swap3A_111 = tpu.vector_load %arg6[%swap3A_109, %swap3A_110] {strides = array<i32>} : memref<160x144xf32, #tpu.memory_space<vmem>>, vector<16xf32>,
      tpu.vector_store %arg6[%swap3A_109, %swap3A_110], %broadcast_in_dim3A_25 {strides = array<i32>} : memref<160x144xf32, #tpu.memory_space<vmem>>, vector<16xf32>,
      %swap3A_112 = arith.index_cast %scan3A_88 : i32 to index
      %swap3A_113 = arith.constant 128 : index
      %swap3A_114 = tpu.vector_load %arg6[%swap3A_112, %swap3A_113] {strides = array<i32>} : memref<160x144xf32, #tpu.memory_space<vmem>>, vector<16xf32>,
      tpu.vector_store %arg6[%swap3A_112, %swap3A_113], %broadcast_in_dim3A_25 {strides = array<i32>} : memref<160x144xf32, #tpu.memory_space<vmem>>, vector<16xf32>,
    }
    %scan3A_30 = arith.constant 80 : i32
    %while3A = arith.constant 0 : i32
    %while3A_31 = arith.constant 0 : i32
    %while3A_32 = arith.subi %select_n3A, %while3A_31 : i32
    %while3A_33 = arith.addi %while3A_31, %while3A_32 : i32
    %while3A_34 = arith.constant 1 : i32
    %while3A_35 = arith.divsi %while3A_32, %while3A_34 : i32
    %while3A_36 = arith.muli %while3A_35, %while3A_34 : i32
    %while3A_37 = arith.addi %while3A_31, %while3A_36 : i32
    %while3A_38 = arith.constant 1 : i32
    scf.for %while3A_88 = %while3A_31 to %while3A_37 step %while3A_38  : i32 {
      %mul3A_89 = arith.constant 16 : i32
      %mul3A_90 = arith.muli %while3A_88, %mul3A_89 : i32
      %add3A_91 = arith.addi %arg1, %mul3A_90 : i32
      %mul3A_92 = arith.constant 80 : i32
      %mul3A_93 = arith.muli %add3A_91, %mul3A_92 : i32
      "tpu.region"() ({
        %run_scoped3A = tpu.sem_alloc : memref<!tpu.dma_semaphore, #tpu.memory_space<semaphore_mem>>
        %dma_start3A_94 = arith.constant 0 : i32
        %dma_start3A_95 = arith.constant 0 : i32
        %dma_start3A_96 = tpu.memref_slice %arg6[%dma_start3A_94, %dma_start3A_95] : memref<160x144xf32, #tpu.memory_space<vmem>> -> memref<80x144xf32, #tpu.memory_space<vmem>>
        %dma_start3A_97 = arith.constant 0 : i32
        %dma_start3A_98 = tpu.memref_slice %arg7[%mul3A_93, %dma_start3A_97] : memref<10000x144xf32, #tpu.memory_space<vmem_shared>> -> memref<80x144xf32, #tpu.memory_space<vmem_shared>>
        %dma_start3A_99 = arith.constant 0 : i32
        %dma_start3A_100 = tpu.memref_slice %arg7[%mul3A_93, %dma_start3A_99] : memref<10000x144xf32, #tpu.memory_space<vmem_shared>> -> memref<80x144xf32, #tpu.memory_space<vmem_shared>>
        %dma_start3A_101 = arith.constant 0 : i32
        %dma_start3A_102 = arith.constant 0 : i32
        %dma_start3A_103 = tpu.memref_slice %arg6[%dma_start3A_101, %dma_start3A_102] : memref<160x144xf32, #tpu.memory_space<vmem>> -> memref<80x144xf32, #tpu.memory_space<vmem>>
        tpu.enqueue_dma source(%dma_start3A_103 : memref<80x144xf32, #tpu.memory_space<vmem>>) target(%dma_start3A_100 : memref<80x144xf32, #tpu.memory_space<vmem_shared>>) target_semaphore(%run_scoped3A : memref<!tpu.dma_semaphore, #tpu.memory_space<semaphore_mem>>)
        %dma_wait3A = arith.constant 0 : i32
        %dma_wait3A_104 = arith.constant 0 : i32
        %dma_wait3A_105 = tpu.memref_slice %arg6[%dma_wait3A, %dma_wait3A_104] : memref<160x144xf32, #tpu.memory_space<vmem>> -> memref<80x144xf32, #tpu.memory_space<vmem>>
        %dma_wait3A_106 = arith.constant 0 : i32
        %dma_wait3A_107 = tpu.memref_slice %arg7[%mul3A_93, %dma_wait3A_106] : memref<10000x144xf32, #tpu.memory_space<vmem_shared>> -> memref<80x144xf32, #tpu.memory_space<vmem_shared>>
        %dma_wait3A_108 = arith.constant 0 : i32
        %dma_wait3A_109 = tpu.memref_slice %arg7[%mul3A_93, %dma_wait3A_108] : memref<10000x144xf32, #tpu.memory_space<vmem_shared>> -> memref<80x144xf32, #tpu.memory_space<vmem_shared>>
        %dma_wait3A_110 = arith.constant 0 : i32
        %dma_wait3A_111 = arith.constant 0 : i32
        %dma_wait3A_112 = tpu.memref_slice %arg6[%dma_wait3A_110, %dma_wait3A_111] : memref<160x144xf32, #tpu.memory_space<vmem>> -> memref<80x144xf32, #tpu.memory_space<vmem>>
        tpu.wait_dma2 semaphore(%run_scoped3A : memref<!tpu.dma_semaphore, #tpu.memory_space<semaphore_mem>>) src(%dma_wait3A_112 : memref<80x144xf32, #tpu.memory_space<vmem>>) dst(%dma_wait3A_109 : memref<80x144xf32, #tpu.memory_space<vmem_shared>>)
        tpu.yield
      }) : () -> ()
    }
    %while3A_39 = arith.constant 1 : i32
    scf.for %while3A_88 = %while3A_37 to %while3A_33 step %while3A_39  : i32 {
      %mul3A_89 = arith.constant 16 : i32
      %mul3A_90 = arith.muli %while3A_88, %mul3A_89 : i32
      %add3A_91 = arith.addi %arg1, %mul3A_90 : i32
      %mul3A_92 = arith.constant 80 : i32
      %mul3A_93 = arith.muli %add3A_91, %mul3A_92 : i32
      "tpu.region"() ({
        %run_scoped3A = tpu.sem_alloc : memref<!tpu.dma_semaphore, #tpu.memory_space<semaphore_mem>>
        %dma_start3A_94 = arith.constant 0 : i32
        %dma_start3A_95 = arith.constant 0 : i32
        %dma_start3A_96 = tpu.memref_slice %arg6[%dma_start3A_94, %dma_start3A_95] : memref<160x144xf32, #tpu.memory_space<vmem>> -> memref<80x144xf32, #tpu.memory_space<vmem>>
        %dma_start3A_97 = arith.constant 0 : i32
        %dma_start3A_98 = tpu.memref_slice %arg7[%mul3A_93, %dma_start3A_97] : memref<10000x144xf32, #tpu.memory_space<vmem_shared>> -> memref<80x144xf32, #tpu.memory_space<vmem_shared>>
        %dma_start3A_99 = arith.constant 0 : i32
        %dma_start3A_100 = tpu.memref_slice %arg7[%mul3A_93, %dma_start3A_99] : memref<10000x144xf32, #tpu.memory_space<vmem_shared>> -> memref<80x144xf32, #tpu.memory_space<vmem_shared>>
        %dma_start3A_101 = arith.constant 0 : i32
        %dma_start3A_102 = arith.constant 0 : i32
        %dma_start3A_103 = tpu.memref_slice %arg6[%dma_start3A_101, %dma_start3A_102] : memref<160x144xf32, #tpu.memory_space<vmem>> -> memref<80x144xf32, #tpu.memory_space<vmem>>
        tpu.enqueue_dma source(%dma_start3A_103 : memref<80x144xf32, #tpu.memory_space<vmem>>) target(%dma_start3A_100 : memref<80x144xf32, #tpu.memory_space<vmem_shared>>) target_semaphore(%run_scoped3A : memref<!tpu.dma_semaphore, #tpu.memory_space<semaphore_mem>>)
        %dma_wait3A = arith.constant 0 : i32
        %dma_wait3A_104 = arith.constant 0 : i32
        %dma_wait3A_105 = tpu.memref_slice %arg6[%dma_wait3A, %dma_wait3A_104] : memref<160x144xf32, #tpu.memory_space<vmem>> -> memref<80x144xf32, #tpu.memory_space<vmem>>
        %dma_wait3A_106 = arith.constant 0 : i32
        %dma_wait3A_107 = tpu.memref_slice %arg7[%mul3A_93, %dma_wait3A_106] : memref<10000x144xf32, #tpu.memory_space<vmem_shared>> -> memref<80x144xf32, #tpu.memory_space<vmem_shared>>
        %dma_wait3A_108 = arith.constant 0 : i32
        %dma_wait3A_109 = tpu.memref_slice %arg7[%mul3A_93, %dma_wait3A_108] : memref<10000x144xf32, #tpu.memory_space<vmem_shared>> -> memref<80x144xf32, #tpu.memory_space<vmem_shared>>
        %dma_wait3A_110 = arith.constant 0 : i32
        %dma_wait3A_111 = arith.constant 0 : i32
        %dma_wait3A_112 = tpu.memref_slice %arg6[%dma_wait3A_110, %dma_wait3A_111] : memref<160x144xf32, #tpu.memory_space<vmem>> -> memref<80x144xf32, #tpu.memory_space<vmem>>
        tpu.wait_dma2 semaphore(%run_scoped3A : memref<!tpu.dma_semaphore, #tpu.memory_space<semaphore_mem>>) src(%dma_wait3A_112 : memref<80x144xf32, #tpu.memory_space<vmem>>) dst(%dma_wait3A_109 : memref<80x144xf32, #tpu.memory_space<vmem_shared>>)
        tpu.yield
      }) : () -> ()
    }
    %barrier3A = arith.constant 0 : index
    tpu.barrier barrier_id(%barrier3A)
    %add3A_40 = arith.constant 0 : i32
    %add3A_41 = arith.addi %mul3A_2, %add3A_40 : i32
    %dma_start3A = arith.constant 0 : i32
    %dma_start3A_42 = arith.constant 0 : i32
    %dma_start3A_43 = arith.constant 0 : i32
    %dma_start3A_44 = tpu.memref_slice %arg6[%dma_start3A_42, %dma_start3A_43] : memref<160x144xf32, #tpu.memory_space<vmem>> -> memref<80x144xf32, #tpu.memory_space<vmem>>
    %dma_start3A_45 = arith.constant 0 : i32
    %dma_start3A_46 = tpu.memref_slice %arg2[%add3A_41, %dma_start3A_45] : memref<320000x144xf32, #tpu.memory_space<hbm>> -> memref<80x144xf32, #tpu.memory_space<hbm>>
    %dma_start3A_47 = tpu.memref_slice %arg8[%dma_start3A] : memref<2x!tpu.dma_semaphore, #tpu.memory_space<semaphore_mem>> -> memref<1x!tpu.dma_semaphore, #tpu.memory_space<semaphore_mem>>
    %dma_start3A_48 = tpu.memref_squeeze %dma_start3A_47 : memref<1x!tpu.dma_semaphore, #tpu.memory_space<semaphore_mem>> -> memref<!tpu.dma_semaphore, #tpu.memory_space<semaphore_mem>>
    %dma_start3A_49 = arith.constant 0 : i32
    %dma_start3A_50 = arith.constant 0 : i32
    %dma_start3A_51 = tpu.memref_slice %arg6[%dma_start3A_49, %dma_start3A_50] : memref<160x144xf32, #tpu.memory_space<vmem>> -> memref<80x144xf32, #tpu.memory_space<vmem>>
    %dma_start3A_52 = arith.constant 0 : i32
    %dma_start3A_53 = tpu.memref_slice %arg2[%add3A_41, %dma_start3A_52] : memref<320000x144xf32, #tpu.memory_space<hbm>> -> memref<80x144xf32, #tpu.memory_space<hbm>>
    tpu.enqueue_dma source(%dma_start3A_53 : memref<80x144xf32, #tpu.memory_space<hbm>>) target(%dma_start3A_51 : memref<80x144xf32, #tpu.memory_space<vmem>>) target_semaphore(%dma_start3A_48 : memref<!tpu.dma_semaphore, #tpu.memory_space<semaphore_mem>>)
    %add3A_54 = arith.constant 80 : i32
    %add3A_55 = arith.addi %mul3A_2, %add3A_54 : i32
    %dma_start3A_56 = arith.constant 1 : i32
    %dma_start3A_57 = arith.constant 80 : i32
    %dma_start3A_58 = arith.constant 0 : i32
    %dma_start3A_59 = tpu.memref_slice %arg6[%dma_start3A_57, %dma_start3A_58] : memref<160x144xf32, #tpu.memory_space<vmem>> -> memref<80x144xf32, #tpu.memory_space<vmem>>
    %dma_start3A_60 = arith.constant 0 : i32
    %dma_start3A_61 = tpu.memref_slice %arg2[%add3A_55, %dma_start3A_60] : memref<320000x144xf32, #tpu.memory_space<hbm>> -> memref<80x144xf32, #tpu.memory_space<hbm>>
    %dma_start3A_62 = tpu.memref_slice %arg8[%dma_start3A_56] : memref<2x!tpu.dma_semaphore, #tpu.memory_space<semaphore_mem>> -> memref<1x!tpu.dma_semaphore, #tpu.memory_space<semaphore_mem>>
    %dma_start3A_63 = tpu.memref_squeeze %dma_start3A_62 : memref<1x!tpu.dma_semaphore, #tpu.memory_space<semaphore_mem>> -> memref<!tpu.dma_semaphore, #tpu.memory_space<semaphore_mem>>
    %dma_start3A_64 = arith.constant 80 : i32
    %dma_start3A_65 = arith.constant 0 : i32
    %dma_start3A_66 = tpu.memref_slice %arg6[%dma_start3A_64, %dma_start3A_65] : memref<160x144xf32, #tpu.memory_space<vmem>> -> memref<80x144xf32, #tpu.memory_space<vmem>>
    %dma_start3A_67 = arith.constant 0 : i32
    %dma_start3A_68 = tpu.memref_slice %arg2[%add3A_55, %dma_start3A_67] : memref<320000x144xf32, #tpu.memory_space<hbm>> -> memref<80x144xf32, #tpu.memory_space<hbm>>
    tpu.enqueue_dma source(%dma_start3A_68 : memref<80x144xf32, #tpu.memory_space<hbm>>) target(%dma_start3A_66 : memref<80x144xf32, #tpu.memory_space<vmem>>) target_semaphore(%dma_start3A_63 : memref<!tpu.dma_semaphore, #tpu.memory_space<semaphore_mem>>)
    %scan3A_69 = arith.constant 0 : i32
    %scan3A_70 = arith.constant 0 : i32
    %scan3A_71 = arith.constant 62 : i32
    %scan3A_72 = arith.addi %scan3A_70, %scan3A_71 : i32
    %scan3A_73 = arith.constant 1 : i32
    scf.for %scan3A_88 = %scan3A_70 to %scan3A_72 step %scan3A_73  : i32 {
      %mul3A_89 = arith.constant 2 : i32
      %mul3A_90 = arith.muli %scan3A_88, %mul3A_89 : i32
      %add3A_91 = arith.constant 0 : i32
      %add3A_92 = arith.addi %mul3A_90, %add3A_91 : i32
      %dma_wait3A = arith.constant 0 : i32
      %dma_wait3A_93 = arith.constant 0 : i32
      %dma_wait3A_94 = arith.constant 0 : i32
      %dma_wait3A_95 = tpu.memref_slice %arg6[%dma_wait3A_93, %dma_wait3A_94] : memref<160x144xf32, #tpu.memory_space<vmem>> -> memref<80x144xf32, #tpu.memory_space<vmem>>
      %dma_wait3A_96 = arith.constant 0 : i32
      %dma_wait3A_97 = tpu.memref_slice %arg2[%mul3A_2, %dma_wait3A_96] : memref<320000x144xf32, #tpu.memory_space<hbm>> -> memref<80x144xf32, #tpu.memory_space<hbm>>
      %dma_wait3A_98 = tpu.memref_slice %arg8[%dma_wait3A] : memref<2x!tpu.dma_semaphore, #tpu.memory_space<semaphore_mem>> -> memref<1x!tpu.dma_semaphore, #tpu.memory_space<semaphore_mem>>
      %dma_wait3A_99 = tpu.memref_squeeze %dma_wait3A_98 : memref<1x!tpu.dma_semaphore, #tpu.memory_space<semaphore_mem>> -> memref<!tpu.dma_semaphore, #tpu.memory_space<semaphore_mem>>
      %dma_wait3A_100 = arith.constant 0 : i32
      %dma_wait3A_101 = arith.constant 0 : i32
      %dma_wait3A_102 = tpu.memref_slice %arg6[%dma_wait3A_100, %dma_wait3A_101] : memref<160x144xf32, #tpu.memory_space<vmem>> -> memref<80x144xf32, #tpu.memory_space<vmem>>
      %dma_wait3A_103 = arith.constant 0 : i32
      %dma_wait3A_104 = tpu.memref_slice %arg2[%mul3A_2, %dma_wait3A_103] : memref<320000x144xf32, #tpu.memory_space<hbm>> -> memref<80x144xf32, #tpu.memory_space<hbm>>
      tpu.wait_dma2 semaphore(%dma_wait3A_99 : memref<!tpu.dma_semaphore, #tpu.memory_space<semaphore_mem>>) src(%dma_wait3A_104 : memref<80x144xf32, #tpu.memory_space<hbm>>) dst(%dma_wait3A_102 : memref<80x144xf32, #tpu.memory_space<vmem>>)
      %mul3A_105 = arith.constant 80 : i32
      %mul3A_106 = arith.muli %add3A_92, %mul3A_105 : i32
      "tpu.region"() ({
        %run_scoped3A = tpu.sem_alloc : memref<!tpu.dma_semaphore, #tpu.memory_space<semaphore_mem>>
        %dma_start3A_133 = arith.constant 0 : i32
        %dma_start3A_134 = arith.constant 0 : i32
        %dma_start3A_135 = tpu.memref_slice %arg6[%dma_start3A_133, %dma_start3A_134] : memref<160x144xf32, #tpu.memory_space<vmem>> -> memref<80x144xf32, #tpu.memory_space<vmem>>
        %dma_start3A_136 = tpu.memref_slice %arg5[%mul3A_106] : memref<10000xi32, #tpu.memory_space<vmem>> -> memref<80xi32, #tpu.memory_space<vmem>>
        %dma_start3A_137 = arith.constant 0 : i32
        %dma_start3A_138 = arith.constant 0 : i32
        %dma_start3A_139 = tpu.memref_slice %arg7[%dma_start3A_137, %dma_start3A_138] : memref<10000x144xf32, #tpu.memory_space<vmem_shared>> -> memref<10000x144xf32, #tpu.memory_space<vmem_shared>>
        tpu.enqueue_indirect_dma source(%dma_start3A_135 : memref<80x144xf32, #tpu.memory_space<vmem>>) target(%dma_start3A_139 : memref<10000x144xf32, #tpu.memory_space<vmem_shared>>) offsets(%dma_start3A_136 : memref<80xi32, #tpu.memory_space<vmem>>) semaphore(%run_scoped3A : memref<!tpu.dma_semaphore, #tpu.memory_space<semaphore_mem>>) {add = true}
        %dma_wait3A_140 = arith.constant 0 : i32
        %dma_wait3A_141 = arith.constant 0 : i32
        %dma_wait3A_142 = tpu.memref_slice %arg6[%dma_wait3A_140, %dma_wait3A_141] : memref<160x144xf32, #tpu.memory_space<vmem>> -> memref<80x144xf32, #tpu.memory_space<vmem>>
        %dma_wait3A_143 = tpu.memref_slice %arg5[%mul3A_106] : memref<10000xi32, #tpu.memory_space<vmem>> -> memref<80xi32, #tpu.memory_space<vmem>>
        %dma_wait3A_144 = arith.constant 0 : i32
        %dma_wait3A_145 = arith.constant 0 : i32
        %dma_wait3A_146 = tpu.memref_slice %arg7[%dma_wait3A_144, %dma_wait3A_145] : memref<10000x144xf32, #tpu.memory_space<vmem_shared>> -> memref<10000x144xf32, #tpu.memory_space<vmem_shared>>
        tpu.wait_indirect_dma semaphore(%run_scoped3A : memref<!tpu.dma_semaphore, #tpu.memory_space<semaphore_mem>>) src(%dma_wait3A_142 : memref<80x144xf32, #tpu.memory_space<vmem>>) dst(%dma_wait3A_146 : memref<10000x144xf32, #tpu.memory_space<vmem_shared>>)
        tpu.yield
      }) : () -> ()
      %lt3A = arith.constant 61 : i32
      %lt3A_107 = arith.cmpi slt, %scan3A_88, %lt3A : i32
      %convert_element_type3A = arith.extui %lt3A_107 : i1 to i32
      %cond3A = arith.constant 0 : i32
      %cond3A_108 = arith.cmpi ne, %convert_element_type3A, %cond3A : i32
      scf.if %cond3A_108 {
        %add3A_133 = arith.constant 2 : i32
        %add3A_134 = arith.addi %add3A_92, %add3A_133 : i32
        %mul3A_135 = arith.constant 80 : i32
        %mul3A_136 = arith.muli %add3A_134, %mul3A_135 : i32
        %add3A_137 = arith.addi %mul3A_2, %mul3A_136 : i32
        %dma_start3A_138 = arith.constant 0 : i32
        %dma_start3A_139 = arith.constant 0 : i32
        %dma_start3A_140 = arith.constant 0 : i32
        %dma_start3A_141 = tpu.memref_slice %arg6[%dma_start3A_139, %dma_start3A_140] : memref<160x144xf32, #tpu.memory_space<vmem>> -> memref<80x144xf32, #tpu.memory_space<vmem>>
        %dma_start3A_142 = arith.constant 0 : i32
        %dma_start3A_143 = tpu.memref_slice %arg2[%add3A_137, %dma_start3A_142] : memref<320000x144xf32, #tpu.memory_space<hbm>> -> memref<80x144xf32, #tpu.memory_space<hbm>>
        %dma_start3A_144 = tpu.memref_slice %arg8[%dma_start3A_138] : memref<2x!tpu.dma_semaphore, #tpu.memory_space<semaphore_mem>> -> memref<1x!tpu.dma_semaphore, #tpu.memory_space<semaphore_mem>>
        %dma_start3A_145 = tpu.memref_squeeze %dma_start3A_144 : memref<1x!tpu.dma_semaphore, #tpu.memory_space<semaphore_mem>> -> memref<!tpu.dma_semaphore, #tpu.memory_space<semaphore_mem>>
        %dma_start3A_146 = arith.constant 0 : i32
        %dma_start3A_147 = arith.constant 0 : i32
        %dma_start3A_148 = tpu.memref_slice %arg6[%dma_start3A_146, %dma_start3A_147] : memref<160x144xf32, #tpu.memory_space<vmem>> -> memref<80x144xf32, #tpu.memory_space<vmem>>
        %dma_start3A_149 = arith.constant 0 : i32
        %dma_start3A_150 = tpu.memref_slice %arg2[%add3A_137, %dma_start3A_149] : memref<320000x144xf32, #tpu.memory_space<hbm>> -> memref<80x144xf32, #tpu.memory_space<hbm>>
        tpu.enqueue_dma source(%dma_start3A_150 : memref<80x144xf32, #tpu.memory_space<hbm>>) target(%dma_start3A_148 : memref<80x144xf32, #tpu.memory_space<vmem>>) target_semaphore(%dma_start3A_145 : memref<!tpu.dma_semaphore, #tpu.memory_space<semaphore_mem>>)
      } else {
      }
      %mul3A_109 = arith.constant 2 : i32
      %mul3A_110 = arith.muli %scan3A_88, %mul3A_109 : i32
      %add3A_111 = arith.constant 1 : i32
      %add3A_112 = arith.addi %mul3A_110, %add3A_111 : i32
      %dma_wait3A_113 = arith.constant 1 : i32
      %dma_wait3A_114 = arith.constant 80 : i32
      %dma_wait3A_115 = arith.constant 0 : i32
      %dma_wait3A_116 = tpu.memref_slice %arg6[%dma_wait3A_114, %dma_wait3A_115] : memref<160x144xf32, #tpu.memory_space<vmem>> -> memref<80x144xf32, #tpu.memory_space<vmem>>
      %dma_wait3A_117 = arith.constant 0 : i32
      %dma_wait3A_118 = tpu.memref_slice %arg2[%mul3A_2, %dma_wait3A_117] : memref<320000x144xf32, #tpu.memory_space<hbm>> -> memref<80x144xf32, #tpu.memory_space<hbm>>
      %dma_wait3A_119 = tpu.memref_slice %arg8[%dma_wait3A_113] : memref<2x!tpu.dma_semaphore, #tpu.memory_space<semaphore_mem>> -> memref<1x!tpu.dma_semaphore, #tpu.memory_space<semaphore_mem>>
      %dma_wait3A_120 = tpu.memref_squeeze %dma_wait3A_119 : memref<1x!tpu.dma_semaphore, #tpu.memory_space<semaphore_mem>> -> memref<!tpu.dma_semaphore, #tpu.memory_space<semaphore_mem>>
      %dma_wait3A_121 = arith.constant 80 : i32
      %dma_wait3A_122 = arith.constant 0 : i32
      %dma_wait3A_123 = tpu.memref_slice %arg6[%dma_wait3A_121, %dma_wait3A_122] : memref<160x144xf32, #tpu.memory_space<vmem>> -> memref<80x144xf32, #tpu.memory_space<vmem>>
      %dma_wait3A_124 = arith.constant 0 : i32
      %dma_wait3A_125 = tpu.memref_slice %arg2[%mul3A_2, %dma_wait3A_124] : memref<320000x144xf32, #tpu.memory_space<hbm>> -> memref<80x144xf32, #tpu.memory_space<hbm>>
      tpu.wait_dma2 semaphore(%dma_wait3A_120 : memref<!tpu.dma_semaphore, #tpu.memory_space<semaphore_mem>>) src(%dma_wait3A_125 : memref<80x144xf32, #tpu.memory_space<hbm>>) dst(%dma_wait3A_123 : memref<80x144xf32, #tpu.memory_space<vmem>>)
      %mul3A_126 = arith.constant 80 : i32
      %mul3A_127 = arith.muli %add3A_112, %mul3A_126 : i32
      "tpu.region"() ({
        %run_scoped3A = tpu.sem_alloc : memref<!tpu.dma_semaphore, #tpu.memory_space<semaphore_mem>>
        %dma_start3A_133 = arith.constant 80 : i32
        %dma_start3A_134 = arith.constant 0 : i32
        %dma_start3A_135 = tpu.memref_slice %arg6[%dma_start3A_133, %dma_start3A_134] : memref<160x144xf32, #tpu.memory_space<vmem>> -> memref<80x144xf32, #tpu.memory_space<vmem>>
        %dma_start3A_136 = tpu.memref_slice %arg5[%mul3A_127] : memref<10000xi32, #tpu.memory_space<vmem>> -> memref<80xi32, #tpu.memory_space<vmem>>
        %dma_start3A_137 = arith.constant 0 : i32
        %dma_start3A_138 = arith.constant 0 : i32
        %dma_start3A_139 = tpu.memref_slice %arg7[%dma_start3A_137, %dma_start3A_138] : memref<10000x144xf32, #tpu.memory_space<vmem_shared>> -> memref<10000x144xf32, #tpu.memory_space<vmem_shared>>
        tpu.enqueue_indirect_dma source(%dma_start3A_135 : memref<80x144xf32, #tpu.memory_space<vmem>>) target(%dma_start3A_139 : memref<10000x144xf32, #tpu.memory_space<vmem_shared>>) offsets(%dma_start3A_136 : memref<80xi32, #tpu.memory_space<vmem>>) semaphore(%run_scoped3A : memref<!tpu.dma_semaphore, #tpu.memory_space<semaphore_mem>>) {add = true}
        %dma_wait3A_140 = arith.constant 80 : i32
        %dma_wait3A_141 = arith.constant 0 : i32
        %dma_wait3A_142 = tpu.memref_slice %arg6[%dma_wait3A_140, %dma_wait3A_141] : memref<160x144xf32, #tpu.memory_space<vmem>> -> memref<80x144xf32, #tpu.memory_space<vmem>>
        %dma_wait3A_143 = tpu.memref_slice %arg5[%mul3A_127] : memref<10000xi32, #tpu.memory_space<vmem>> -> memref<80xi32, #tpu.memory_space<vmem>>
        %dma_wait3A_144 = arith.constant 0 : i32
        %dma_wait3A_145 = arith.constant 0 : i32
        %dma_wait3A_146 = tpu.memref_slice %arg7[%dma_wait3A_144, %dma_wait3A_145] : memref<10000x144xf32, #tpu.memory_space<vmem_shared>> -> memref<10000x144xf32, #tpu.memory_space<vmem_shared>>
        tpu.wait_indirect_dma semaphore(%run_scoped3A : memref<!tpu.dma_semaphore, #tpu.memory_space<semaphore_mem>>) src(%dma_wait3A_142 : memref<80x144xf32, #tpu.memory_space<vmem>>) dst(%dma_wait3A_146 : memref<10000x144xf32, #tpu.memory_space<vmem_shared>>)
        tpu.yield
      }) : () -> ()
      %lt3A_128 = arith.constant 61 : i32
      %lt3A_129 = arith.cmpi slt, %scan3A_88, %lt3A_128 : i32
      %convert_element_type3A_130 = arith.extui %lt3A_129 : i1 to i32
      %cond3A_131 = arith.constant 0 : i32
      %cond3A_132 = arith.cmpi ne, %convert_element_type3A_130, %cond3A_131 : i32
      scf.if %cond3A_132 {
        %add3A_133 = arith.constant 2 : i32
        %add3A_134 = arith.addi %add3A_112, %add3A_133 : i32
        %mul3A_135 = arith.constant 80 : i32
        %mul3A_136 = arith.muli %add3A_134, %mul3A_135 : i32
        %add3A_137 = arith.addi %mul3A_2, %mul3A_136 : i32
        %dma_start3A_138 = arith.constant 1 : i32
        %dma_start3A_139 = arith.constant 80 : i32
        %dma_start3A_140 = arith.constant 0 : i32
        %dma_start3A_141 = tpu.memref_slice %arg6[%dma_start3A_139, %dma_start3A_140] : memref<160x144xf32, #tpu.memory_space<vmem>> -> memref<80x144xf32, #tpu.memory_space<vmem>>
        %dma_start3A_142 = arith.constant 0 : i32
        %dma_start3A_143 = tpu.memref_slice %arg2[%add3A_137, %dma_start3A_142] : memref<320000x144xf32, #tpu.memory_space<hbm>> -> memref<80x144xf32, #tpu.memory_space<hbm>>
        %dma_start3A_144 = tpu.memref_slice %arg8[%dma_start3A_138] : memref<2x!tpu.dma_semaphore, #tpu.memory_space<semaphore_mem>> -> memref<1x!tpu.dma_semaphore, #tpu.memory_space<semaphore_mem>>
        %dma_start3A_145 = tpu.memref_squeeze %dma_start3A_144 : memref<1x!tpu.dma_semaphore, #tpu.memory_space<semaphore_mem>> -> memref<!tpu.dma_semaphore, #tpu.memory_space<semaphore_mem>>
        %dma_start3A_146 = arith.constant 80 : i32
        %dma_start3A_147 = arith.constant 0 : i32
        %dma_start3A_148 = tpu.memref_slice %arg6[%dma_start3A_146, %dma_start3A_147] : memref<160x144xf32, #tpu.memory_space<vmem>> -> memref<80x144xf32, #tpu.memory_space<vmem>>
        %dma_start3A_149 = arith.constant 0 : i32
        %dma_start3A_150 = tpu.memref_slice %arg2[%add3A_137, %dma_start3A_149] : memref<320000x144xf32, #tpu.memory_space<hbm>> -> memref<80x144xf32, #tpu.memory_space<hbm>>
        tpu.enqueue_dma source(%dma_start3A_150 : memref<80x144xf32, #tpu.memory_space<hbm>>) target(%dma_start3A_148 : memref<80x144xf32, #tpu.memory_space<vmem>>) target_semaphore(%dma_start3A_145 : memref<!tpu.dma_semaphore, #tpu.memory_space<semaphore_mem>>)
      } else {
      }
    }
    %scan3A_74 = arith.constant 62 : i32
    %add3A_75 = arith.constant 9920 : i32
    %add3A_76 = arith.addi %mul3A_2, %add3A_75 : i32
    "tpu.region"() ({
      %run_scoped3A = tpu.sem_alloc : memref<!tpu.dma_semaphore, #tpu.memory_space<semaphore_mem>>
      %dma_start3A_88 = arith.constant 0 : i32
      %dma_start3A_89 = arith.constant 0 : i32
      %dma_start3A_90 = tpu.memref_slice %arg6[%dma_start3A_88, %dma_start3A_89] : memref<160x144xf32, #tpu.memory_space<vmem>> -> memref<80x144xf32, #tpu.memory_space<vmem>>
      %dma_start3A_91 = arith.constant 0 : i32
      %dma_start3A_92 = tpu.memref_slice %arg2[%add3A_76, %dma_start3A_91] : memref<320000x144xf32, #tpu.memory_space<hbm>> -> memref<80x144xf32, #tpu.memory_space<hbm>>
      %dma_start3A_93 = arith.constant 0 : i32
      %dma_start3A_94 = arith.constant 0 : i32
      %dma_start3A_95 = tpu.memref_slice %arg6[%dma_start3A_93, %dma_start3A_94] : memref<160x144xf32, #tpu.memory_space<vmem>> -> memref<80x144xf32, #tpu.memory_space<vmem>>
      %dma_start3A_96 = arith.constant 0 : i32
      %dma_start3A_97 = tpu.memref_slice %arg2[%add3A_76, %dma_start3A_96] : memref<320000x144xf32, #tpu.memory_space<hbm>> -> memref<80x144xf32, #tpu.memory_space<hbm>>
      tpu.enqueue_dma source(%dma_start3A_97 : memref<80x144xf32, #tpu.memory_space<hbm>>) target(%dma_start3A_95 : memref<80x144xf32, #tpu.memory_space<vmem>>) target_semaphore(%run_scoped3A : memref<!tpu.dma_semaphore, #tpu.memory_space<semaphore_mem>>)
      %dma_wait3A = arith.constant 0 : i32
      %dma_wait3A_98 = arith.constant 0 : i32
      %dma_wait3A_99 = tpu.memref_slice %arg6[%dma_wait3A, %dma_wait3A_98] : memref<160x144xf32, #tpu.memory_space<vmem>> -> memref<80x144xf32, #tpu.memory_space<vmem>>
      %dma_wait3A_100 = arith.constant 0 : i32
      %dma_wait3A_101 = tpu.memref_slice %arg2[%add3A_76, %dma_wait3A_100] : memref<320000x144xf32, #tpu.memory_space<hbm>> -> memref<80x144xf32, #tpu.memory_space<hbm>>
      %dma_wait3A_102 = arith.constant 0 : i32
      %dma_wait3A_103 = arith.constant 0 : i32
      %dma_wait3A_104 = tpu.memref_slice %arg6[%dma_wait3A_102, %dma_wait3A_103] : memref<160x144xf32, #tpu.memory_space<vmem>> -> memref<80x144xf32, #tpu.memory_space<vmem>>
      %dma_wait3A_105 = arith.constant 0 : i32
      %dma_wait3A_106 = tpu.memref_slice %arg2[%add3A_76, %dma_wait3A_105] : memref<320000x144xf32, #tpu.memory_space<hbm>> -> memref<80x144xf32, #tpu.memory_space<hbm>>
      tpu.wait_dma2 semaphore(%run_scoped3A : memref<!tpu.dma_semaphore, #tpu.memory_space<semaphore_mem>>) src(%dma_wait3A_106 : memref<80x144xf32, #tpu.memory_space<hbm>>) dst(%dma_wait3A_104 : memref<80x144xf32, #tpu.memory_space<vmem>>)
      tpu.yield
    }) : () -> ()
    "tpu.region"() ({
      %run_scoped3A = tpu.sem_alloc : memref<!tpu.dma_semaphore, #tpu.memory_space<semaphore_mem>>
      %dma_start3A_88 = arith.constant 0 : i32
      %dma_start3A_89 = arith.constant 0 : i32
      %dma_start3A_90 = tpu.memref_slice %arg6[%dma_start3A_88, %dma_start3A_89] : memref<160x144xf32, #tpu.memory_space<vmem>> -> memref<80x144xf32, #tpu.memory_space<vmem>>
      %dma_start3A_91 = arith.constant 9920 : i32
      %dma_start3A_92 = tpu.memref_slice %arg5[%dma_start3A_91] : memref<10000xi32, #tpu.memory_space<vmem>> -> memref<80xi32, #tpu.memory_space<vmem>>
      %dma_start3A_93 = arith.constant 0 : i32
      %dma_start3A_94 = arith.constant 0 : i32
      %dma_start3A_95 = tpu.memref_slice %arg7[%dma_start3A_93, %dma_start3A_94] : memref<10000x144xf32, #tpu.memory_space<vmem_shared>> -> memref<10000x144xf32, #tpu.memory_space<vmem_shared>>
      tpu.enqueue_indirect_dma source(%dma_start3A_90 : memref<80x144xf32, #tpu.memory_space<vmem>>) target(%dma_start3A_95 : memref<10000x144xf32, #tpu.memory_space<vmem_shared>>) offsets(%dma_start3A_92 : memref<80xi32, #tpu.memory_space<vmem>>) semaphore(%run_scoped3A : memref<!tpu.dma_semaphore, #tpu.memory_space<semaphore_mem>>) {add = true}
      %dma_wait3A = arith.constant 0 : i32
      %dma_wait3A_96 = arith.constant 0 : i32
      %dma_wait3A_97 = tpu.memref_slice %arg6[%dma_wait3A, %dma_wait3A_96] : memref<160x144xf32, #tpu.memory_space<vmem>> -> memref<80x144xf32, #tpu.memory_space<vmem>>
      %dma_wait3A_98 = arith.constant 9920 : i32
      %dma_wait3A_99 = tpu.memref_slice %arg5[%dma_wait3A_98] : memref<10000xi32, #tpu.memory_space<vmem>> -> memref<80xi32, #tpu.memory_space<vmem>>
      %dma_wait3A_100 = arith.constant 0 : i32
      %dma_wait3A_101 = arith.constant 0 : i32
      %dma_wait3A_102 = tpu.memref_slice %arg7[%dma_wait3A_100, %dma_wait3A_101] : memref<10000x144xf32, #tpu.memory_space<vmem_shared>> -> memref<10000x144xf32, #tpu.memory_space<vmem_shared>>
      tpu.wait_indirect_dma semaphore(%run_scoped3A : memref<!tpu.dma_semaphore, #tpu.memory_space<semaphore_mem>>) src(%dma_wait3A_97 : memref<80x144xf32, #tpu.memory_space<vmem>>) dst(%dma_wait3A_102 : memref<10000x144xf32, #tpu.memory_space<vmem_shared>>)
      tpu.yield
    }) : () -> ()
    %barrier3A_77 = arith.constant 0 : index
    tpu.barrier barrier_id(%barrier3A_77)
    %while3A_78 = arith.constant 0 : i32
    %while3A_79 = arith.constant 0 : i32
    %while3A_80 = arith.subi %select_n3A, %while3A_79 : i32
    %while3A_81 = arith.addi %while3A_79, %while3A_80 : i32
    %while3A_82 = arith.constant 1 : i32
    %while3A_83 = arith.divsi %while3A_80, %while3A_82 : i32
    %while3A_84 = arith.muli %while3A_83, %while3A_82 : i32
    %while3A_85 = arith.addi %while3A_79, %while3A_84 : i32
    %while3A_86 = arith.constant 1 : i32
    scf.for %while3A_88 = %while3A_79 to %while3A_85 step %while3A_86  : i32 {
      %mul3A_89 = arith.constant 16 : i32
      %mul3A_90 = arith.muli %while3A_88, %mul3A_89 : i32
      %add3A_91 = arith.addi %arg1, %mul3A_90 : i32
      %mul3A_92 = arith.constant 80 : i32
      %mul3A_93 = arith.muli %add3A_91, %mul3A_92 : i32
      "tpu.region"() ({
        %run_scoped3A = tpu.sem_alloc : memref<!tpu.dma_semaphore, #tpu.memory_space<semaphore_mem>>
        %dma_start3A_94 = arith.constant 0 : i32
        %dma_start3A_95 = tpu.memref_slice %arg4[%arg0, %mul3A_93, %dma_start3A_94] : memref<2x10000x144xf32, #tpu.memory_space<hbm>> -> memref<1x80x144xf32, #tpu.memory_space<hbm>>
        %dma_start3A_96 = tpu.memref_squeeze %dma_start3A_95 : memref<1x80x144xf32, #tpu.memory_space<hbm>> -> memref<80x144xf32, #tpu.memory_space<hbm>>
        %dma_start3A_97 = arith.constant 0 : i32
        %dma_start3A_98 = tpu.memref_slice %arg7[%mul3A_93, %dma_start3A_97] : memref<10000x144xf32, #tpu.memory_space<vmem_shared>> -> memref<80x144xf32, #tpu.memory_space<vmem_shared>>
        tpu.enqueue_dma source(%dma_start3A_98 : memref<80x144xf32, #tpu.memory_space<vmem_shared>>) target(%dma_start3A_96 : memref<80x144xf32, #tpu.memory_space<hbm>>) target_semaphore(%run_scoped3A : memref<!tpu.dma_semaphore, #tpu.memory_space<semaphore_mem>>)
        %dma_wait3A = arith.constant 0 : i32
        %dma_wait3A_99 = tpu.memref_slice %arg4[%arg0, %mul3A_93, %dma_wait3A] : memref<2x10000x144xf32, #tpu.memory_space<hbm>> -> memref<1x80x144xf32, #tpu.memory_space<hbm>>
        %dma_wait3A_100 = tpu.memref_squeeze %dma_wait3A_99 : memref<1x80x144xf32, #tpu.memory_space<hbm>> -> memref<80x144xf32, #tpu.memory_space<hbm>>
        %dma_wait3A_101 = arith.constant 0 : i32
        %dma_wait3A_102 = tpu.memref_slice %arg7[%mul3A_93, %dma_wait3A_101] : memref<10000x144xf32, #tpu.memory_space<vmem_shared>> -> memref<80x144xf32, #tpu.memory_space<vmem_shared>>
        tpu.wait_dma2 semaphore(%run_scoped3A : memref<!tpu.dma_semaphore, #tpu.memory_space<semaphore_mem>>) src(%dma_wait3A_102 : memref<80x144xf32, #tpu.memory_space<vmem_shared>>) dst(%dma_wait3A_100 : memref<80x144xf32, #tpu.memory_space<hbm>>)
        tpu.yield
      }) : () -> ()
    }
    %while3A_87 = arith.constant 1 : i32
    scf.for %while3A_88 = %while3A_85 to %while3A_81 step %while3A_87  : i32 {
      %mul3A_89 = arith.constant 16 : i32
      %mul3A_90 = arith.muli %while3A_88, %mul3A_89 : i32
      %add3A_91 = arith.addi %arg1, %mul3A_90 : i32
      %mul3A_92 = arith.constant 80 : i32
      %mul3A_93 = arith.muli %add3A_91, %mul3A_92 : i32
      "tpu.region"() ({
        %run_scoped3A = tpu.sem_alloc : memref<!tpu.dma_semaphore, #tpu.memory_space<semaphore_mem>>
        %dma_start3A_94 = arith.constant 0 : i32
        %dma_start3A_95 = tpu.memref_slice %arg4[%arg0, %mul3A_93, %dma_start3A_94] : memref<2x10000x144xf32, #tpu.memory_space<hbm>> -> memref<1x80x144xf32, #tpu.memory_space<hbm>>
        %dma_start3A_96 = tpu.memref_squeeze %dma_start3A_95 : memref<1x80x144xf32, #tpu.memory_space<hbm>> -> memref<80x144xf32, #tpu.memory_space<hbm>>
        %dma_start3A_97 = arith.constant 0 : i32
        %dma_start3A_98 = tpu.memref_slice %arg7[%mul3A_93, %dma_start3A_97] : memref<10000x144xf32, #tpu.memory_space<vmem_shared>> -> memref<80x144xf32, #tpu.memory_space<vmem_shared>>
        tpu.enqueue_dma source(%dma_start3A_98 : memref<80x144xf32, #tpu.memory_space<vmem_shared>>) target(%dma_start3A_96 : memref<80x144xf32, #tpu.memory_space<hbm>>) target_semaphore(%run_scoped3A : memref<!tpu.dma_semaphore, #tpu.memory_space<semaphore_mem>>)
        %dma_wait3A = arith.constant 0 : i32
        %dma_wait3A_99 = tpu.memref_slice %arg4[%arg0, %mul3A_93, %dma_wait3A] : memref<2x10000x144xf32, #tpu.memory_space<hbm>> -> memref<1x80x144xf32, #tpu.memory_space<hbm>>
        %dma_wait3A_100 = tpu.memref_squeeze %dma_wait3A_99 : memref<1x80x144xf32, #tpu.memory_space<hbm>> -> memref<80x144xf32, #tpu.memory_space<hbm>>
        %dma_wait3A_101 = arith.constant 0 : i32
        %dma_wait3A_102 = tpu.memref_slice %arg7[%mul3A_93, %dma_wait3A_101] : memref<10000x144xf32, #tpu.memory_space<vmem_shared>> -> memref<80x144xf32, #tpu.memory_space<vmem_shared>>
        tpu.wait_dma2 semaphore(%run_scoped3A : memref<!tpu.dma_semaphore, #tpu.memory_space<semaphore_mem>>) src(%dma_wait3A_102 : memref<80x144xf32, #tpu.memory_space<vmem_shared>>) dst(%dma_wait3A_100 : memref<80x144xf32, #tpu.memory_space<hbm>>)
        tpu.yield
      }) : () -> ()
    }
    return
  }
}

#map = affine_map<(d0, d1) -> (0, 0)>
#map1 = affine_map<(d0, d1) -> (0, 0, 0)>
module attributes {stable_mosaic.version = 14 : i64} {
  func.func @sc1(%arg0: i32, %arg1: i32, %arg2: memref<10000x128xf32, #tpu.memory_space<hbm>>, %arg3: memref<10000x128xf32, #tpu.memory_space<hbm>>, %arg4: memref<32x125x80xi32, #tpu.memory_space<hbm>>, %arg5: memref<32x125x80xi32, #tpu.memory_space<hbm>>, %arg6: memref<320000x128xf32, #tpu.memory_space<hbm>>, %arg7: memref<125x80xi32, #tpu.memory_space<vmem>>, %arg8: memref<125x80xi32, #tpu.memory_space<vmem>>, %arg9: memref<240xi32, #tpu.memory_space<vmem>>, %arg10: memref<240x128xf32, #tpu.memory_space<vmem>>, %arg11: memref<240x128xf32, #tpu.memory_space<vmem>>, %arg12: memref<3840x128xf32, #tpu.memory_space<vmem_shared>>, %arg13: memref<3x!tpu.dma_semaphore, #tpu.memory_space<semaphore_mem>>, %arg14: memref<3x!tpu.dma_semaphore, #tpu.memory_space<semaphore_mem>>) attributes {dimension_semantics = [#tpu.dimension_semantics<core_parallel>, #tpu.dimension_semantics<subcore_parallel>], iteration_bounds = array<i64: 2, 16>, scalar_prefetch = 0 : i64, scratch_operands = 8 : i64, tpu.core_type = #tpu.core_type<sc_vector_subcore>, window_params = [{transform_indices = #map}, {transform_indices = #map}, {transform_indices = #map1}, {transform_indices = #map1}, {transform_indices = #map}]} {
    %mul3A = arith.constant 2 : i32
    %mul3A_0 = arith.muli %arg1, %mul3A : i32
    %add3A = arith.addi %mul3A_0, %arg0 : i32
    %mul3A_1 = arith.constant 10000 : i32
    %mul3A_2 = arith.muli %add3A, %mul3A_1 : i32
    %mul3A_3 = arith.constant 3 : i32
    %mul3A_4 = arith.muli %arg1, %mul3A_3 : i32
    %mul3A_5 = arith.constant 80 : i32
    %mul3A_6 = arith.muli %mul3A_4, %mul3A_5 : i32
    "tpu.region"() ({
      %run_scoped3A = tpu.sem_alloc : memref<!tpu.dma_semaphore, #tpu.memory_space<semaphore_mem>>
      %dma_start3A_299 = arith.constant 0 : i32
      %dma_start3A_300 = arith.constant 0 : i32
      %dma_start3A_301 = tpu.memref_slice %arg4[%add3A, %dma_start3A_299, %dma_start3A_300] : memref<32x125x80xi32, #tpu.memory_space<hbm>> -> memref<1x125x80xi32, #tpu.memory_space<hbm>>
      %dma_start3A_302 = tpu.memref_squeeze %dma_start3A_301 : memref<1x125x80xi32, #tpu.memory_space<hbm>> -> memref<125x80xi32, #tpu.memory_space<hbm>>
      %dma_start3A_303 = arith.constant 0 : i32
      %dma_start3A_304 = arith.constant 0 : i32
      %dma_start3A_305 = tpu.memref_slice %arg4[%add3A, %dma_start3A_303, %dma_start3A_304] : memref<32x125x80xi32, #tpu.memory_space<hbm>> -> memref<1x125x80xi32, #tpu.memory_space<hbm>>
      %dma_start3A_306 = tpu.memref_squeeze %dma_start3A_305 : memref<1x125x80xi32, #tpu.memory_space<hbm>> -> memref<125x80xi32, #tpu.memory_space<hbm>>
      tpu.enqueue_dma source(%dma_start3A_306 : memref<125x80xi32, #tpu.memory_space<hbm>>) target(%arg7 : memref<125x80xi32, #tpu.memory_space<vmem>>) target_semaphore(%run_scoped3A : memref<!tpu.dma_semaphore, #tpu.memory_space<semaphore_mem>>)
      %dma_wait3A_307 = arith.constant 0 : i32
      %dma_wait3A_308 = arith.constant 0 : i32
      %dma_wait3A_309 = tpu.memref_slice %arg4[%add3A, %dma_wait3A_307, %dma_wait3A_308] : memref<32x125x80xi32, #tpu.memory_space<hbm>> -> memref<1x125x80xi32, #tpu.memory_space<hbm>>
      %dma_wait3A_310 = tpu.memref_squeeze %dma_wait3A_309 : memref<1x125x80xi32, #tpu.memory_space<hbm>> -> memref<125x80xi32, #tpu.memory_space<hbm>>
      %dma_wait3A_311 = arith.constant 0 : i32
      %dma_wait3A_312 = arith.constant 0 : i32
      %dma_wait3A_313 = tpu.memref_slice %arg4[%add3A, %dma_wait3A_311, %dma_wait3A_312] : memref<32x125x80xi32, #tpu.memory_space<hbm>> -> memref<1x125x80xi32, #tpu.memory_space<hbm>>
      %dma_wait3A_314 = tpu.memref_squeeze %dma_wait3A_313 : memref<1x125x80xi32, #tpu.memory_space<hbm>> -> memref<125x80xi32, #tpu.memory_space<hbm>>
      tpu.wait_dma2 semaphore(%run_scoped3A : memref<!tpu.dma_semaphore, #tpu.memory_space<semaphore_mem>>) src(%dma_wait3A_314 : memref<125x80xi32, #tpu.memory_space<hbm>>) dst(%arg7 : memref<125x80xi32, #tpu.memory_space<vmem>>)
      tpu.yield
    }) : () -> ()
    "tpu.region"() ({
      %run_scoped3A = tpu.sem_alloc : memref<!tpu.dma_semaphore, #tpu.memory_space<semaphore_mem>>
      %dma_start3A_299 = arith.constant 0 : i32
      %dma_start3A_300 = arith.constant 0 : i32
      %dma_start3A_301 = tpu.memref_slice %arg5[%add3A, %dma_start3A_299, %dma_start3A_300] : memref<32x125x80xi32, #tpu.memory_space<hbm>> -> memref<1x125x80xi32, #tpu.memory_space<hbm>>
      %dma_start3A_302 = tpu.memref_squeeze %dma_start3A_301 : memref<1x125x80xi32, #tpu.memory_space<hbm>> -> memref<125x80xi32, #tpu.memory_space<hbm>>
      %dma_start3A_303 = arith.constant 0 : i32
      %dma_start3A_304 = arith.constant 0 : i32
      %dma_start3A_305 = tpu.memref_slice %arg5[%add3A, %dma_start3A_303, %dma_start3A_304] : memref<32x125x80xi32, #tpu.memory_space<hbm>> -> memref<1x125x80xi32, #tpu.memory_space<hbm>>
      %dma_start3A_306 = tpu.memref_squeeze %dma_start3A_305 : memref<1x125x80xi32, #tpu.memory_space<hbm>> -> memref<125x80xi32, #tpu.memory_space<hbm>>
      tpu.enqueue_dma source(%dma_start3A_306 : memref<125x80xi32, #tpu.memory_space<hbm>>) target(%arg8 : memref<125x80xi32, #tpu.memory_space<vmem>>) target_semaphore(%run_scoped3A : memref<!tpu.dma_semaphore, #tpu.memory_space<semaphore_mem>>)
      %dma_wait3A_307 = arith.constant 0 : i32
      %dma_wait3A_308 = arith.constant 0 : i32
      %dma_wait3A_309 = tpu.memref_slice %arg5[%add3A, %dma_wait3A_307, %dma_wait3A_308] : memref<32x125x80xi32, #tpu.memory_space<hbm>> -> memref<1x125x80xi32, #tpu.memory_space<hbm>>
      %dma_wait3A_310 = tpu.memref_squeeze %dma_wait3A_309 : memref<1x125x80xi32, #tpu.memory_space<hbm>> -> memref<125x80xi32, #tpu.memory_space<hbm>>
      %dma_wait3A_311 = arith.constant 0 : i32
      %dma_wait3A_312 = arith.constant 0 : i32
      %dma_wait3A_313 = tpu.memref_slice %arg5[%add3A, %dma_wait3A_311, %dma_wait3A_312] : memref<32x125x80xi32, #tpu.memory_space<hbm>> -> memref<1x125x80xi32, #tpu.memory_space<hbm>>
      %dma_wait3A_314 = tpu.memref_squeeze %dma_wait3A_313 : memref<1x125x80xi32, #tpu.memory_space<hbm>> -> memref<125x80xi32, #tpu.memory_space<hbm>>
      tpu.wait_dma2 semaphore(%run_scoped3A : memref<!tpu.dma_semaphore, #tpu.memory_space<semaphore_mem>>) src(%dma_wait3A_314 : memref<125x80xi32, #tpu.memory_space<hbm>>) dst(%arg8 : memref<125x80xi32, #tpu.memory_space<vmem>>)
      tpu.yield
    }) : () -> ()
    %iota3A = tpu.iota {dimensions = array<i32: 0>} : vector<16xi32>
    %add3A_7 = arith.constant 0 : i32
    %add3A_8 = arith.addi %mul3A_6, %add3A_7 : i32
    %add3A_9 = vector.broadcast %add3A_8 : i32 to vector<16xi32>
    %add3A_10 = arith.addi %iota3A, %add3A_9 : vector<16xi32>
    %swap3A = arith.constant 0 : index
    %swap3A_11 = tpu.vector_load %arg9[%swap3A] {strides = array<i32>} : memref<240xi32, #tpu.memory_space<vmem>>, vector<16xi32>,
    tpu.vector_store %arg9[%swap3A], %add3A_10 {strides = array<i32>} : memref<240xi32, #tpu.memory_space<vmem>>, vector<16xi32>,
    %iota3A_12 = tpu.iota {dimensions = array<i32: 0>} : vector<16xi32>
    %add3A_13 = arith.constant 16 : i32
    %add3A_14 = arith.addi %mul3A_6, %add3A_13 : i32
    %add3A_15 = vector.broadcast %add3A_14 : i32 to vector<16xi32>
    %add3A_16 = arith.addi %iota3A_12, %add3A_15 : vector<16xi32>
    %swap3A_17 = arith.constant 16 : index
    %swap3A_18 = tpu.vector_load %arg9[%swap3A_17] {strides = array<i32>} : memref<240xi32, #tpu.memory_space<vmem>>, vector<16xi32>,
    tpu.vector_store %arg9[%swap3A_17], %add3A_16 {strides = array<i32>} : memref<240xi32, #tpu.memory_space<vmem>>, vector<16xi32>,
    %iota3A_19 = tpu.iota {dimensions = array<i32: 0>} : vector<16xi32>
    %add3A_20 = arith.constant 32 : i32
    %add3A_21 = arith.addi %mul3A_6, %add3A_20 : i32
    %add3A_22 = vector.broadcast %add3A_21 : i32 to vector<16xi32>
    %add3A_23 = arith.addi %iota3A_19, %add3A_22 : vector<16xi32>
    %swap3A_24 = arith.constant 32 : index
    %swap3A_25 = tpu.vector_load %arg9[%swap3A_24] {strides = array<i32>} : memref<240xi32, #tpu.memory_space<vmem>>, vector<16xi32>,
    tpu.vector_store %arg9[%swap3A_24], %add3A_23 {strides = array<i32>} : memref<240xi32, #tpu.memory_space<vmem>>, vector<16xi32>,
    %iota3A_26 = tpu.iota {dimensions = array<i32: 0>} : vector<16xi32>
    %add3A_27 = arith.constant 48 : i32
    %add3A_28 = arith.addi %mul3A_6, %add3A_27 : i32
    %add3A_29 = vector.broadcast %add3A_28 : i32 to vector<16xi32>
    %add3A_30 = arith.addi %iota3A_26, %add3A_29 : vector<16xi32>
    %swap3A_31 = arith.constant 48 : index
    %swap3A_32 = tpu.vector_load %arg9[%swap3A_31] {strides = array<i32>} : memref<240xi32, #tpu.memory_space<vmem>>, vector<16xi32>,
    tpu.vector_store %arg9[%swap3A_31], %add3A_30 {strides = array<i32>} : memref<240xi32, #tpu.memory_space<vmem>>, vector<16xi32>,
    %iota3A_33 = tpu.iota {dimensions = array<i32: 0>} : vector<16xi32>
    %add3A_34 = arith.constant 64 : i32
    %add3A_35 = arith.addi %mul3A_6, %add3A_34 : i32
    %add3A_36 = vector.broadcast %add3A_35 : i32 to vector<16xi32>
    %add3A_37 = arith.addi %iota3A_33, %add3A_36 : vector<16xi32>
    %swap3A_38 = arith.constant 64 : index
    %swap3A_39 = tpu.vector_load %arg9[%swap3A_38] {strides = array<i32>} : memref<240xi32, #tpu.memory_space<vmem>>, vector<16xi32>,
    tpu.vector_store %arg9[%swap3A_38], %add3A_37 {strides = array<i32>} : memref<240xi32, #tpu.memory_space<vmem>>, vector<16xi32>,
    %iota3A_40 = tpu.iota {dimensions = array<i32: 0>} : vector<16xi32>
    %add3A_41 = arith.constant 80 : i32
    %add3A_42 = arith.addi %mul3A_6, %add3A_41 : i32
    %add3A_43 = vector.broadcast %add3A_42 : i32 to vector<16xi32>
    %add3A_44 = arith.addi %iota3A_40, %add3A_43 : vector<16xi32>
    %swap3A_45 = arith.constant 80 : index
    %swap3A_46 = tpu.vector_load %arg9[%swap3A_45] {strides = array<i32>} : memref<240xi32, #tpu.memory_space<vmem>>, vector<16xi32>,
    tpu.vector_store %arg9[%swap3A_45], %add3A_44 {strides = array<i32>} : memref<240xi32, #tpu.memory_space<vmem>>, vector<16xi32>,
    %iota3A_47 = tpu.iota {dimensions = array<i32: 0>} : vector<16xi32>
    %add3A_48 = arith.constant 96 : i32
    %add3A_49 = arith.addi %mul3A_6, %add3A_48 : i32
    %add3A_50 = vector.broadcast %add3A_49 : i32 to vector<16xi32>
    %add3A_51 = arith.addi %iota3A_47, %add3A_50 : vector<16xi32>
    %swap3A_52 = arith.constant 96 : index
    %swap3A_53 = tpu.vector_load %arg9[%swap3A_52] {strides = array<i32>} : memref<240xi32, #tpu.memory_space<vmem>>, vector<16xi32>,
    tpu.vector_store %arg9[%swap3A_52], %add3A_51 {strides = array<i32>} : memref<240xi32, #tpu.memory_space<vmem>>, vector<16xi32>,
    %iota3A_54 = tpu.iota {dimensions = array<i32: 0>} : vector<16xi32>
    %add3A_55 = arith.constant 112 : i32
    %add3A_56 = arith.addi %mul3A_6, %add3A_55 : i32
    %add3A_57 = vector.broadcast %add3A_56 : i32 to vector<16xi32>
    %add3A_58 = arith.addi %iota3A_54, %add3A_57 : vector<16xi32>
    %swap3A_59 = arith.constant 112 : index
    %swap3A_60 = tpu.vector_load %arg9[%swap3A_59] {strides = array<i32>} : memref<240xi32, #tpu.memory_space<vmem>>, vector<16xi32>,
    tpu.vector_store %arg9[%swap3A_59], %add3A_58 {strides = array<i32>} : memref<240xi32, #tpu.memory_space<vmem>>, vector<16xi32>,
    %iota3A_61 = tpu.iota {dimensions = array<i32: 0>} : vector<16xi32>
    %add3A_62 = arith.constant 128 : i32
    %add3A_63 = arith.addi %mul3A_6, %add3A_62 : i32
    %add3A_64 = vector.broadcast %add3A_63 : i32 to vector<16xi32>
    %add3A_65 = arith.addi %iota3A_61, %add3A_64 : vector<16xi32>
    %swap3A_66 = arith.constant 128 : index
    %swap3A_67 = tpu.vector_load %arg9[%swap3A_66] {strides = array<i32>} : memref<240xi32, #tpu.memory_space<vmem>>, vector<16xi32>,
    tpu.vector_store %arg9[%swap3A_66], %add3A_65 {strides = array<i32>} : memref<240xi32, #tpu.memory_space<vmem>>, vector<16xi32>,
    %iota3A_68 = tpu.iota {dimensions = array<i32: 0>} : vector<16xi32>
    %add3A_69 = arith.constant 144 : i32
    %add3A_70 = arith.addi %mul3A_6, %add3A_69 : i32
    %add3A_71 = vector.broadcast %add3A_70 : i32 to vector<16xi32>
    %add3A_72 = arith.addi %iota3A_68, %add3A_71 : vector<16xi32>
    %swap3A_73 = arith.constant 144 : index
    %swap3A_74 = tpu.vector_load %arg9[%swap3A_73] {strides = array<i32>} : memref<240xi32, #tpu.memory_space<vmem>>, vector<16xi32>,
    tpu.vector_store %arg9[%swap3A_73], %add3A_72 {strides = array<i32>} : memref<240xi32, #tpu.memory_space<vmem>>, vector<16xi32>,
    %iota3A_75 = tpu.iota {dimensions = array<i32: 0>} : vector<16xi32>
    %add3A_76 = arith.constant 160 : i32
    %add3A_77 = arith.addi %mul3A_6, %add3A_76 : i32
    %add3A_78 = vector.broadcast %add3A_77 : i32 to vector<16xi32>
    %add3A_79 = arith.addi %iota3A_75, %add3A_78 : vector<16xi32>
    %swap3A_80 = arith.constant 160 : index
    %swap3A_81 = tpu.vector_load %arg9[%swap3A_80] {strides = array<i32>} : memref<240xi32, #tpu.memory_space<vmem>>, vector<16xi32>,
    tpu.vector_store %arg9[%swap3A_80], %add3A_79 {strides = array<i32>} : memref<240xi32, #tpu.memory_space<vmem>>, vector<16xi32>,
    %iota3A_82 = tpu.iota {dimensions = array<i32: 0>} : vector<16xi32>
    %add3A_83 = arith.constant 176 : i32
    %add3A_84 = arith.addi %mul3A_6, %add3A_83 : i32
    %add3A_85 = vector.broadcast %add3A_84 : i32 to vector<16xi32>
    %add3A_86 = arith.addi %iota3A_82, %add3A_85 : vector<16xi32>
    %swap3A_87 = arith.constant 176 : index
    %swap3A_88 = tpu.vector_load %arg9[%swap3A_87] {strides = array<i32>} : memref<240xi32, #tpu.memory_space<vmem>>, vector<16xi32>,
    tpu.vector_store %arg9[%swap3A_87], %add3A_86 {strides = array<i32>} : memref<240xi32, #tpu.memory_space<vmem>>, vector<16xi32>,
    %iota3A_89 = tpu.iota {dimensions = array<i32: 0>} : vector<16xi32>
    %add3A_90 = arith.constant 192 : i32
    %add3A_91 = arith.addi %mul3A_6, %add3A_90 : i32
    %add3A_92 = vector.broadcast %add3A_91 : i32 to vector<16xi32>
    %add3A_93 = arith.addi %iota3A_89, %add3A_92 : vector<16xi32>
    %swap3A_94 = arith.constant 192 : index
    %swap3A_95 = tpu.vector_load %arg9[%swap3A_94] {strides = array<i32>} : memref<240xi32, #tpu.memory_space<vmem>>, vector<16xi32>,
    tpu.vector_store %arg9[%swap3A_94], %add3A_93 {strides = array<i32>} : memref<240xi32, #tpu.memory_space<vmem>>, vector<16xi32>,
    %iota3A_96 = tpu.iota {dimensions = array<i32: 0>} : vector<16xi32>
    %add3A_97 = arith.constant 208 : i32
    %add3A_98 = arith.addi %mul3A_6, %add3A_97 : i32
    %add3A_99 = vector.broadcast %add3A_98 : i32 to vector<16xi32>
    %add3A_100 = arith.addi %iota3A_96, %add3A_99 : vector<16xi32>
    %swap3A_101 = arith.constant 208 : index
    %swap3A_102 = tpu.vector_load %arg9[%swap3A_101] {strides = array<i32>} : memref<240xi32, #tpu.memory_space<vmem>>, vector<16xi32>,
    tpu.vector_store %arg9[%swap3A_101], %add3A_100 {strides = array<i32>} : memref<240xi32, #tpu.memory_space<vmem>>, vector<16xi32>,
    %iota3A_103 = tpu.iota {dimensions = array<i32: 0>} : vector<16xi32>
    %add3A_104 = arith.constant 224 : i32
    %add3A_105 = arith.addi %mul3A_6, %add3A_104 : i32
    %add3A_106 = vector.broadcast %add3A_105 : i32 to vector<16xi32>
    %add3A_107 = arith.addi %iota3A_103, %add3A_106 : vector<16xi32>
    %swap3A_108 = arith.constant 224 : index
    %swap3A_109 = tpu.vector_load %arg9[%swap3A_108] {strides = array<i32>} : memref<240xi32, #tpu.memory_space<vmem>>, vector<16xi32>,
    tpu.vector_store %arg9[%swap3A_108], %add3A_107 {strides = array<i32>} : memref<240xi32, #tpu.memory_space<vmem>>, vector<16xi32>,
    %dma_start3A = arith.constant 0 : i32
    %dma_start3A_110 = arith.constant 0 : i32
    %dma_start3A_111 = arith.constant 0 : i32
    %dma_start3A_112 = arith.constant 0 : i32
    %dma_start3A_113 = tpu.memref_slice %arg10[%dma_start3A_111, %dma_start3A_112] : memref<240x128xf32, #tpu.memory_space<vmem>> -> memref<80x128xf32, #tpu.memory_space<vmem>>
    %dma_start3A_114 = arith.constant 0 : i32
    %dma_start3A_115 = tpu.memref_slice %arg7[%dma_start3A, %dma_start3A_114] : memref<125x80xi32, #tpu.memory_space<vmem>> -> memref<1x80xi32, #tpu.memory_space<vmem>>
    %dma_start3A_116 = tpu.memref_squeeze %dma_start3A_115 : memref<1x80xi32, #tpu.memory_space<vmem>> -> memref<80xi32, #tpu.memory_space<vmem>>
    %dma_start3A_117 = arith.constant 0 : i32
    %dma_start3A_118 = arith.constant 0 : i32
    %dma_start3A_119 = tpu.memref_slice %arg2[%dma_start3A_117, %dma_start3A_118] : memref<10000x128xf32, #tpu.memory_space<hbm>> -> memref<10000x128xf32, #tpu.memory_space<hbm>>
    %dma_start3A_120 = tpu.memref_slice %arg13[%dma_start3A_110] : memref<3x!tpu.dma_semaphore, #tpu.memory_space<semaphore_mem>> -> memref<1x!tpu.dma_semaphore, #tpu.memory_space<semaphore_mem>>
    %dma_start3A_121 = tpu.memref_squeeze %dma_start3A_120 : memref<1x!tpu.dma_semaphore, #tpu.memory_space<semaphore_mem>> -> memref<!tpu.dma_semaphore, #tpu.memory_space<semaphore_mem>>
    tpu.enqueue_indirect_dma source(%dma_start3A_119 : memref<10000x128xf32, #tpu.memory_space<hbm>>) target(%dma_start3A_113 : memref<80x128xf32, #tpu.memory_space<vmem>>) offsets(%dma_start3A_116 : memref<80xi32, #tpu.memory_space<vmem>>) semaphore(%dma_start3A_121 : memref<!tpu.dma_semaphore, #tpu.memory_space<semaphore_mem>>)
    %dma_start3A_122 = arith.constant 0 : i32
    %dma_start3A_123 = arith.constant 0 : i32
    %dma_start3A_124 = arith.constant 0 : i32
    %dma_start3A_125 = arith.constant 0 : i32
    %dma_start3A_126 = tpu.memref_slice %arg11[%dma_start3A_124, %dma_start3A_125] : memref<240x128xf32, #tpu.memory_space<vmem>> -> memref<80x128xf32, #tpu.memory_space<vmem>>
    %dma_start3A_127 = arith.constant 0 : i32
    %dma_start3A_128 = tpu.memref_slice %arg8[%dma_start3A_122, %dma_start3A_127] : memref<125x80xi32, #tpu.memory_space<vmem>> -> memref<1x80xi32, #tpu.memory_space<vmem>>
    %dma_start3A_129 = tpu.memref_squeeze %dma_start3A_128 : memref<1x80xi32, #tpu.memory_space<vmem>> -> memref<80xi32, #tpu.memory_space<vmem>>
    %dma_start3A_130 = arith.constant 0 : i32
    %dma_start3A_131 = arith.constant 0 : i32
    %dma_start3A_132 = tpu.memref_slice %arg3[%dma_start3A_130, %dma_start3A_131] : memref<10000x128xf32, #tpu.memory_space<hbm>> -> memref<10000x128xf32, #tpu.memory_space<hbm>>
    %dma_start3A_133 = tpu.memref_slice %arg14[%dma_start3A_123] : memref<3x!tpu.dma_semaphore, #tpu.memory_space<semaphore_mem>> -> memref<1x!tpu.dma_semaphore, #tpu.memory_space<semaphore_mem>>
    %dma_start3A_134 = tpu.memref_squeeze %dma_start3A_133 : memref<1x!tpu.dma_semaphore, #tpu.memory_space<semaphore_mem>> -> memref<!tpu.dma_semaphore, #tpu.memory_space<semaphore_mem>>
    tpu.enqueue_indirect_dma source(%dma_start3A_132 : memref<10000x128xf32, #tpu.memory_space<hbm>>) target(%dma_start3A_126 : memref<80x128xf32, #tpu.memory_space<vmem>>) offsets(%dma_start3A_129 : memref<80xi32, #tpu.memory_space<vmem>>) semaphore(%dma_start3A_134 : memref<!tpu.dma_semaphore, #tpu.memory_space<semaphore_mem>>)
    %dma_start3A_135 = arith.constant 1 : i32
    %dma_start3A_136 = arith.constant 1 : i32
    %dma_start3A_137 = arith.constant 80 : i32
    %dma_start3A_138 = arith.constant 0 : i32
    %dma_start3A_139 = tpu.memref_slice %arg10[%dma_start3A_137, %dma_start3A_138] : memref<240x128xf32, #tpu.memory_space<vmem>> -> memref<80x128xf32, #tpu.memory_space<vmem>>
    %dma_start3A_140 = arith.constant 0 : i32
    %dma_start3A_141 = tpu.memref_slice %arg7[%dma_start3A_135, %dma_start3A_140] : memref<125x80xi32, #tpu.memory_space<vmem>> -> memref<1x80xi32, #tpu.memory_space<vmem>>
    %dma_start3A_142 = tpu.memref_squeeze %dma_start3A_141 : memref<1x80xi32, #tpu.memory_space<vmem>> -> memref<80xi32, #tpu.memory_space<vmem>>
    %dma_start3A_143 = arith.constant 0 : i32
    %dma_start3A_144 = arith.constant 0 : i32
    %dma_start3A_145 = tpu.memref_slice %arg2[%dma_start3A_143, %dma_start3A_144] : memref<10000x128xf32, #tpu.memory_space<hbm>> -> memref<10000x128xf32, #tpu.memory_space<hbm>>
    %dma_start3A_146 = tpu.memref_slice %arg13[%dma_start3A_136] : memref<3x!tpu.dma_semaphore, #tpu.memory_space<semaphore_mem>> -> memref<1x!tpu.dma_semaphore, #tpu.memory_space<semaphore_mem>>
    %dma_start3A_147 = tpu.memref_squeeze %dma_start3A_146 : memref<1x!tpu.dma_semaphore, #tpu.memory_space<semaphore_mem>> -> memref<!tpu.dma_semaphore, #tpu.memory_space<semaphore_mem>>
    tpu.enqueue_indirect_dma source(%dma_start3A_145 : memref<10000x128xf32, #tpu.memory_space<hbm>>) target(%dma_start3A_139 : memref<80x128xf32, #tpu.memory_space<vmem>>) offsets(%dma_start3A_142 : memref<80xi32, #tpu.memory_space<vmem>>) semaphore(%dma_start3A_147 : memref<!tpu.dma_semaphore, #tpu.memory_space<semaphore_mem>>)
    %dma_start3A_148 = arith.constant 1 : i32
    %dma_start3A_149 = arith.constant 1 : i32
    %dma_start3A_150 = arith.constant 80 : i32
    %dma_start3A_151 = arith.constant 0 : i32
    %dma_start3A_152 = tpu.memref_slice %arg11[%dma_start3A_150, %dma_start3A_151] : memref<240x128xf32, #tpu.memory_space<vmem>> -> memref<80x128xf32, #tpu.memory_space<vmem>>
    %dma_start3A_153 = arith.constant 0 : i32
    %dma_start3A_154 = tpu.memref_slice %arg8[%dma_start3A_148, %dma_start3A_153] : memref<125x80xi32, #tpu.memory_space<vmem>> -> memref<1x80xi32, #tpu.memory_space<vmem>>
    %dma_start3A_155 = tpu.memref_squeeze %dma_start3A_154 : memref<1x80xi32, #tpu.memory_space<vmem>> -> memref<80xi32, #tpu.memory_space<vmem>>
    %dma_start3A_156 = arith.constant 0 : i32
    %dma_start3A_157 = arith.constant 0 : i32
    %dma_start3A_158 = tpu.memref_slice %arg3[%dma_start3A_156, %dma_start3A_157] : memref<10000x128xf32, #tpu.memory_space<hbm>> -> memref<10000x128xf32, #tpu.memory_space<hbm>>
    %dma_start3A_159 = tpu.memref_slice %arg14[%dma_start3A_149] : memref<3x!tpu.dma_semaphore, #tpu.memory_space<semaphore_mem>> -> memref<1x!tpu.dma_semaphore, #tpu.memory_space<semaphore_mem>>
    %dma_start3A_160 = tpu.memref_squeeze %dma_start3A_159 : memref<1x!tpu.dma_semaphore, #tpu.memory_space<semaphore_mem>> -> memref<!tpu.dma_semaphore, #tpu.memory_space<semaphore_mem>>
    tpu.enqueue_indirect_dma source(%dma_start3A_158 : memref<10000x128xf32, #tpu.memory_space<hbm>>) target(%dma_start3A_152 : memref<80x128xf32, #tpu.memory_space<vmem>>) offsets(%dma_start3A_155 : memref<80xi32, #tpu.memory_space<vmem>>) semaphore(%dma_start3A_160 : memref<!tpu.dma_semaphore, #tpu.memory_space<semaphore_mem>>)
    %dma_start3A_161 = arith.constant 2 : i32
    %dma_start3A_162 = arith.constant 2 : i32
    %dma_start3A_163 = arith.constant 160 : i32
    %dma_start3A_164 = arith.constant 0 : i32
    %dma_start3A_165 = tpu.memref_slice %arg10[%dma_start3A_163, %dma_start3A_164] : memref<240x128xf32, #tpu.memory_space<vmem>> -> memref<80x128xf32, #tpu.memory_space<vmem>>
    %dma_start3A_166 = arith.constant 0 : i32
    %dma_start3A_167 = tpu.memref_slice %arg7[%dma_start3A_161, %dma_start3A_166] : memref<125x80xi32, #tpu.memory_space<vmem>> -> memref<1x80xi32, #tpu.memory_space<vmem>>
    %dma_start3A_168 = tpu.memref_squeeze %dma_start3A_167 : memref<1x80xi32, #tpu.memory_space<vmem>> -> memref<80xi32, #tpu.memory_space<vmem>>
    %dma_start3A_169 = arith.constant 0 : i32
    %dma_start3A_170 = arith.constant 0 : i32
    %dma_start3A_171 = tpu.memref_slice %arg2[%dma_start3A_169, %dma_start3A_170] : memref<10000x128xf32, #tpu.memory_space<hbm>> -> memref<10000x128xf32, #tpu.memory_space<hbm>>
    %dma_start3A_172 = tpu.memref_slice %arg13[%dma_start3A_162] : memref<3x!tpu.dma_semaphore, #tpu.memory_space<semaphore_mem>> -> memref<1x!tpu.dma_semaphore, #tpu.memory_space<semaphore_mem>>
    %dma_start3A_173 = tpu.memref_squeeze %dma_start3A_172 : memref<1x!tpu.dma_semaphore, #tpu.memory_space<semaphore_mem>> -> memref<!tpu.dma_semaphore, #tpu.memory_space<semaphore_mem>>
    tpu.enqueue_indirect_dma source(%dma_start3A_171 : memref<10000x128xf32, #tpu.memory_space<hbm>>) target(%dma_start3A_165 : memref<80x128xf32, #tpu.memory_space<vmem>>) offsets(%dma_start3A_168 : memref<80xi32, #tpu.memory_space<vmem>>) semaphore(%dma_start3A_173 : memref<!tpu.dma_semaphore, #tpu.memory_space<semaphore_mem>>)
    %dma_start3A_174 = arith.constant 2 : i32
    %dma_start3A_175 = arith.constant 2 : i32
    %dma_start3A_176 = arith.constant 160 : i32
    %dma_start3A_177 = arith.constant 0 : i32
    %dma_start3A_178 = tpu.memref_slice %arg11[%dma_start3A_176, %dma_start3A_177] : memref<240x128xf32, #tpu.memory_space<vmem>> -> memref<80x128xf32, #tpu.memory_space<vmem>>
    %dma_start3A_179 = arith.constant 0 : i32
    %dma_start3A_180 = tpu.memref_slice %arg8[%dma_start3A_174, %dma_start3A_179] : memref<125x80xi32, #tpu.memory_space<vmem>> -> memref<1x80xi32, #tpu.memory_space<vmem>>
    %dma_start3A_181 = tpu.memref_squeeze %dma_start3A_180 : memref<1x80xi32, #tpu.memory_space<vmem>> -> memref<80xi32, #tpu.memory_space<vmem>>
    %dma_start3A_182 = arith.constant 0 : i32
    %dma_start3A_183 = arith.constant 0 : i32
    %dma_start3A_184 = tpu.memref_slice %arg3[%dma_start3A_182, %dma_start3A_183] : memref<10000x128xf32, #tpu.memory_space<hbm>> -> memref<10000x128xf32, #tpu.memory_space<hbm>>
    %dma_start3A_185 = tpu.memref_slice %arg14[%dma_start3A_175] : memref<3x!tpu.dma_semaphore, #tpu.memory_space<semaphore_mem>> -> memref<1x!tpu.dma_semaphore, #tpu.memory_space<semaphore_mem>>
    %dma_start3A_186 = tpu.memref_squeeze %dma_start3A_185 : memref<1x!tpu.dma_semaphore, #tpu.memory_space<semaphore_mem>> -> memref<!tpu.dma_semaphore, #tpu.memory_space<semaphore_mem>>
    tpu.enqueue_indirect_dma source(%dma_start3A_184 : memref<10000x128xf32, #tpu.memory_space<hbm>>) target(%dma_start3A_178 : memref<80x128xf32, #tpu.memory_space<vmem>>) offsets(%dma_start3A_181 : memref<80xi32, #tpu.memory_space<vmem>>) semaphore(%dma_start3A_186 : memref<!tpu.dma_semaphore, #tpu.memory_space<semaphore_mem>>)
    %scan3A = arith.constant 0 : i32
    %scan3A_187 = arith.constant 0 : i32
    %scan3A_188 = arith.constant 41 : i32
    %scan3A_189 = arith.addi %scan3A_187, %scan3A_188 : i32
    %scan3A_190 = arith.constant 1 : i32
    scf.for %scan3A_299 = %scan3A_187 to %scan3A_189 step %scan3A_190  : i32 {
      %dma_wait3A_300 = arith.constant 0 : i32
      %dma_wait3A_301 = arith.constant 0 : i32
      %dma_wait3A_302 = arith.constant 0 : i32
      %dma_wait3A_303 = arith.constant 0 : i32
      %dma_wait3A_304 = tpu.memref_slice %arg10[%dma_wait3A_302, %dma_wait3A_303] : memref<240x128xf32, #tpu.memory_space<vmem>> -> memref<80x128xf32, #tpu.memory_space<vmem>>
      %dma_wait3A_305 = arith.constant 0 : i32
      %dma_wait3A_306 = tpu.memref_slice %arg7[%dma_wait3A_300, %dma_wait3A_305] : memref<125x80xi32, #tpu.memory_space<vmem>> -> memref<1x80xi32, #tpu.memory_space<vmem>>
      %dma_wait3A_307 = tpu.memref_squeeze %dma_wait3A_306 : memref<1x80xi32, #tpu.memory_space<vmem>> -> memref<80xi32, #tpu.memory_space<vmem>>
      %dma_wait3A_308 = arith.constant 0 : i32
      %dma_wait3A_309 = arith.constant 0 : i32
      %dma_wait3A_310 = tpu.memref_slice %arg2[%dma_wait3A_308, %dma_wait3A_309] : memref<10000x128xf32, #tpu.memory_space<hbm>> -> memref<10000x128xf32, #tpu.memory_space<hbm>>
      %dma_wait3A_311 = tpu.memref_slice %arg13[%dma_wait3A_301] : memref<3x!tpu.dma_semaphore, #tpu.memory_space<semaphore_mem>> -> memref<1x!tpu.dma_semaphore, #tpu.memory_space<semaphore_mem>>
      %dma_wait3A_312 = tpu.memref_squeeze %dma_wait3A_311 : memref<1x!tpu.dma_semaphore, #tpu.memory_space<semaphore_mem>> -> memref<!tpu.dma_semaphore, #tpu.memory_space<semaphore_mem>>
      tpu.wait_indirect_dma semaphore(%dma_wait3A_312 : memref<!tpu.dma_semaphore, #tpu.memory_space<semaphore_mem>>) src(%dma_wait3A_310 : memref<10000x128xf32, #tpu.memory_space<hbm>>) dst(%dma_wait3A_304 : memref<80x128xf32, #tpu.memory_space<vmem>>)
      %dma_wait3A_313 = arith.constant 0 : i32
      %dma_wait3A_314 = arith.constant 0 : i32
      %dma_wait3A_315 = arith.constant 0 : i32
      %dma_wait3A_316 = arith.constant 0 : i32
      %dma_wait3A_317 = tpu.memref_slice %arg11[%dma_wait3A_315, %dma_wait3A_316] : memref<240x128xf32, #tpu.memory_space<vmem>> -> memref<80x128xf32, #tpu.memory_space<vmem>>
      %dma_wait3A_318 = arith.constant 0 : i32
      %dma_wait3A_319 = tpu.memref_slice %arg8[%dma_wait3A_313, %dma_wait3A_318] : memref<125x80xi32, #tpu.memory_space<vmem>> -> memref<1x80xi32, #tpu.memory_space<vmem>>
      %dma_wait3A_320 = tpu.memref_squeeze %dma_wait3A_319 : memref<1x80xi32, #tpu.memory_space<vmem>> -> memref<80xi32, #tpu.memory_space<vmem>>
      %dma_wait3A_321 = arith.constant 0 : i32
      %dma_wait3A_322 = arith.constant 0 : i32
      %dma_wait3A_323 = tpu.memref_slice %arg3[%dma_wait3A_321, %dma_wait3A_322] : memref<10000x128xf32, #tpu.memory_space<hbm>> -> memref<10000x128xf32, #tpu.memory_space<hbm>>
      %dma_wait3A_324 = tpu.memref_slice %arg14[%dma_wait3A_314] : memref<3x!tpu.dma_semaphore, #tpu.memory_space<semaphore_mem>> -> memref<1x!tpu.dma_semaphore, #tpu.memory_space<semaphore_mem>>
      %dma_wait3A_325 = tpu.memref_squeeze %dma_wait3A_324 : memref<1x!tpu.dma_semaphore, #tpu.memory_space<semaphore_mem>> -> memref<!tpu.dma_semaphore, #tpu.memory_space<semaphore_mem>>
      tpu.wait_indirect_dma semaphore(%dma_wait3A_325 : memref<!tpu.dma_semaphore, #tpu.memory_space<semaphore_mem>>) src(%dma_wait3A_323 : memref<10000x128xf32, #tpu.memory_space<hbm>>) dst(%dma_wait3A_317 : memref<80x128xf32, #tpu.memory_space<vmem>>)
      %dma_wait3A_326 = arith.constant 0 : i32
      %dma_wait3A_327 = arith.constant 1 : i32
      %dma_wait3A_328 = arith.constant 80 : i32
      %dma_wait3A_329 = arith.constant 0 : i32
      %dma_wait3A_330 = tpu.memref_slice %arg10[%dma_wait3A_328, %dma_wait3A_329] : memref<240x128xf32, #tpu.memory_space<vmem>> -> memref<80x128xf32, #tpu.memory_space<vmem>>
      %dma_wait3A_331 = arith.constant 0 : i32
      %dma_wait3A_332 = tpu.memref_slice %arg7[%dma_wait3A_326, %dma_wait3A_331] : memref<125x80xi32, #tpu.memory_space<vmem>> -> memref<1x80xi32, #tpu.memory_space<vmem>>
      %dma_wait3A_333 = tpu.memref_squeeze %dma_wait3A_332 : memref<1x80xi32, #tpu.memory_space<vmem>> -> memref<80xi32, #tpu.memory_space<vmem>>
      %dma_wait3A_334 = arith.constant 0 : i32
      %dma_wait3A_335 = arith.constant 0 : i32
      %dma_wait3A_336 = tpu.memref_slice %arg2[%dma_wait3A_334, %dma_wait3A_335] : memref<10000x128xf32, #tpu.memory_space<hbm>> -> memref<10000x128xf32, #tpu.memory_space<hbm>>
      %dma_wait3A_337 = tpu.memref_slice %arg13[%dma_wait3A_327] : memref<3x!tpu.dma_semaphore, #tpu.memory_space<semaphore_mem>> -> memref<1x!tpu.dma_semaphore, #tpu.memory_space<semaphore_mem>>
      %dma_wait3A_338 = tpu.memref_squeeze %dma_wait3A_337 : memref<1x!tpu.dma_semaphore, #tpu.memory_space<semaphore_mem>> -> memref<!tpu.dma_semaphore, #tpu.memory_space<semaphore_mem>>
      tpu.wait_indirect_dma semaphore(%dma_wait3A_338 : memref<!tpu.dma_semaphore, #tpu.memory_space<semaphore_mem>>) src(%dma_wait3A_336 : memref<10000x128xf32, #tpu.memory_space<hbm>>) dst(%dma_wait3A_330 : memref<80x128xf32, #tpu.memory_space<vmem>>)
      %dma_wait3A_339 = arith.constant 0 : i32
      %dma_wait3A_340 = arith.constant 1 : i32
      %dma_wait3A_341 = arith.constant 80 : i32
      %dma_wait3A_342 = arith.constant 0 : i32
      %dma_wait3A_343 = tpu.memref_slice %arg11[%dma_wait3A_341, %dma_wait3A_342] : memref<240x128xf32, #tpu.memory_space<vmem>> -> memref<80x128xf32, #tpu.memory_space<vmem>>
      %dma_wait3A_344 = arith.constant 0 : i32
      %dma_wait3A_345 = tpu.memref_slice %arg8[%dma_wait3A_339, %dma_wait3A_344] : memref<125x80xi32, #tpu.memory_space<vmem>> -> memref<1x80xi32, #tpu.memory_space<vmem>>
      %dma_wait3A_346 = tpu.memref_squeeze %dma_wait3A_345 : memref<1x80xi32, #tpu.memory_space<vmem>> -> memref<80xi32, #tpu.memory_space<vmem>>
      %dma_wait3A_347 = arith.constant 0 : i32
      %dma_wait3A_348 = arith.constant 0 : i32
      %dma_wait3A_349 = tpu.memref_slice %arg3[%dma_wait3A_347, %dma_wait3A_348] : memref<10000x128xf32, #tpu.memory_space<hbm>> -> memref<10000x128xf32, #tpu.memory_space<hbm>>
      %dma_wait3A_350 = tpu.memref_slice %arg14[%dma_wait3A_340] : memref<3x!tpu.dma_semaphore, #tpu.memory_space<semaphore_mem>> -> memref<1x!tpu.dma_semaphore, #tpu.memory_space<semaphore_mem>>
      %dma_wait3A_351 = tpu.memref_squeeze %dma_wait3A_350 : memref<1x!tpu.dma_semaphore, #tpu.memory_space<semaphore_mem>> -> memref<!tpu.dma_semaphore, #tpu.memory_space<semaphore_mem>>
      tpu.wait_indirect_dma semaphore(%dma_wait3A_351 : memref<!tpu.dma_semaphore, #tpu.memory_space<semaphore_mem>>) src(%dma_wait3A_349 : memref<10000x128xf32, #tpu.memory_space<hbm>>) dst(%dma_wait3A_343 : memref<80x128xf32, #tpu.memory_space<vmem>>)
      %dma_wait3A_352 = arith.constant 0 : i32
      %dma_wait3A_353 = arith.constant 2 : i32
      %dma_wait3A_354 = arith.constant 160 : i32
      %dma_wait3A_355 = arith.constant 0 : i32
      %dma_wait3A_356 = tpu.memref_slice %arg10[%dma_wait3A_354, %dma_wait3A_355] : memref<240x128xf32, #tpu.memory_space<vmem>> -> memref<80x128xf32, #tpu.memory_space<vmem>>
      %dma_wait3A_357 = arith.constant 0 : i32
      %dma_wait3A_358 = tpu.memref_slice %arg7[%dma_wait3A_352, %dma_wait3A_357] : memref<125x80xi32, #tpu.memory_space<vmem>> -> memref<1x80xi32, #tpu.memory_space<vmem>>
      %dma_wait3A_359 = tpu.memref_squeeze %dma_wait3A_358 : memref<1x80xi32, #tpu.memory_space<vmem>> -> memref<80xi32, #tpu.memory_space<vmem>>
      %dma_wait3A_360 = arith.constant 0 : i32
      %dma_wait3A_361 = arith.constant 0 : i32
      %dma_wait3A_362 = tpu.memref_slice %arg2[%dma_wait3A_360, %dma_wait3A_361] : memref<10000x128xf32, #tpu.memory_space<hbm>> -> memref<10000x128xf32, #tpu.memory_space<hbm>>
      %dma_wait3A_363 = tpu.memref_slice %arg13[%dma_wait3A_353] : memref<3x!tpu.dma_semaphore, #tpu.memory_space<semaphore_mem>> -> memref<1x!tpu.dma_semaphore, #tpu.memory_space<semaphore_mem>>
      %dma_wait3A_364 = tpu.memref_squeeze %dma_wait3A_363 : memref<1x!tpu.dma_semaphore, #tpu.memory_space<semaphore_mem>> -> memref<!tpu.dma_semaphore, #tpu.memory_space<semaphore_mem>>
      tpu.wait_indirect_dma semaphore(%dma_wait3A_364 : memref<!tpu.dma_semaphore, #tpu.memory_space<semaphore_mem>>) src(%dma_wait3A_362 : memref<10000x128xf32, #tpu.memory_space<hbm>>) dst(%dma_wait3A_356 : memref<80x128xf32, #tpu.memory_space<vmem>>)
      %dma_wait3A_365 = arith.constant 0 : i32
      %dma_wait3A_366 = arith.constant 2 : i32
      %dma_wait3A_367 = arith.constant 160 : i32
      %dma_wait3A_368 = arith.constant 0 : i32
      %dma_wait3A_369 = tpu.memref_slice %arg11[%dma_wait3A_367, %dma_wait3A_368] : memref<240x128xf32, #tpu.memory_space<vmem>> -> memref<80x128xf32, #tpu.memory_space<vmem>>
      %dma_wait3A_370 = arith.constant 0 : i32
      %dma_wait3A_371 = tpu.memref_slice %arg8[%dma_wait3A_365, %dma_wait3A_370] : memref<125x80xi32, #tpu.memory_space<vmem>> -> memref<1x80xi32, #tpu.memory_space<vmem>>
      %dma_wait3A_372 = tpu.memref_squeeze %dma_wait3A_371 : memref<1x80xi32, #tpu.memory_space<vmem>> -> memref<80xi32, #tpu.memory_space<vmem>>
      %dma_wait3A_373 = arith.constant 0 : i32
      %dma_wait3A_374 = arith.constant 0 : i32
      %dma_wait3A_375 = tpu.memref_slice %arg3[%dma_wait3A_373, %dma_wait3A_374] : memref<10000x128xf32, #tpu.memory_space<hbm>> -> memref<10000x128xf32, #tpu.memory_space<hbm>>
      %dma_wait3A_376 = tpu.memref_slice %arg14[%dma_wait3A_366] : memref<3x!tpu.dma_semaphore, #tpu.memory_space<semaphore_mem>> -> memref<1x!tpu.dma_semaphore, #tpu.memory_space<semaphore_mem>>
      %dma_wait3A_377 = tpu.memref_squeeze %dma_wait3A_376 : memref<1x!tpu.dma_semaphore, #tpu.memory_space<semaphore_mem>> -> memref<!tpu.dma_semaphore, #tpu.memory_space<semaphore_mem>>
      tpu.wait_indirect_dma semaphore(%dma_wait3A_377 : memref<!tpu.dma_semaphore, #tpu.memory_space<semaphore_mem>>) src(%dma_wait3A_375 : memref<10000x128xf32, #tpu.memory_space<hbm>>) dst(%dma_wait3A_369 : memref<80x128xf32, #tpu.memory_space<vmem>>)
      %mul3A_378 = arith.constant 3 : i32
      %mul3A_379 = arith.muli %scan3A_299, %mul3A_378 : i32
      %add3A_380 = arith.constant 0 : i32
      %add3A_381 = arith.addi %mul3A_379, %add3A_380 : i32
      %mul3A_382 = arith.constant 80 : i32
      %mul3A_383 = arith.muli %add3A_381, %mul3A_382 : i32
      %add3A_384 = arith.addi %mul3A_2, %mul3A_383 : i32
      %add3A_385 = arith.constant 0 : i32
      %add3A_386 = arith.addi %mul3A_6, %add3A_385 : i32
      "tpu.region"() ({
        %run_scoped3A = tpu.sem_alloc : memref<!tpu.dma_semaphore, #tpu.memory_space<semaphore_mem>>
        %dma_start3A_423 = arith.constant 0 : i32
        %dma_start3A_424 = arith.constant 0 : i32
        %dma_start3A_425 = tpu.memref_slice %arg10[%dma_start3A_423, %dma_start3A_424] : memref<240x128xf32, #tpu.memory_space<vmem>> -> memref<80x128xf32, #tpu.memory_space<vmem>>
        %dma_start3A_426 = arith.constant 0 : i32
        %dma_start3A_427 = tpu.memref_slice %arg12[%add3A_386, %dma_start3A_426] : memref<3840x128xf32, #tpu.memory_space<vmem_shared>> -> memref<80x128xf32, #tpu.memory_space<vmem_shared>>
        %dma_start3A_428 = arith.constant 0 : i32
        %dma_start3A_429 = tpu.memref_slice %arg12[%add3A_386, %dma_start3A_428] : memref<3840x128xf32, #tpu.memory_space<vmem_shared>> -> memref<80x128xf32, #tpu.memory_space<vmem_shared>>
        %dma_start3A_430 = arith.constant 0 : i32
        %dma_start3A_431 = arith.constant 0 : i32
        %dma_start3A_432 = tpu.memref_slice %arg10[%dma_start3A_430, %dma_start3A_431] : memref<240x128xf32, #tpu.memory_space<vmem>> -> memref<80x128xf32, #tpu.memory_space<vmem>>
        tpu.enqueue_dma source(%dma_start3A_432 : memref<80x128xf32, #tpu.memory_space<vmem>>) target(%dma_start3A_429 : memref<80x128xf32, #tpu.memory_space<vmem_shared>>) target_semaphore(%run_scoped3A : memref<!tpu.dma_semaphore, #tpu.memory_space<semaphore_mem>>)
        %dma_wait3A_433 = arith.constant 0 : i32
        %dma_wait3A_434 = arith.constant 0 : i32
        %dma_wait3A_435 = tpu.memref_slice %arg10[%dma_wait3A_433, %dma_wait3A_434] : memref<240x128xf32, #tpu.memory_space<vmem>> -> memref<80x128xf32, #tpu.memory_space<vmem>>
        %dma_wait3A_436 = arith.constant 0 : i32
        %dma_wait3A_437 = tpu.memref_slice %arg12[%add3A_386, %dma_wait3A_436] : memref<3840x128xf32, #tpu.memory_space<vmem_shared>> -> memref<80x128xf32, #tpu.memory_space<vmem_shared>>
        %dma_wait3A_438 = arith.constant 0 : i32
        %dma_wait3A_439 = tpu.memref_slice %arg12[%add3A_386, %dma_wait3A_438] : memref<3840x128xf32, #tpu.memory_space<vmem_shared>> -> memref<80x128xf32, #tpu.memory_space<vmem_shared>>
        %dma_wait3A_440 = arith.constant 0 : i32
        %dma_wait3A_441 = arith.constant 0 : i32
        %dma_wait3A_442 = tpu.memref_slice %arg10[%dma_wait3A_440, %dma_wait3A_441] : memref<240x128xf32, #tpu.memory_space<vmem>> -> memref<80x128xf32, #tpu.memory_space<vmem>>
        tpu.wait_dma2 semaphore(%run_scoped3A : memref<!tpu.dma_semaphore, #tpu.memory_space<semaphore_mem>>) src(%dma_wait3A_442 : memref<80x128xf32, #tpu.memory_space<vmem>>) dst(%dma_wait3A_439 : memref<80x128xf32, #tpu.memory_space<vmem_shared>>)
        tpu.yield
      }) : () -> ()
      "tpu.region"() ({
        %run_scoped3A = tpu.sem_alloc : memref<!tpu.dma_semaphore, #tpu.memory_space<semaphore_mem>>
        %dma_start3A_423 = arith.constant 0 : i32
        %dma_start3A_424 = arith.constant 0 : i32
        %dma_start3A_425 = tpu.memref_slice %arg11[%dma_start3A_423, %dma_start3A_424] : memref<240x128xf32, #tpu.memory_space<vmem>> -> memref<80x128xf32, #tpu.memory_space<vmem>>
        %dma_start3A_426 = arith.constant 0 : i32
        %dma_start3A_427 = tpu.memref_slice %arg9[%dma_start3A_426] : memref<240xi32, #tpu.memory_space<vmem>> -> memref<80xi32, #tpu.memory_space<vmem>>
        %dma_start3A_428 = arith.constant 0 : i32
        %dma_start3A_429 = arith.constant 0 : i32
        %dma_start3A_430 = tpu.memref_slice %arg12[%dma_start3A_428, %dma_start3A_429] : memref<3840x128xf32, #tpu.memory_space<vmem_shared>> -> memref<3840x128xf32, #tpu.memory_space<vmem_shared>>
        tpu.enqueue_indirect_dma source(%dma_start3A_425 : memref<80x128xf32, #tpu.memory_space<vmem>>) target(%dma_start3A_430 : memref<3840x128xf32, #tpu.memory_space<vmem_shared>>) offsets(%dma_start3A_427 : memref<80xi32, #tpu.memory_space<vmem>>) semaphore(%run_scoped3A : memref<!tpu.dma_semaphore, #tpu.memory_space<semaphore_mem>>) {add = true}
        %dma_wait3A_431 = arith.constant 0 : i32
        %dma_wait3A_432 = arith.constant 0 : i32
        %dma_wait3A_433 = tpu.memref_slice %arg11[%dma_wait3A_431, %dma_wait3A_432] : memref<240x128xf32, #tpu.memory_space<vmem>> -> memref<80x128xf32, #tpu.memory_space<vmem>>
        %dma_wait3A_434 = arith.constant 0 : i32
        %dma_wait3A_435 = tpu.memref_slice %arg9[%dma_wait3A_434] : memref<240xi32, #tpu.memory_space<vmem>> -> memref<80xi32, #tpu.memory_space<vmem>>
        %dma_wait3A_436 = arith.constant 0 : i32
        %dma_wait3A_437 = arith.constant 0 : i32
        %dma_wait3A_438 = tpu.memref_slice %arg12[%dma_wait3A_436, %dma_wait3A_437] : memref<3840x128xf32, #tpu.memory_space<vmem_shared>> -> memref<3840x128xf32, #tpu.memory_space<vmem_shared>>
        tpu.wait_indirect_dma semaphore(%run_scoped3A : memref<!tpu.dma_semaphore, #tpu.memory_space<semaphore_mem>>) src(%dma_wait3A_433 : memref<80x128xf32, #tpu.memory_space<vmem>>) dst(%dma_wait3A_438 : memref<3840x128xf32, #tpu.memory_space<vmem_shared>>)
        tpu.yield
      }) : () -> ()
      %add3A_387 = arith.constant 0 : i32
      %add3A_388 = arith.addi %mul3A_6, %add3A_387 : i32
      "tpu.region"() ({
        %run_scoped3A = tpu.sem_alloc : memref<!tpu.dma_semaphore, #tpu.memory_space<semaphore_mem>>
        %dma_start3A_423 = arith.constant 0 : i32
        %dma_start3A_424 = tpu.memref_slice %arg6[%add3A_384, %dma_start3A_423] : memref<320000x128xf32, #tpu.memory_space<hbm>> -> memref<80x128xf32, #tpu.memory_space<hbm>>
        %dma_start3A_425 = arith.constant 0 : i32
        %dma_start3A_426 = tpu.memref_slice %arg12[%add3A_388, %dma_start3A_425] : memref<3840x128xf32, #tpu.memory_space<vmem_shared>> -> memref<80x128xf32, #tpu.memory_space<vmem_shared>>
        tpu.enqueue_dma source(%dma_start3A_426 : memref<80x128xf32, #tpu.memory_space<vmem_shared>>) target(%dma_start3A_424 : memref<80x128xf32, #tpu.memory_space<hbm>>) target_semaphore(%run_scoped3A : memref<!tpu.dma_semaphore, #tpu.memory_space<semaphore_mem>>)
        %dma_wait3A_427 = arith.constant 0 : i32
        %dma_wait3A_428 = tpu.memref_slice %arg6[%add3A_384, %dma_wait3A_427] : memref<320000x128xf32, #tpu.memory_space<hbm>> -> memref<80x128xf32, #tpu.memory_space<hbm>>
        %dma_wait3A_429 = arith.constant 0 : i32
        %dma_wait3A_430 = tpu.memref_slice %arg12[%add3A_388, %dma_wait3A_429] : memref<3840x128xf32, #tpu.memory_space<vmem_shared>> -> memref<80x128xf32, #tpu.memory_space<vmem_shared>>
        tpu.wait_dma2 semaphore(%run_scoped3A : memref<!tpu.dma_semaphore, #tpu.memory_space<semaphore_mem>>) src(%dma_wait3A_430 : memref<80x128xf32, #tpu.memory_space<vmem_shared>>) dst(%dma_wait3A_428 : memref<80x128xf32, #tpu.memory_space<hbm>>)
        tpu.yield
      }) : () -> ()
      %lt3A = arith.constant 40 : i32
      %lt3A_389 = arith.cmpi slt, %scan3A_299, %lt3A : i32
      %convert_element_type3A = arith.extui %lt3A_389 : i1 to i32
      %cond3A = arith.constant 0 : i32
      %cond3A_390 = arith.cmpi ne, %convert_element_type3A, %cond3A : i32
      scf.if %cond3A_390 {
        %add3A_423 = arith.constant 3 : i32
        %add3A_424 = arith.addi %add3A_381, %add3A_423 : i32
        %dma_start3A_425 = arith.constant 0 : i32
        %dma_start3A_426 = arith.constant 0 : i32
        %dma_start3A_427 = arith.constant 0 : i32
        %dma_start3A_428 = tpu.memref_slice %arg10[%dma_start3A_426, %dma_start3A_427] : memref<240x128xf32, #tpu.memory_space<vmem>> -> memref<80x128xf32, #tpu.memory_space<vmem>>
        %dma_start3A_429 = arith.constant 0 : i32
        %dma_start3A_430 = tpu.memref_slice %arg7[%add3A_424, %dma_start3A_429] : memref<125x80xi32, #tpu.memory_space<vmem>> -> memref<1x80xi32, #tpu.memory_space<vmem>>
        %dma_start3A_431 = tpu.memref_squeeze %dma_start3A_430 : memref<1x80xi32, #tpu.memory_space<vmem>> -> memref<80xi32, #tpu.memory_space<vmem>>
        %dma_start3A_432 = arith.constant 0 : i32
        %dma_start3A_433 = arith.constant 0 : i32
        %dma_start3A_434 = tpu.memref_slice %arg2[%dma_start3A_432, %dma_start3A_433] : memref<10000x128xf32, #tpu.memory_space<hbm>> -> memref<10000x128xf32, #tpu.memory_space<hbm>>
        %dma_start3A_435 = tpu.memref_slice %arg13[%dma_start3A_425] : memref<3x!tpu.dma_semaphore, #tpu.memory_space<semaphore_mem>> -> memref<1x!tpu.dma_semaphore, #tpu.memory_space<semaphore_mem>>
        %dma_start3A_436 = tpu.memref_squeeze %dma_start3A_435 : memref<1x!tpu.dma_semaphore, #tpu.memory_space<semaphore_mem>> -> memref<!tpu.dma_semaphore, #tpu.memory_space<semaphore_mem>>
        tpu.enqueue_indirect_dma source(%dma_start3A_434 : memref<10000x128xf32, #tpu.memory_space<hbm>>) target(%dma_start3A_428 : memref<80x128xf32, #tpu.memory_space<vmem>>) offsets(%dma_start3A_431 : memref<80xi32, #tpu.memory_space<vmem>>) semaphore(%dma_start3A_436 : memref<!tpu.dma_semaphore, #tpu.memory_space<semaphore_mem>>)
        %dma_start3A_437 = arith.constant 0 : i32
        %dma_start3A_438 = arith.constant 0 : i32
        %dma_start3A_439 = arith.constant 0 : i32
        %dma_start3A_440 = tpu.memref_slice %arg11[%dma_start3A_438, %dma_start3A_439] : memref<240x128xf32, #tpu.memory_space<vmem>> -> memref<80x128xf32, #tpu.memory_space<vmem>>
        %dma_start3A_441 = arith.constant 0 : i32
        %dma_start3A_442 = tpu.memref_slice %arg8[%add3A_424, %dma_start3A_441] : memref<125x80xi32, #tpu.memory_space<vmem>> -> memref<1x80xi32, #tpu.memory_space<vmem>>
        %dma_start3A_443 = tpu.memref_squeeze %dma_start3A_442 : memref<1x80xi32, #tpu.memory_space<vmem>> -> memref<80xi32, #tpu.memory_space<vmem>>
        %dma_start3A_444 = arith.constant 0 : i32
        %dma_start3A_445 = arith.constant 0 : i32
        %dma_start3A_446 = tpu.memref_slice %arg3[%dma_start3A_444, %dma_start3A_445] : memref<10000x128xf32, #tpu.memory_space<hbm>> -> memref<10000x128xf32, #tpu.memory_space<hbm>>
        %dma_start3A_447 = tpu.memref_slice %arg14[%dma_start3A_437] : memref<3x!tpu.dma_semaphore, #tpu.memory_space<semaphore_mem>> -> memref<1x!tpu.dma_semaphore, #tpu.memory_space<semaphore_mem>>
        %dma_start3A_448 = tpu.memref_squeeze %dma_start3A_447 : memref<1x!tpu.dma_semaphore, #tpu.memory_space<semaphore_mem>> -> memref<!tpu.dma_semaphore, #tpu.memory_space<semaphore_mem>>
        tpu.enqueue_indirect_dma source(%dma_start3A_446 : memref<10000x128xf32, #tpu.memory_space<hbm>>) target(%dma_start3A_440 : memref<80x128xf32, #tpu.memory_space<vmem>>) offsets(%dma_start3A_443 : memref<80xi32, #tpu.memory_space<vmem>>) semaphore(%dma_start3A_448 : memref<!tpu.dma_semaphore, #tpu.memory_space<semaphore_mem>>)
      } else {
      }
      %mul3A_391 = arith.constant 3 : i32
      %mul3A_392 = arith.muli %scan3A_299, %mul3A_391 : i32
      %add3A_393 = arith.constant 1 : i32
      %add3A_394 = arith.addi %mul3A_392, %add3A_393 : i32
      %mul3A_395 = arith.constant 80 : i32
      %mul3A_396 = arith.muli %add3A_394, %mul3A_395 : i32
      %add3A_397 = arith.addi %mul3A_2, %mul3A_396 : i32
      %add3A_398 = arith.constant 80 : i32
      %add3A_399 = arith.addi %mul3A_6, %add3A_398 : i32
      "tpu.region"() ({
        %run_scoped3A = tpu.sem_alloc : memref<!tpu.dma_semaphore, #tpu.memory_space<semaphore_mem>>
        %dma_start3A_423 = arith.constant 80 : i32
        %dma_start3A_424 = arith.constant 0 : i32
        %dma_start3A_425 = tpu.memref_slice %arg10[%dma_start3A_423, %dma_start3A_424] : memref<240x128xf32, #tpu.memory_space<vmem>> -> memref<80x128xf32, #tpu.memory_space<vmem>>
        %dma_start3A_426 = arith.constant 0 : i32
        %dma_start3A_427 = tpu.memref_slice %arg12[%add3A_399, %dma_start3A_426] : memref<3840x128xf32, #tpu.memory_space<vmem_shared>> -> memref<80x128xf32, #tpu.memory_space<vmem_shared>>
        %dma_start3A_428 = arith.constant 0 : i32
        %dma_start3A_429 = tpu.memref_slice %arg12[%add3A_399, %dma_start3A_428] : memref<3840x128xf32, #tpu.memory_space<vmem_shared>> -> memref<80x128xf32, #tpu.memory_space<vmem_shared>>
        %dma_start3A_430 = arith.constant 80 : i32
        %dma_start3A_431 = arith.constant 0 : i32
        %dma_start3A_432 = tpu.memref_slice %arg10[%dma_start3A_430, %dma_start3A_431] : memref<240x128xf32, #tpu.memory_space<vmem>> -> memref<80x128xf32, #tpu.memory_space<vmem>>
        tpu.enqueue_dma source(%dma_start3A_432 : memref<80x128xf32, #tpu.memory_space<vmem>>) target(%dma_start3A_429 : memref<80x128xf32, #tpu.memory_space<vmem_shared>>) target_semaphore(%run_scoped3A : memref<!tpu.dma_semaphore, #tpu.memory_space<semaphore_mem>>)
        %dma_wait3A_433 = arith.constant 80 : i32
        %dma_wait3A_434 = arith.constant 0 : i32
        %dma_wait3A_435 = tpu.memref_slice %arg10[%dma_wait3A_433, %dma_wait3A_434] : memref<240x128xf32, #tpu.memory_space<vmem>> -> memref<80x128xf32, #tpu.memory_space<vmem>>
        %dma_wait3A_436 = arith.constant 0 : i32
        %dma_wait3A_437 = tpu.memref_slice %arg12[%add3A_399, %dma_wait3A_436] : memref<3840x128xf32, #tpu.memory_space<vmem_shared>> -> memref<80x128xf32, #tpu.memory_space<vmem_shared>>
        %dma_wait3A_438 = arith.constant 0 : i32
        %dma_wait3A_439 = tpu.memref_slice %arg12[%add3A_399, %dma_wait3A_438] : memref<3840x128xf32, #tpu.memory_space<vmem_shared>> -> memref<80x128xf32, #tpu.memory_space<vmem_shared>>
        %dma_wait3A_440 = arith.constant 80 : i32
        %dma_wait3A_441 = arith.constant 0 : i32
        %dma_wait3A_442 = tpu.memref_slice %arg10[%dma_wait3A_440, %dma_wait3A_441] : memref<240x128xf32, #tpu.memory_space<vmem>> -> memref<80x128xf32, #tpu.memory_space<vmem>>
        tpu.wait_dma2 semaphore(%run_scoped3A : memref<!tpu.dma_semaphore, #tpu.memory_space<semaphore_mem>>) src(%dma_wait3A_442 : memref<80x128xf32, #tpu.memory_space<vmem>>) dst(%dma_wait3A_439 : memref<80x128xf32, #tpu.memory_space<vmem_shared>>)
        tpu.yield
      }) : () -> ()
      "tpu.region"() ({
        %run_scoped3A = tpu.sem_alloc : memref<!tpu.dma_semaphore, #tpu.memory_space<semaphore_mem>>
        %dma_start3A_423 = arith.constant 80 : i32
        %dma_start3A_424 = arith.constant 0 : i32
        %dma_start3A_425 = tpu.memref_slice %arg11[%dma_start3A_423, %dma_start3A_424] : memref<240x128xf32, #tpu.memory_space<vmem>> -> memref<80x128xf32, #tpu.memory_space<vmem>>
        %dma_start3A_426 = arith.constant 80 : i32
        %dma_start3A_427 = tpu.memref_slice %arg9[%dma_start3A_426] : memref<240xi32, #tpu.memory_space<vmem>> -> memref<80xi32, #tpu.memory_space<vmem>>
        %dma_start3A_428 = arith.constant 0 : i32
        %dma_start3A_429 = arith.constant 0 : i32
        %dma_start3A_430 = tpu.memref_slice %arg12[%dma_start3A_428, %dma_start3A_429] : memref<3840x128xf32, #tpu.memory_space<vmem_shared>> -> memref<3840x128xf32, #tpu.memory_space<vmem_shared>>
        tpu.enqueue_indirect_dma source(%dma_start3A_425 : memref<80x128xf32, #tpu.memory_space<vmem>>) target(%dma_start3A_430 : memref<3840x128xf32, #tpu.memory_space<vmem_shared>>) offsets(%dma_start3A_427 : memref<80xi32, #tpu.memory_space<vmem>>) semaphore(%run_scoped3A : memref<!tpu.dma_semaphore, #tpu.memory_space<semaphore_mem>>) {add = true}
        %dma_wait3A_431 = arith.constant 80 : i32
        %dma_wait3A_432 = arith.constant 0 : i32
        %dma_wait3A_433 = tpu.memref_slice %arg11[%dma_wait3A_431, %dma_wait3A_432] : memref<240x128xf32, #tpu.memory_space<vmem>> -> memref<80x128xf32, #tpu.memory_space<vmem>>
        %dma_wait3A_434 = arith.constant 80 : i32
        %dma_wait3A_435 = tpu.memref_slice %arg9[%dma_wait3A_434] : memref<240xi32, #tpu.memory_space<vmem>> -> memref<80xi32, #tpu.memory_space<vmem>>
        %dma_wait3A_436 = arith.constant 0 : i32
        %dma_wait3A_437 = arith.constant 0 : i32
        %dma_wait3A_438 = tpu.memref_slice %arg12[%dma_wait3A_436, %dma_wait3A_437] : memref<3840x128xf32, #tpu.memory_space<vmem_shared>> -> memref<3840x128xf32, #tpu.memory_space<vmem_shared>>
        tpu.wait_indirect_dma semaphore(%run_scoped3A : memref<!tpu.dma_semaphore, #tpu.memory_space<semaphore_mem>>) src(%dma_wait3A_433 : memref<80x128xf32, #tpu.memory_space<vmem>>) dst(%dma_wait3A_438 : memref<3840x128xf32, #tpu.memory_space<vmem_shared>>)
        tpu.yield
      }) : () -> ()
      %add3A_400 = arith.constant 80 : i32
      %add3A_401 = arith.addi %mul3A_6, %add3A_400 : i32
      "tpu.region"() ({
        %run_scoped3A = tpu.sem_alloc : memref<!tpu.dma_semaphore, #tpu.memory_space<semaphore_mem>>
        %dma_start3A_423 = arith.constant 0 : i32
        %dma_start3A_424 = tpu.memref_slice %arg6[%add3A_397, %dma_start3A_423] : memref<320000x128xf32, #tpu.memory_space<hbm>> -> memref<80x128xf32, #tpu.memory_space<hbm>>
        %dma_start3A_425 = arith.constant 0 : i32
        %dma_start3A_426 = tpu.memref_slice %arg12[%add3A_401, %dma_start3A_425] : memref<3840x128xf32, #tpu.memory_space<vmem_shared>> -> memref<80x128xf32, #tpu.memory_space<vmem_shared>>
        tpu.enqueue_dma source(%dma_start3A_426 : memref<80x128xf32, #tpu.memory_space<vmem_shared>>) target(%dma_start3A_424 : memref<80x128xf32, #tpu.memory_space<hbm>>) target_semaphore(%run_scoped3A : memref<!tpu.dma_semaphore, #tpu.memory_space<semaphore_mem>>)
        %dma_wait3A_427 = arith.constant 0 : i32
        %dma_wait3A_428 = tpu.memref_slice %arg6[%add3A_397, %dma_wait3A_427] : memref<320000x128xf32, #tpu.memory_space<hbm>> -> memref<80x128xf32, #tpu.memory_space<hbm>>
        %dma_wait3A_429 = arith.constant 0 : i32
        %dma_wait3A_430 = tpu.memref_slice %arg12[%add3A_401, %dma_wait3A_429] : memref<3840x128xf32, #tpu.memory_space<vmem_shared>> -> memref<80x128xf32, #tpu.memory_space<vmem_shared>>
        tpu.wait_dma2 semaphore(%run_scoped3A : memref<!tpu.dma_semaphore, #tpu.memory_space<semaphore_mem>>) src(%dma_wait3A_430 : memref<80x128xf32, #tpu.memory_space<vmem_shared>>) dst(%dma_wait3A_428 : memref<80x128xf32, #tpu.memory_space<hbm>>)
        tpu.yield
      }) : () -> ()
      %lt3A_402 = arith.constant 40 : i32
      %lt3A_403 = arith.cmpi slt, %scan3A_299, %lt3A_402 : i32
      %convert_element_type3A_404 = arith.extui %lt3A_403 : i1 to i32
      %cond3A_405 = arith.constant 0 : i32
      %cond3A_406 = arith.cmpi ne, %convert_element_type3A_404, %cond3A_405 : i32
      scf.if %cond3A_406 {
        %add3A_423 = arith.constant 3 : i32
        %add3A_424 = arith.addi %add3A_394, %add3A_423 : i32
        %dma_start3A_425 = arith.constant 1 : i32
        %dma_start3A_426 = arith.constant 80 : i32
        %dma_start3A_427 = arith.constant 0 : i32
        %dma_start3A_428 = tpu.memref_slice %arg10[%dma_start3A_426, %dma_start3A_427] : memref<240x128xf32, #tpu.memory_space<vmem>> -> memref<80x128xf32, #tpu.memory_space<vmem>>
        %dma_start3A_429 = arith.constant 0 : i32
        %dma_start3A_430 = tpu.memref_slice %arg7[%add3A_424, %dma_start3A_429] : memref<125x80xi32, #tpu.memory_space<vmem>> -> memref<1x80xi32, #tpu.memory_space<vmem>>
        %dma_start3A_431 = tpu.memref_squeeze %dma_start3A_430 : memref<1x80xi32, #tpu.memory_space<vmem>> -> memref<80xi32, #tpu.memory_space<vmem>>
        %dma_start3A_432 = arith.constant 0 : i32
        %dma_start3A_433 = arith.constant 0 : i32
        %dma_start3A_434 = tpu.memref_slice %arg2[%dma_start3A_432, %dma_start3A_433] : memref<10000x128xf32, #tpu.memory_space<hbm>> -> memref<10000x128xf32, #tpu.memory_space<hbm>>
        %dma_start3A_435 = tpu.memref_slice %arg13[%dma_start3A_425] : memref<3x!tpu.dma_semaphore, #tpu.memory_space<semaphore_mem>> -> memref<1x!tpu.dma_semaphore, #tpu.memory_space<semaphore_mem>>
        %dma_start3A_436 = tpu.memref_squeeze %dma_start3A_435 : memref<1x!tpu.dma_semaphore, #tpu.memory_space<semaphore_mem>> -> memref<!tpu.dma_semaphore, #tpu.memory_space<semaphore_mem>>
        tpu.enqueue_indirect_dma source(%dma_start3A_434 : memref<10000x128xf32, #tpu.memory_space<hbm>>) target(%dma_start3A_428 : memref<80x128xf32, #tpu.memory_space<vmem>>) offsets(%dma_start3A_431 : memref<80xi32, #tpu.memory_space<vmem>>) semaphore(%dma_start3A_436 : memref<!tpu.dma_semaphore, #tpu.memory_space<semaphore_mem>>)
        %dma_start3A_437 = arith.constant 1 : i32
        %dma_start3A_438 = arith.constant 80 : i32
        %dma_start3A_439 = arith.constant 0 : i32
        %dma_start3A_440 = tpu.memref_slice %arg11[%dma_start3A_438, %dma_start3A_439] : memref<240x128xf32, #tpu.memory_space<vmem>> -> memref<80x128xf32, #tpu.memory_space<vmem>>
        %dma_start3A_441 = arith.constant 0 : i32
        %dma_start3A_442 = tpu.memref_slice %arg8[%add3A_424, %dma_start3A_441] : memref<125x80xi32, #tpu.memory_space<vmem>> -> memref<1x80xi32, #tpu.memory_space<vmem>>
        %dma_start3A_443 = tpu.memref_squeeze %dma_start3A_442 : memref<1x80xi32, #tpu.memory_space<vmem>> -> memref<80xi32, #tpu.memory_space<vmem>>
        %dma_start3A_444 = arith.constant 0 : i32
        %dma_start3A_445 = arith.constant 0 : i32
        %dma_start3A_446 = tpu.memref_slice %arg3[%dma_start3A_444, %dma_start3A_445] : memref<10000x128xf32, #tpu.memory_space<hbm>> -> memref<10000x128xf32, #tpu.memory_space<hbm>>
        %dma_start3A_447 = tpu.memref_slice %arg14[%dma_start3A_437] : memref<3x!tpu.dma_semaphore, #tpu.memory_space<semaphore_mem>> -> memref<1x!tpu.dma_semaphore, #tpu.memory_space<semaphore_mem>>
        %dma_start3A_448 = tpu.memref_squeeze %dma_start3A_447 : memref<1x!tpu.dma_semaphore, #tpu.memory_space<semaphore_mem>> -> memref<!tpu.dma_semaphore, #tpu.memory_space<semaphore_mem>>
        tpu.enqueue_indirect_dma source(%dma_start3A_446 : memref<10000x128xf32, #tpu.memory_space<hbm>>) target(%dma_start3A_440 : memref<80x128xf32, #tpu.memory_space<vmem>>) offsets(%dma_start3A_443 : memref<80xi32, #tpu.memory_space<vmem>>) semaphore(%dma_start3A_448 : memref<!tpu.dma_semaphore, #tpu.memory_space<semaphore_mem>>)
      } else {
      }
      %mul3A_407 = arith.constant 3 : i32
      %mul3A_408 = arith.muli %scan3A_299, %mul3A_407 : i32
      %add3A_409 = arith.constant 2 : i32
      %add3A_410 = arith.addi %mul3A_408, %add3A_409 : i32
      %mul3A_411 = arith.constant 80 : i32
      %mul3A_412 = arith.muli %add3A_410, %mul3A_411 : i32
      %add3A_413 = arith.addi %mul3A_2, %mul3A_412 : i32
      %add3A_414 = arith.constant 160 : i32
      %add3A_415 = arith.addi %mul3A_6, %add3A_414 : i32
      "tpu.region"() ({
        %run_scoped3A = tpu.sem_alloc : memref<!tpu.dma_semaphore, #tpu.memory_space<semaphore_mem>>
        %dma_start3A_423 = arith.constant 160 : i32
        %dma_start3A_424 = arith.constant 0 : i32
        %dma_start3A_425 = tpu.memref_slice %arg10[%dma_start3A_423, %dma_start3A_424] : memref<240x128xf32, #tpu.memory_space<vmem>> -> memref<80x128xf32, #tpu.memory_space<vmem>>
        %dma_start3A_426 = arith.constant 0 : i32
        %dma_start3A_427 = tpu.memref_slice %arg12[%add3A_415, %dma_start3A_426] : memref<3840x128xf32, #tpu.memory_space<vmem_shared>> -> memref<80x128xf32, #tpu.memory_space<vmem_shared>>
        %dma_start3A_428 = arith.constant 0 : i32
        %dma_start3A_429 = tpu.memref_slice %arg12[%add3A_415, %dma_start3A_428] : memref<3840x128xf32, #tpu.memory_space<vmem_shared>> -> memref<80x128xf32, #tpu.memory_space<vmem_shared>>
        %dma_start3A_430 = arith.constant 160 : i32
        %dma_start3A_431 = arith.constant 0 : i32
        %dma_start3A_432 = tpu.memref_slice %arg10[%dma_start3A_430, %dma_start3A_431] : memref<240x128xf32, #tpu.memory_space<vmem>> -> memref<80x128xf32, #tpu.memory_space<vmem>>
        tpu.enqueue_dma source(%dma_start3A_432 : memref<80x128xf32, #tpu.memory_space<vmem>>) target(%dma_start3A_429 : memref<80x128xf32, #tpu.memory_space<vmem_shared>>) target_semaphore(%run_scoped3A : memref<!tpu.dma_semaphore, #tpu.memory_space<semaphore_mem>>)
        %dma_wait3A_433 = arith.constant 160 : i32
        %dma_wait3A_434 = arith.constant 0 : i32
        %dma_wait3A_435 = tpu.memref_slice %arg10[%dma_wait3A_433, %dma_wait3A_434] : memref<240x128xf32, #tpu.memory_space<vmem>> -> memref<80x128xf32, #tpu.memory_space<vmem>>
        %dma_wait3A_436 = arith.constant 0 : i32
        %dma_wait3A_437 = tpu.memref_slice %arg12[%add3A_415, %dma_wait3A_436] : memref<3840x128xf32, #tpu.memory_space<vmem_shared>> -> memref<80x128xf32, #tpu.memory_space<vmem_shared>>
        %dma_wait3A_438 = arith.constant 0 : i32
        %dma_wait3A_439 = tpu.memref_slice %arg12[%add3A_415, %dma_wait3A_438] : memref<3840x128xf32, #tpu.memory_space<vmem_shared>> -> memref<80x128xf32, #tpu.memory_space<vmem_shared>>
        %dma_wait3A_440 = arith.constant 160 : i32
        %dma_wait3A_441 = arith.constant 0 : i32
        %dma_wait3A_442 = tpu.memref_slice %arg10[%dma_wait3A_440, %dma_wait3A_441] : memref<240x128xf32, #tpu.memory_space<vmem>> -> memref<80x128xf32, #tpu.memory_space<vmem>>
        tpu.wait_dma2 semaphore(%run_scoped3A : memref<!tpu.dma_semaphore, #tpu.memory_space<semaphore_mem>>) src(%dma_wait3A_442 : memref<80x128xf32, #tpu.memory_space<vmem>>) dst(%dma_wait3A_439 : memref<80x128xf32, #tpu.memory_space<vmem_shared>>)
        tpu.yield
      }) : () -> ()
      "tpu.region"() ({
        %run_scoped3A = tpu.sem_alloc : memref<!tpu.dma_semaphore, #tpu.memory_space<semaphore_mem>>
        %dma_start3A_423 = arith.constant 160 : i32
        %dma_start3A_424 = arith.constant 0 : i32
        %dma_start3A_425 = tpu.memref_slice %arg11[%dma_start3A_423, %dma_start3A_424] : memref<240x128xf32, #tpu.memory_space<vmem>> -> memref<80x128xf32, #tpu.memory_space<vmem>>
        %dma_start3A_426 = arith.constant 160 : i32
        %dma_start3A_427 = tpu.memref_slice %arg9[%dma_start3A_426] : memref<240xi32, #tpu.memory_space<vmem>> -> memref<80xi32, #tpu.memory_space<vmem>>
        %dma_start3A_428 = arith.constant 0 : i32
        %dma_start3A_429 = arith.constant 0 : i32
        %dma_start3A_430 = tpu.memref_slice %arg12[%dma_start3A_428, %dma_start3A_429] : memref<3840x128xf32, #tpu.memory_space<vmem_shared>> -> memref<3840x128xf32, #tpu.memory_space<vmem_shared>>
        tpu.enqueue_indirect_dma source(%dma_start3A_425 : memref<80x128xf32, #tpu.memory_space<vmem>>) target(%dma_start3A_430 : memref<3840x128xf32, #tpu.memory_space<vmem_shared>>) offsets(%dma_start3A_427 : memref<80xi32, #tpu.memory_space<vmem>>) semaphore(%run_scoped3A : memref<!tpu.dma_semaphore, #tpu.memory_space<semaphore_mem>>) {add = true}
        %dma_wait3A_431 = arith.constant 160 : i32
        %dma_wait3A_432 = arith.constant 0 : i32
        %dma_wait3A_433 = tpu.memref_slice %arg11[%dma_wait3A_431, %dma_wait3A_432] : memref<240x128xf32, #tpu.memory_space<vmem>> -> memref<80x128xf32, #tpu.memory_space<vmem>>
        %dma_wait3A_434 = arith.constant 160 : i32
        %dma_wait3A_435 = tpu.memref_slice %arg9[%dma_wait3A_434] : memref<240xi32, #tpu.memory_space<vmem>> -> memref<80xi32, #tpu.memory_space<vmem>>
        %dma_wait3A_436 = arith.constant 0 : i32
        %dma_wait3A_437 = arith.constant 0 : i32
        %dma_wait3A_438 = tpu.memref_slice %arg12[%dma_wait3A_436, %dma_wait3A_437] : memref<3840x128xf32, #tpu.memory_space<vmem_shared>> -> memref<3840x128xf32, #tpu.memory_space<vmem_shared>>
        tpu.wait_indirect_dma semaphore(%run_scoped3A : memref<!tpu.dma_semaphore, #tpu.memory_space<semaphore_mem>>) src(%dma_wait3A_433 : memref<80x128xf32, #tpu.memory_space<vmem>>) dst(%dma_wait3A_438 : memref<3840x128xf32, #tpu.memory_space<vmem_shared>>)
        tpu.yield
      }) : () -> ()
      %add3A_416 = arith.constant 160 : i32
      %add3A_417 = arith.addi %mul3A_6, %add3A_416 : i32
      "tpu.region"() ({
        %run_scoped3A = tpu.sem_alloc : memref<!tpu.dma_semaphore, #tpu.memory_space<semaphore_mem>>
        %dma_start3A_423 = arith.constant 0 : i32
        %dma_start3A_424 = tpu.memref_slice %arg6[%add3A_413, %dma_start3A_423] : memref<320000x128xf32, #tpu.memory_space<hbm>> -> memref<80x128xf32, #tpu.memory_space<hbm>>
        %dma_start3A_425 = arith.constant 0 : i32
        %dma_start3A_426 = tpu.memref_slice %arg12[%add3A_417, %dma_start3A_425] : memref<3840x128xf32, #tpu.memory_space<vmem_shared>> -> memref<80x128xf32, #tpu.memory_space<vmem_shared>>
        tpu.enqueue_dma source(%dma_start3A_426 : memref<80x128xf32, #tpu.memory_space<vmem_shared>>) target(%dma_start3A_424 : memref<80x128xf32, #tpu.memory_space<hbm>>) target_semaphore(%run_scoped3A : memref<!tpu.dma_semaphore, #tpu.memory_space<semaphore_mem>>)
        %dma_wait3A_427 = arith.constant 0 : i32
        %dma_wait3A_428 = tpu.memref_slice %arg6[%add3A_413, %dma_wait3A_427] : memref<320000x128xf32, #tpu.memory_space<hbm>> -> memref<80x128xf32, #tpu.memory_space<hbm>>
        %dma_wait3A_429 = arith.constant 0 : i32
        %dma_wait3A_430 = tpu.memref_slice %arg12[%add3A_417, %dma_wait3A_429] : memref<3840x128xf32, #tpu.memory_space<vmem_shared>> -> memref<80x128xf32, #tpu.memory_space<vmem_shared>>
        tpu.wait_dma2 semaphore(%run_scoped3A : memref<!tpu.dma_semaphore, #tpu.memory_space<semaphore_mem>>) src(%dma_wait3A_430 : memref<80x128xf32, #tpu.memory_space<vmem_shared>>) dst(%dma_wait3A_428 : memref<80x128xf32, #tpu.memory_space<hbm>>)
        tpu.yield
      }) : () -> ()
      %lt3A_418 = arith.constant 40 : i32
      %lt3A_419 = arith.cmpi slt, %scan3A_299, %lt3A_418 : i32
      %convert_element_type3A_420 = arith.extui %lt3A_419 : i1 to i32
      %cond3A_421 = arith.constant 0 : i32
      %cond3A_422 = arith.cmpi ne, %convert_element_type3A_420, %cond3A_421 : i32
      scf.if %cond3A_422 {
        %add3A_423 = arith.constant 3 : i32
        %add3A_424 = arith.addi %add3A_410, %add3A_423 : i32
        %dma_start3A_425 = arith.constant 2 : i32
        %dma_start3A_426 = arith.constant 160 : i32
        %dma_start3A_427 = arith.constant 0 : i32
        %dma_start3A_428 = tpu.memref_slice %arg10[%dma_start3A_426, %dma_start3A_427] : memref<240x128xf32, #tpu.memory_space<vmem>> -> memref<80x128xf32, #tpu.memory_space<vmem>>
        %dma_start3A_429 = arith.constant 0 : i32
        %dma_start3A_430 = tpu.memref_slice %arg7[%add3A_424, %dma_start3A_429] : memref<125x80xi32, #tpu.memory_space<vmem>> -> memref<1x80xi32, #tpu.memory_space<vmem>>
        %dma_start3A_431 = tpu.memref_squeeze %dma_start3A_430 : memref<1x80xi32, #tpu.memory_space<vmem>> -> memref<80xi32, #tpu.memory_space<vmem>>
        %dma_start3A_432 = arith.constant 0 : i32
        %dma_start3A_433 = arith.constant 0 : i32
        %dma_start3A_434 = tpu.memref_slice %arg2[%dma_start3A_432, %dma_start3A_433] : memref<10000x128xf32, #tpu.memory_space<hbm>> -> memref<10000x128xf32, #tpu.memory_space<hbm>>
        %dma_start3A_435 = tpu.memref_slice %arg13[%dma_start3A_425] : memref<3x!tpu.dma_semaphore, #tpu.memory_space<semaphore_mem>> -> memref<1x!tpu.dma_semaphore, #tpu.memory_space<semaphore_mem>>
        %dma_start3A_436 = tpu.memref_squeeze %dma_start3A_435 : memref<1x!tpu.dma_semaphore, #tpu.memory_space<semaphore_mem>> -> memref<!tpu.dma_semaphore, #tpu.memory_space<semaphore_mem>>
        tpu.enqueue_indirect_dma source(%dma_start3A_434 : memref<10000x128xf32, #tpu.memory_space<hbm>>) target(%dma_start3A_428 : memref<80x128xf32, #tpu.memory_space<vmem>>) offsets(%dma_start3A_431 : memref<80xi32, #tpu.memory_space<vmem>>) semaphore(%dma_start3A_436 : memref<!tpu.dma_semaphore, #tpu.memory_space<semaphore_mem>>)
        %dma_start3A_437 = arith.constant 2 : i32
        %dma_start3A_438 = arith.constant 160 : i32
        %dma_start3A_439 = arith.constant 0 : i32
        %dma_start3A_440 = tpu.memref_slice %arg11[%dma_start3A_438, %dma_start3A_439] : memref<240x128xf32, #tpu.memory_space<vmem>> -> memref<80x128xf32, #tpu.memory_space<vmem>>
        %dma_start3A_441 = arith.constant 0 : i32
        %dma_start3A_442 = tpu.memref_slice %arg8[%add3A_424, %dma_start3A_441] : memref<125x80xi32, #tpu.memory_space<vmem>> -> memref<1x80xi32, #tpu.memory_space<vmem>>
        %dma_start3A_443 = tpu.memref_squeeze %dma_start3A_442 : memref<1x80xi32, #tpu.memory_space<vmem>> -> memref<80xi32, #tpu.memory_space<vmem>>
        %dma_start3A_444 = arith.constant 0 : i32
        %dma_start3A_445 = arith.constant 0 : i32
        %dma_start3A_446 = tpu.memref_slice %arg3[%dma_start3A_444, %dma_start3A_445] : memref<10000x128xf32, #tpu.memory_space<hbm>> -> memref<10000x128xf32, #tpu.memory_space<hbm>>
        %dma_start3A_447 = tpu.memref_slice %arg14[%dma_start3A_437] : memref<3x!tpu.dma_semaphore, #tpu.memory_space<semaphore_mem>> -> memref<1x!tpu.dma_semaphore, #tpu.memory_space<semaphore_mem>>
        %dma_start3A_448 = tpu.memref_squeeze %dma_start3A_447 : memref<1x!tpu.dma_semaphore, #tpu.memory_space<semaphore_mem>> -> memref<!tpu.dma_semaphore, #tpu.memory_space<semaphore_mem>>
        tpu.enqueue_indirect_dma source(%dma_start3A_446 : memref<10000x128xf32, #tpu.memory_space<hbm>>) target(%dma_start3A_440 : memref<80x128xf32, #tpu.memory_space<vmem>>) offsets(%dma_start3A_443 : memref<80xi32, #tpu.memory_space<vmem>>) semaphore(%dma_start3A_448 : memref<!tpu.dma_semaphore, #tpu.memory_space<semaphore_mem>>)
      } else {
      }
    }
    %scan3A_191 = arith.constant 41 : i32
    %add3A_192 = arith.constant 9840 : i32
    %add3A_193 = arith.addi %mul3A_2, %add3A_192 : i32
    %dma_start3A_194 = arith.constant 123 : i32
    %dma_start3A_195 = arith.constant 0 : i32
    %dma_start3A_196 = arith.constant 0 : i32
    %dma_start3A_197 = arith.constant 0 : i32
    %dma_start3A_198 = tpu.memref_slice %arg10[%dma_start3A_196, %dma_start3A_197] : memref<240x128xf32, #tpu.memory_space<vmem>> -> memref<80x128xf32, #tpu.memory_space<vmem>>
    %dma_start3A_199 = arith.constant 0 : i32
    %dma_start3A_200 = tpu.memref_slice %arg7[%dma_start3A_194, %dma_start3A_199] : memref<125x80xi32, #tpu.memory_space<vmem>> -> memref<1x80xi32, #tpu.memory_space<vmem>>
    %dma_start3A_201 = tpu.memref_squeeze %dma_start3A_200 : memref<1x80xi32, #tpu.memory_space<vmem>> -> memref<80xi32, #tpu.memory_space<vmem>>
    %dma_start3A_202 = arith.constant 0 : i32
    %dma_start3A_203 = arith.constant 0 : i32
    %dma_start3A_204 = tpu.memref_slice %arg2[%dma_start3A_202, %dma_start3A_203] : memref<10000x128xf32, #tpu.memory_space<hbm>> -> memref<10000x128xf32, #tpu.memory_space<hbm>>
    %dma_start3A_205 = tpu.memref_slice %arg13[%dma_start3A_195] : memref<3x!tpu.dma_semaphore, #tpu.memory_space<semaphore_mem>> -> memref<1x!tpu.dma_semaphore, #tpu.memory_space<semaphore_mem>>
    %dma_start3A_206 = tpu.memref_squeeze %dma_start3A_205 : memref<1x!tpu.dma_semaphore, #tpu.memory_space<semaphore_mem>> -> memref<!tpu.dma_semaphore, #tpu.memory_space<semaphore_mem>>
    tpu.enqueue_indirect_dma source(%dma_start3A_204 : memref<10000x128xf32, #tpu.memory_space<hbm>>) target(%dma_start3A_198 : memref<80x128xf32, #tpu.memory_space<vmem>>) offsets(%dma_start3A_201 : memref<80xi32, #tpu.memory_space<vmem>>) semaphore(%dma_start3A_206 : memref<!tpu.dma_semaphore, #tpu.memory_space<semaphore_mem>>)
    %dma_start3A_207 = arith.constant 123 : i32
    %dma_start3A_208 = arith.constant 0 : i32
    %dma_start3A_209 = arith.constant 0 : i32
    %dma_start3A_210 = arith.constant 0 : i32
    %dma_start3A_211 = tpu.memref_slice %arg11[%dma_start3A_209, %dma_start3A_210] : memref<240x128xf32, #tpu.memory_space<vmem>> -> memref<80x128xf32, #tpu.memory_space<vmem>>
    %dma_start3A_212 = arith.constant 0 : i32
    %dma_start3A_213 = tpu.memref_slice %arg8[%dma_start3A_207, %dma_start3A_212] : memref<125x80xi32, #tpu.memory_space<vmem>> -> memref<1x80xi32, #tpu.memory_space<vmem>>
    %dma_start3A_214 = tpu.memref_squeeze %dma_start3A_213 : memref<1x80xi32, #tpu.memory_space<vmem>> -> memref<80xi32, #tpu.memory_space<vmem>>
    %dma_start3A_215 = arith.constant 0 : i32
    %dma_start3A_216 = arith.constant 0 : i32
    %dma_start3A_217 = tpu.memref_slice %arg3[%dma_start3A_215, %dma_start3A_216] : memref<10000x128xf32, #tpu.memory_space<hbm>> -> memref<10000x128xf32, #tpu.memory_space<hbm>>
    %dma_start3A_218 = tpu.memref_slice %arg14[%dma_start3A_208] : memref<3x!tpu.dma_semaphore, #tpu.memory_space<semaphore_mem>> -> memref<1x!tpu.dma_semaphore, #tpu.memory_space<semaphore_mem>>
    %dma_start3A_219 = tpu.memref_squeeze %dma_start3A_218 : memref<1x!tpu.dma_semaphore, #tpu.memory_space<semaphore_mem>> -> memref<!tpu.dma_semaphore, #tpu.memory_space<semaphore_mem>>
    tpu.enqueue_indirect_dma source(%dma_start3A_217 : memref<10000x128xf32, #tpu.memory_space<hbm>>) target(%dma_start3A_211 : memref<80x128xf32, #tpu.memory_space<vmem>>) offsets(%dma_start3A_214 : memref<80xi32, #tpu.memory_space<vmem>>) semaphore(%dma_start3A_219 : memref<!tpu.dma_semaphore, #tpu.memory_space<semaphore_mem>>)
    %dma_wait3A = arith.constant 123 : i32
    %dma_wait3A_220 = arith.constant 0 : i32
    %dma_wait3A_221 = arith.constant 0 : i32
    %dma_wait3A_222 = arith.constant 0 : i32
    %dma_wait3A_223 = tpu.memref_slice %arg10[%dma_wait3A_221, %dma_wait3A_222] : memref<240x128xf32, #tpu.memory_space<vmem>> -> memref<80x128xf32, #tpu.memory_space<vmem>>
    %dma_wait3A_224 = arith.constant 0 : i32
    %dma_wait3A_225 = tpu.memref_slice %arg7[%dma_wait3A, %dma_wait3A_224] : memref<125x80xi32, #tpu.memory_space<vmem>> -> memref<1x80xi32, #tpu.memory_space<vmem>>
    %dma_wait3A_226 = tpu.memref_squeeze %dma_wait3A_225 : memref<1x80xi32, #tpu.memory_space<vmem>> -> memref<80xi32, #tpu.memory_space<vmem>>
    %dma_wait3A_227 = arith.constant 0 : i32
    %dma_wait3A_228 = arith.constant 0 : i32
    %dma_wait3A_229 = tpu.memref_slice %arg2[%dma_wait3A_227, %dma_wait3A_228] : memref<10000x128xf32, #tpu.memory_space<hbm>> -> memref<10000x128xf32, #tpu.memory_space<hbm>>
    %dma_wait3A_230 = tpu.memref_slice %arg13[%dma_wait3A_220] : memref<3x!tpu.dma_semaphore, #tpu.memory_space<semaphore_mem>> -> memref<1x!tpu.dma_semaphore, #tpu.memory_space<semaphore_mem>>
    %dma_wait3A_231 = tpu.memref_squeeze %dma_wait3A_230 : memref<1x!tpu.dma_semaphore, #tpu.memory_space<semaphore_mem>> -> memref<!tpu.dma_semaphore, #tpu.memory_space<semaphore_mem>>
    tpu.wait_indirect_dma semaphore(%dma_wait3A_231 : memref<!tpu.dma_semaphore, #tpu.memory_space<semaphore_mem>>) src(%dma_wait3A_229 : memref<10000x128xf32, #tpu.memory_space<hbm>>) dst(%dma_wait3A_223 : memref<80x128xf32, #tpu.memory_space<vmem>>)
    %dma_wait3A_232 = arith.constant 123 : i32
    %dma_wait3A_233 = arith.constant 0 : i32
    %dma_wait3A_234 = arith.constant 0 : i32
    %dma_wait3A_235 = arith.constant 0 : i32
    %dma_wait3A_236 = tpu.memref_slice %arg11[%dma_wait3A_234, %dma_wait3A_235] : memref<240x128xf32, #tpu.memory_space<vmem>> -> memref<80x128xf32, #tpu.memory_space<vmem>>
    %dma_wait3A_237 = arith.constant 0 : i32
    %dma_wait3A_238 = tpu.memref_slice %arg8[%dma_wait3A_232, %dma_wait3A_237] : memref<125x80xi32, #tpu.memory_space<vmem>> -> memref<1x80xi32, #tpu.memory_space<vmem>>
    %dma_wait3A_239 = tpu.memref_squeeze %dma_wait3A_238 : memref<1x80xi32, #tpu.memory_space<vmem>> -> memref<80xi32, #tpu.memory_space<vmem>>
    %dma_wait3A_240 = arith.constant 0 : i32
    %dma_wait3A_241 = arith.constant 0 : i32
    %dma_wait3A_242 = tpu.memref_slice %arg3[%dma_wait3A_240, %dma_wait3A_241] : memref<10000x128xf32, #tpu.memory_space<hbm>> -> memref<10000x128xf32, #tpu.memory_space<hbm>>
    %dma_wait3A_243 = tpu.memref_slice %arg14[%dma_wait3A_233] : memref<3x!tpu.dma_semaphore, #tpu.memory_space<semaphore_mem>> -> memref<1x!tpu.dma_semaphore, #tpu.memory_space<semaphore_mem>>
    %dma_wait3A_244 = tpu.memref_squeeze %dma_wait3A_243 : memref<1x!tpu.dma_semaphore, #tpu.memory_space<semaphore_mem>> -> memref<!tpu.dma_semaphore, #tpu.memory_space<semaphore_mem>>
    tpu.wait_indirect_dma semaphore(%dma_wait3A_244 : memref<!tpu.dma_semaphore, #tpu.memory_space<semaphore_mem>>) src(%dma_wait3A_242 : memref<10000x128xf32, #tpu.memory_space<hbm>>) dst(%dma_wait3A_236 : memref<80x128xf32, #tpu.memory_space<vmem>>)
    "tpu.region"() ({
      %run_scoped3A = tpu.sem_alloc : memref<!tpu.dma_semaphore, #tpu.memory_space<semaphore_mem>>
      %dma_start3A_299 = arith.constant 0 : i32
      %dma_start3A_300 = arith.constant 0 : i32
      %dma_start3A_301 = tpu.memref_slice %arg10[%dma_start3A_299, %dma_start3A_300] : memref<240x128xf32, #tpu.memory_space<vmem>> -> memref<80x128xf32, #tpu.memory_space<vmem>>
      %dma_start3A_302 = arith.constant 0 : i32
      %dma_start3A_303 = tpu.memref_slice %arg12[%mul3A_6, %dma_start3A_302] : memref<3840x128xf32, #tpu.memory_space<vmem_shared>> -> memref<80x128xf32, #tpu.memory_space<vmem_shared>>
      %dma_start3A_304 = arith.constant 0 : i32
      %dma_start3A_305 = tpu.memref_slice %arg12[%mul3A_6, %dma_start3A_304] : memref<3840x128xf32, #tpu.memory_space<vmem_shared>> -> memref<80x128xf32, #tpu.memory_space<vmem_shared>>
      %dma_start3A_306 = arith.constant 0 : i32
      %dma_start3A_307 = arith.constant 0 : i32
      %dma_start3A_308 = tpu.memref_slice %arg10[%dma_start3A_306, %dma_start3A_307] : memref<240x128xf32, #tpu.memory_space<vmem>> -> memref<80x128xf32, #tpu.memory_space<vmem>>
      tpu.enqueue_dma source(%dma_start3A_308 : memref<80x128xf32, #tpu.memory_space<vmem>>) target(%dma_start3A_305 : memref<80x128xf32, #tpu.memory_space<vmem_shared>>) target_semaphore(%run_scoped3A : memref<!tpu.dma_semaphore, #tpu.memory_space<semaphore_mem>>)
      %dma_wait3A_309 = arith.constant 0 : i32
      %dma_wait3A_310 = arith.constant 0 : i32
      %dma_wait3A_311 = tpu.memref_slice %arg10[%dma_wait3A_309, %dma_wait3A_310] : memref<240x128xf32, #tpu.memory_space<vmem>> -> memref<80x128xf32, #tpu.memory_space<vmem>>
      %dma_wait3A_312 = arith.constant 0 : i32
      %dma_wait3A_313 = tpu.memref_slice %arg12[%mul3A_6, %dma_wait3A_312] : memref<3840x128xf32, #tpu.memory_space<vmem_shared>> -> memref<80x128xf32, #tpu.memory_space<vmem_shared>>
      %dma_wait3A_314 = arith.constant 0 : i32
      %dma_wait3A_315 = tpu.memref_slice %arg12[%mul3A_6, %dma_wait3A_314] : memref<3840x128xf32, #tpu.memory_space<vmem_shared>> -> memref<80x128xf32, #tpu.memory_space<vmem_shared>>
      %dma_wait3A_316 = arith.constant 0 : i32
      %dma_wait3A_317 = arith.constant 0 : i32
      %dma_wait3A_318 = tpu.memref_slice %arg10[%dma_wait3A_316, %dma_wait3A_317] : memref<240x128xf32, #tpu.memory_space<vmem>> -> memref<80x128xf32, #tpu.memory_space<vmem>>
      tpu.wait_dma2 semaphore(%run_scoped3A : memref<!tpu.dma_semaphore, #tpu.memory_space<semaphore_mem>>) src(%dma_wait3A_318 : memref<80x128xf32, #tpu.memory_space<vmem>>) dst(%dma_wait3A_315 : memref<80x128xf32, #tpu.memory_space<vmem_shared>>)
      tpu.yield
    }) : () -> ()
    "tpu.region"() ({
      %run_scoped3A = tpu.sem_alloc : memref<!tpu.dma_semaphore, #tpu.memory_space<semaphore_mem>>
      %dma_start3A_299 = arith.constant 0 : i32
      %dma_start3A_300 = arith.constant 0 : i32
      %dma_start3A_301 = tpu.memref_slice %arg11[%dma_start3A_299, %dma_start3A_300] : memref<240x128xf32, #tpu.memory_space<vmem>> -> memref<80x128xf32, #tpu.memory_space<vmem>>
      %dma_start3A_302 = arith.constant 0 : i32
      %dma_start3A_303 = tpu.memref_slice %arg9[%dma_start3A_302] : memref<240xi32, #tpu.memory_space<vmem>> -> memref<80xi32, #tpu.memory_space<vmem>>
      %dma_start3A_304 = arith.constant 0 : i32
      %dma_start3A_305 = arith.constant 0 : i32
      %dma_start3A_306 = tpu.memref_slice %arg12[%dma_start3A_304, %dma_start3A_305] : memref<3840x128xf32, #tpu.memory_space<vmem_shared>> -> memref<3840x128xf32, #tpu.memory_space<vmem_shared>>
      tpu.enqueue_indirect_dma source(%dma_start3A_301 : memref<80x128xf32, #tpu.memory_space<vmem>>) target(%dma_start3A_306 : memref<3840x128xf32, #tpu.memory_space<vmem_shared>>) offsets(%dma_start3A_303 : memref<80xi32, #tpu.memory_space<vmem>>) semaphore(%run_scoped3A : memref<!tpu.dma_semaphore, #tpu.memory_space<semaphore_mem>>) {add = true}
      %dma_wait3A_307 = arith.constant 0 : i32
      %dma_wait3A_308 = arith.constant 0 : i32
      %dma_wait3A_309 = tpu.memref_slice %arg11[%dma_wait3A_307, %dma_wait3A_308] : memref<240x128xf32, #tpu.memory_space<vmem>> -> memref<80x128xf32, #tpu.memory_space<vmem>>
      %dma_wait3A_310 = arith.constant 0 : i32
      %dma_wait3A_311 = tpu.memref_slice %arg9[%dma_wait3A_310] : memref<240xi32, #tpu.memory_space<vmem>> -> memref<80xi32, #tpu.memory_space<vmem>>
      %dma_wait3A_312 = arith.constant 0 : i32
      %dma_wait3A_313 = arith.constant 0 : i32
      %dma_wait3A_314 = tpu.memref_slice %arg12[%dma_wait3A_312, %dma_wait3A_313] : memref<3840x128xf32, #tpu.memory_space<vmem_shared>> -> memref<3840x128xf32, #tpu.memory_space<vmem_shared>>
      tpu.wait_indirect_dma semaphore(%run_scoped3A : memref<!tpu.dma_semaphore, #tpu.memory_space<semaphore_mem>>) src(%dma_wait3A_309 : memref<80x128xf32, #tpu.memory_space<vmem>>) dst(%dma_wait3A_314 : memref<3840x128xf32, #tpu.memory_space<vmem_shared>>)
      tpu.yield
    }) : () -> ()
    "tpu.region"() ({
      %run_scoped3A = tpu.sem_alloc : memref<!tpu.dma_semaphore, #tpu.memory_space<semaphore_mem>>
      %dma_start3A_299 = arith.constant 0 : i32
      %dma_start3A_300 = tpu.memref_slice %arg6[%add3A_193, %dma_start3A_299] : memref<320000x128xf32, #tpu.memory_space<hbm>> -> memref<80x128xf32, #tpu.memory_space<hbm>>
      %dma_start3A_301 = arith.constant 0 : i32
      %dma_start3A_302 = tpu.memref_slice %arg12[%mul3A_6, %dma_start3A_301] : memref<3840x128xf32, #tpu.memory_space<vmem_shared>> -> memref<80x128xf32, #tpu.memory_space<vmem_shared>>
      tpu.enqueue_dma source(%dma_start3A_302 : memref<80x128xf32, #tpu.memory_space<vmem_shared>>) target(%dma_start3A_300 : memref<80x128xf32, #tpu.memory_space<hbm>>) target_semaphore(%run_scoped3A : memref<!tpu.dma_semaphore, #tpu.memory_space<semaphore_mem>>)
      %dma_wait3A_303 = arith.constant 0 : i32
      %dma_wait3A_304 = tpu.memref_slice %arg6[%add3A_193, %dma_wait3A_303] : memref<320000x128xf32, #tpu.memory_space<hbm>> -> memref<80x128xf32, #tpu.memory_space<hbm>>
      %dma_wait3A_305 = arith.constant 0 : i32
      %dma_wait3A_306 = tpu.memref_slice %arg12[%mul3A_6, %dma_wait3A_305] : memref<3840x128xf32, #tpu.memory_space<vmem_shared>> -> memref<80x128xf32, #tpu.memory_space<vmem_shared>>
      tpu.wait_dma2 semaphore(%run_scoped3A : memref<!tpu.dma_semaphore, #tpu.memory_space<semaphore_mem>>) src(%dma_wait3A_306 : memref<80x128xf32, #tpu.memory_space<vmem_shared>>) dst(%dma_wait3A_304 : memref<80x128xf32, #tpu.memory_space<hbm>>)
      tpu.yield
    }) : () -> ()
    %add3A_245 = arith.constant 9920 : i32
    %add3A_246 = arith.addi %mul3A_2, %add3A_245 : i32
    %dma_start3A_247 = arith.constant 124 : i32
    %dma_start3A_248 = arith.constant 0 : i32
    %dma_start3A_249 = arith.constant 0 : i32
    %dma_start3A_250 = arith.constant 0 : i32
    %dma_start3A_251 = tpu.memref_slice %arg10[%dma_start3A_249, %dma_start3A_250] : memref<240x128xf32, #tpu.memory_space<vmem>> -> memref<80x128xf32, #tpu.memory_space<vmem>>
    %dma_start3A_252 = arith.constant 0 : i32
    %dma_start3A_253 = tpu.memref_slice %arg7[%dma_start3A_247, %dma_start3A_252] : memref<125x80xi32, #tpu.memory_space<vmem>> -> memref<1x80xi32, #tpu.memory_space<vmem>>
    %dma_start3A_254 = tpu.memref_squeeze %dma_start3A_253 : memref<1x80xi32, #tpu.memory_space<vmem>> -> memref<80xi32, #tpu.memory_space<vmem>>
    %dma_start3A_255 = arith.constant 0 : i32
    %dma_start3A_256 = arith.constant 0 : i32
    %dma_start3A_257 = tpu.memref_slice %arg2[%dma_start3A_255, %dma_start3A_256] : memref<10000x128xf32, #tpu.memory_space<hbm>> -> memref<10000x128xf32, #tpu.memory_space<hbm>>
    %dma_start3A_258 = tpu.memref_slice %arg13[%dma_start3A_248] : memref<3x!tpu.dma_semaphore, #tpu.memory_space<semaphore_mem>> -> memref<1x!tpu.dma_semaphore, #tpu.memory_space<semaphore_mem>>
    %dma_start3A_259 = tpu.memref_squeeze %dma_start3A_258 : memref<1x!tpu.dma_semaphore, #tpu.memory_space<semaphore_mem>> -> memref<!tpu.dma_semaphore, #tpu.memory_space<semaphore_mem>>
    tpu.enqueue_indirect_dma source(%dma_start3A_257 : memref<10000x128xf32, #tpu.memory_space<hbm>>) target(%dma_start3A_251 : memref<80x128xf32, #tpu.memory_space<vmem>>) offsets(%dma_start3A_254 : memref<80xi32, #tpu.memory_space<vmem>>) semaphore(%dma_start3A_259 : memref<!tpu.dma_semaphore, #tpu.memory_space<semaphore_mem>>)
    %dma_start3A_260 = arith.constant 124 : i32
    %dma_start3A_261 = arith.constant 0 : i32
    %dma_start3A_262 = arith.constant 0 : i32
    %dma_start3A_263 = arith.constant 0 : i32
    %dma_start3A_264 = tpu.memref_slice %arg11[%dma_start3A_262, %dma_start3A_263] : memref<240x128xf32, #tpu.memory_space<vmem>> -> memref<80x128xf32, #tpu.memory_space<vmem>>
    %dma_start3A_265 = arith.constant 0 : i32
    %dma_start3A_266 = tpu.memref_slice %arg8[%dma_start3A_260, %dma_start3A_265] : memref<125x80xi32, #tpu.memory_space<vmem>> -> memref<1x80xi32, #tpu.memory_space<vmem>>
    %dma_start3A_267 = tpu.memref_squeeze %dma_start3A_266 : memref<1x80xi32, #tpu.memory_space<vmem>> -> memref<80xi32, #tpu.memory_space<vmem>>
    %dma_start3A_268 = arith.constant 0 : i32
    %dma_start3A_269 = arith.constant 0 : i32
    %dma_start3A_270 = tpu.memref_slice %arg3[%dma_start3A_268, %dma_start3A_269] : memref<10000x128xf32, #tpu.memory_space<hbm>> -> memref<10000x128xf32, #tpu.memory_space<hbm>>
    %dma_start3A_271 = tpu.memref_slice %arg14[%dma_start3A_261] : memref<3x!tpu.dma_semaphore, #tpu.memory_space<semaphore_mem>> -> memref<1x!tpu.dma_semaphore, #tpu.memory_space<semaphore_mem>>
    %dma_start3A_272 = tpu.memref_squeeze %dma_start3A_271 : memref<1x!tpu.dma_semaphore, #tpu.memory_space<semaphore_mem>> -> memref<!tpu.dma_semaphore, #tpu.memory_space<semaphore_mem>>
    tpu.enqueue_indirect_dma source(%dma_start3A_270 : memref<10000x128xf32, #tpu.memory_space<hbm>>) target(%dma_start3A_264 : memref<80x128xf32, #tpu.memory_space<vmem>>) offsets(%dma_start3A_267 : memref<80xi32, #tpu.memory_space<vmem>>) semaphore(%dma_start3A_272 : memref<!tpu.dma_semaphore, #tpu.memory_space<semaphore_mem>>)
    %dma_wait3A_273 = arith.constant 124 : i32
    %dma_wait3A_274 = arith.constant 0 : i32
    %dma_wait3A_275 = arith.constant 0 : i32
    %dma_wait3A_276 = arith.constant 0 : i32
    %dma_wait3A_277 = tpu.memref_slice %arg10[%dma_wait3A_275, %dma_wait3A_276] : memref<240x128xf32, #tpu.memory_space<vmem>> -> memref<80x128xf32, #tpu.memory_space<vmem>>
    %dma_wait3A_278 = arith.constant 0 : i32
    %dma_wait3A_279 = tpu.memref_slice %arg7[%dma_wait3A_273, %dma_wait3A_278] : memref<125x80xi32, #tpu.memory_space<vmem>> -> memref<1x80xi32, #tpu.memory_space<vmem>>
    %dma_wait3A_280 = tpu.memref_squeeze %dma_wait3A_279 : memref<1x80xi32, #tpu.memory_space<vmem>> -> memref<80xi32, #tpu.memory_space<vmem>>
    %dma_wait3A_281 = arith.constant 0 : i32
    %dma_wait3A_282 = arith.constant 0 : i32
    %dma_wait3A_283 = tpu.memref_slice %arg2[%dma_wait3A_281, %dma_wait3A_282] : memref<10000x128xf32, #tpu.memory_space<hbm>> -> memref<10000x128xf32, #tpu.memory_space<hbm>>
    %dma_wait3A_284 = tpu.memref_slice %arg13[%dma_wait3A_274] : memref<3x!tpu.dma_semaphore, #tpu.memory_space<semaphore_mem>> -> memref<1x!tpu.dma_semaphore, #tpu.memory_space<semaphore_mem>>
    %dma_wait3A_285 = tpu.memref_squeeze %dma_wait3A_284 : memref<1x!tpu.dma_semaphore, #tpu.memory_space<semaphore_mem>> -> memref<!tpu.dma_semaphore, #tpu.memory_space<semaphore_mem>>
    tpu.wait_indirect_dma semaphore(%dma_wait3A_285 : memref<!tpu.dma_semaphore, #tpu.memory_space<semaphore_mem>>) src(%dma_wait3A_283 : memref<10000x128xf32, #tpu.memory_space<hbm>>) dst(%dma_wait3A_277 : memref<80x128xf32, #tpu.memory_space<vmem>>)
    %dma_wait3A_286 = arith.constant 124 : i32
    %dma_wait3A_287 = arith.constant 0 : i32
    %dma_wait3A_288 = arith.constant 0 : i32
    %dma_wait3A_289 = arith.constant 0 : i32
    %dma_wait3A_290 = tpu.memref_slice %arg11[%dma_wait3A_288, %dma_wait3A_289] : memref<240x128xf32, #tpu.memory_space<vmem>> -> memref<80x128xf32, #tpu.memory_space<vmem>>
    %dma_wait3A_291 = arith.constant 0 : i32
    %dma_wait3A_292 = tpu.memref_slice %arg8[%dma_wait3A_286, %dma_wait3A_291] : memref<125x80xi32, #tpu.memory_space<vmem>> -> memref<1x80xi32, #tpu.memory_space<vmem>>
    %dma_wait3A_293 = tpu.memref_squeeze %dma_wait3A_292 : memref<1x80xi32, #tpu.memory_space<vmem>> -> memref<80xi32, #tpu.memory_space<vmem>>
    %dma_wait3A_294 = arith.constant 0 : i32
    %dma_wait3A_295 = arith.constant 0 : i32
    %dma_wait3A_296 = tpu.memref_slice %arg3[%dma_wait3A_294, %dma_wait3A_295] : memref<10000x128xf32, #tpu.memory_space<hbm>> -> memref<10000x128xf32, #tpu.memory_space<hbm>>
    %dma_wait3A_297 = tpu.memref_slice %arg14[%dma_wait3A_287] : memref<3x!tpu.dma_semaphore, #tpu.memory_space<semaphore_mem>> -> memref<1x!tpu.dma_semaphore, #tpu.memory_space<semaphore_mem>>
    %dma_wait3A_298 = tpu.memref_squeeze %dma_wait3A_297 : memref<1x!tpu.dma_semaphore, #tpu.memory_space<semaphore_mem>> -> memref<!tpu.dma_semaphore, #tpu.memory_space<semaphore_mem>>
    tpu.wait_indirect_dma semaphore(%dma_wait3A_298 : memref<!tpu.dma_semaphore, #tpu.memory_space<semaphore_mem>>) src(%dma_wait3A_296 : memref<10000x128xf32, #tpu.memory_space<hbm>>) dst(%dma_wait3A_290 : memref<80x128xf32, #tpu.memory_space<vmem>>)
    "tpu.region"() ({
      %run_scoped3A = tpu.sem_alloc : memref<!tpu.dma_semaphore, #tpu.memory_space<semaphore_mem>>
      %dma_start3A_299 = arith.constant 0 : i32
      %dma_start3A_300 = arith.constant 0 : i32
      %dma_start3A_301 = tpu.memref_slice %arg10[%dma_start3A_299, %dma_start3A_300] : memref<240x128xf32, #tpu.memory_space<vmem>> -> memref<80x128xf32, #tpu.memory_space<vmem>>
      %dma_start3A_302 = arith.constant 0 : i32
      %dma_start3A_303 = tpu.memref_slice %arg12[%mul3A_6, %dma_start3A_302] : memref<3840x128xf32, #tpu.memory_space<vmem_shared>> -> memref<80x128xf32, #tpu.memory_space<vmem_shared>>
      %dma_start3A_304 = arith.constant 0 : i32
      %dma_start3A_305 = tpu.memref_slice %arg12[%mul3A_6, %dma_start3A_304] : memref<3840x128xf32, #tpu.memory_space<vmem_shared>> -> memref<80x128xf32, #tpu.memory_space<vmem_shared>>
      %dma_start3A_306 = arith.constant 0 : i32
      %dma_start3A_307 = arith.constant 0 : i32
      %dma_start3A_308 = tpu.memref_slice %arg10[%dma_start3A_306, %dma_start3A_307] : memref<240x128xf32, #tpu.memory_space<vmem>> -> memref<80x128xf32, #tpu.memory_space<vmem>>
      tpu.enqueue_dma source(%dma_start3A_308 : memref<80x128xf32, #tpu.memory_space<vmem>>) target(%dma_start3A_305 : memref<80x128xf32, #tpu.memory_space<vmem_shared>>) target_semaphore(%run_scoped3A : memref<!tpu.dma_semaphore, #tpu.memory_space<semaphore_mem>>)
      %dma_wait3A_309 = arith.constant 0 : i32
      %dma_wait3A_310 = arith.constant 0 : i32
      %dma_wait3A_311 = tpu.memref_slice %arg10[%dma_wait3A_309, %dma_wait3A_310] : memref<240x128xf32, #tpu.memory_space<vmem>> -> memref<80x128xf32, #tpu.memory_space<vmem>>
      %dma_wait3A_312 = arith.constant 0 : i32
      %dma_wait3A_313 = tpu.memref_slice %arg12[%mul3A_6, %dma_wait3A_312] : memref<3840x128xf32, #tpu.memory_space<vmem_shared>> -> memref<80x128xf32, #tpu.memory_space<vmem_shared>>
      %dma_wait3A_314 = arith.constant 0 : i32
      %dma_wait3A_315 = tpu.memref_slice %arg12[%mul3A_6, %dma_wait3A_314] : memref<3840x128xf32, #tpu.memory_space<vmem_shared>> -> memref<80x128xf32, #tpu.memory_space<vmem_shared>>
      %dma_wait3A_316 = arith.constant 0 : i32
      %dma_wait3A_317 = arith.constant 0 : i32
      %dma_wait3A_318 = tpu.memref_slice %arg10[%dma_wait3A_316, %dma_wait3A_317] : memref<240x128xf32, #tpu.memory_space<vmem>> -> memref<80x128xf32, #tpu.memory_space<vmem>>
      tpu.wait_dma2 semaphore(%run_scoped3A : memref<!tpu.dma_semaphore, #tpu.memory_space<semaphore_mem>>) src(%dma_wait3A_318 : memref<80x128xf32, #tpu.memory_space<vmem>>) dst(%dma_wait3A_315 : memref<80x128xf32, #tpu.memory_space<vmem_shared>>)
      tpu.yield
    }) : () -> ()
    "tpu.region"() ({
      %run_scoped3A = tpu.sem_alloc : memref<!tpu.dma_semaphore, #tpu.memory_space<semaphore_mem>>
      %dma_start3A_299 = arith.constant 0 : i32
      %dma_start3A_300 = arith.constant 0 : i32
      %dma_start3A_301 = tpu.memref_slice %arg11[%dma_start3A_299, %dma_start3A_300] : memref<240x128xf32, #tpu.memory_space<vmem>> -> memref<80x128xf32, #tpu.memory_space<vmem>>
      %dma_start3A_302 = arith.constant 0 : i32
      %dma_start3A_303 = tpu.memref_slice %arg9[%dma_start3A_302] : memref<240xi32, #tpu.memory_space<vmem>> -> memref<80xi32, #tpu.memory_space<vmem>>
      %dma_start3A_304 = arith.constant 0 : i32
      %dma_start3A_305 = arith.constant 0 : i32
      %dma_start3A_306 = tpu.memref_slice %arg12[%dma_start3A_304, %dma_start3A_305] : memref<3840x128xf32, #tpu.memory_space<vmem_shared>> -> memref<3840x128xf32, #tpu.memory_space<vmem_shared>>
      tpu.enqueue_indirect_dma source(%dma_start3A_301 : memref<80x128xf32, #tpu.memory_space<vmem>>) target(%dma_start3A_306 : memref<3840x128xf32, #tpu.memory_space<vmem_shared>>) offsets(%dma_start3A_303 : memref<80xi32, #tpu.memory_space<vmem>>) semaphore(%run_scoped3A : memref<!tpu.dma_semaphore, #tpu.memory_space<semaphore_mem>>) {add = true}
      %dma_wait3A_307 = arith.constant 0 : i32
      %dma_wait3A_308 = arith.constant 0 : i32
      %dma_wait3A_309 = tpu.memref_slice %arg11[%dma_wait3A_307, %dma_wait3A_308] : memref<240x128xf32, #tpu.memory_space<vmem>> -> memref<80x128xf32, #tpu.memory_space<vmem>>
      %dma_wait3A_310 = arith.constant 0 : i32
      %dma_wait3A_311 = tpu.memref_slice %arg9[%dma_wait3A_310] : memref<240xi32, #tpu.memory_space<vmem>> -> memref<80xi32, #tpu.memory_space<vmem>>
      %dma_wait3A_312 = arith.constant 0 : i32
      %dma_wait3A_313 = arith.constant 0 : i32
      %dma_wait3A_314 = tpu.memref_slice %arg12[%dma_wait3A_312, %dma_wait3A_313] : memref<3840x128xf32, #tpu.memory_space<vmem_shared>> -> memref<3840x128xf32, #tpu.memory_space<vmem_shared>>
      tpu.wait_indirect_dma semaphore(%run_scoped3A : memref<!tpu.dma_semaphore, #tpu.memory_space<semaphore_mem>>) src(%dma_wait3A_309 : memref<80x128xf32, #tpu.memory_space<vmem>>) dst(%dma_wait3A_314 : memref<3840x128xf32, #tpu.memory_space<vmem_shared>>)
      tpu.yield
    }) : () -> ()
    "tpu.region"() ({
      %run_scoped3A = tpu.sem_alloc : memref<!tpu.dma_semaphore, #tpu.memory_space<semaphore_mem>>
      %dma_start3A_299 = arith.constant 0 : i32
      %dma_start3A_300 = tpu.memref_slice %arg6[%add3A_246, %dma_start3A_299] : memref<320000x128xf32, #tpu.memory_space<hbm>> -> memref<80x128xf32, #tpu.memory_space<hbm>>
      %dma_start3A_301 = arith.constant 0 : i32
      %dma_start3A_302 = tpu.memref_slice %arg12[%mul3A_6, %dma_start3A_301] : memref<3840x128xf32, #tpu.memory_space<vmem_shared>> -> memref<80x128xf32, #tpu.memory_space<vmem_shared>>
      tpu.enqueue_dma source(%dma_start3A_302 : memref<80x128xf32, #tpu.memory_space<vmem_shared>>) target(%dma_start3A_300 : memref<80x128xf32, #tpu.memory_space<hbm>>) target_semaphore(%run_scoped3A : memref<!tpu.dma_semaphore, #tpu.memory_space<semaphore_mem>>)
      %dma_wait3A_303 = arith.constant 0 : i32
      %dma_wait3A_304 = tpu.memref_slice %arg6[%add3A_246, %dma_wait3A_303] : memref<320000x128xf32, #tpu.memory_space<hbm>> -> memref<80x128xf32, #tpu.memory_space<hbm>>
      %dma_wait3A_305 = arith.constant 0 : i32
      %dma_wait3A_306 = tpu.memref_slice %arg12[%mul3A_6, %dma_wait3A_305] : memref<3840x128xf32, #tpu.memory_space<vmem_shared>> -> memref<80x128xf32, #tpu.memory_space<vmem_shared>>
      tpu.wait_dma2 semaphore(%run_scoped3A : memref<!tpu.dma_semaphore, #tpu.memory_space<semaphore_mem>>) src(%dma_wait3A_306 : memref<80x128xf32, #tpu.memory_space<vmem_shared>>) dst(%dma_wait3A_304 : memref<80x128xf32, #tpu.memory_space<hbm>>)
      tpu.yield
    }) : () -> ()
    return
  }
}

module attributes {stable_mosaic.version = 14 : i64} {
  func.func @_tc1_body(%arg0: i32, %arg1: memref<2000x128xf32, #tpu.memory_space<vmem>>, %arg2: memref<128x128xf32, #tpu.memory_space<vmem>>, %arg3: memref<128x128xf32, #tpu.memory_space<vmem>>, %arg4: memref<2000x128xf32, #tpu.memory_space<vmem>>, %arg5: memref<2000x128xf32, #tpu.memory_space<vmem>>) attributes {dimension_semantics = [#tpu.dimension_semantics<arbitrary>], iteration_bounds = array<i64: 5>, scalar_prefetch = 0 : i64, scratch_operands = 0 : i64, tpu.core_type = #tpu.core_type<tc>, window_params = [{transform_indices = @transform_0, window_bounds = array<i64: 2000, 128>}, {pipeline_mode = #tpu.pipeline_mode<synchronous>, transform_indices = @transform_1, window_bounds = array<i64: 128, 128>}, {pipeline_mode = #tpu.pipeline_mode<synchronous>, transform_indices = @transform_2, window_bounds = array<i64: 128, 128>}, {transform_indices = @transform_3, window_bounds = array<i64: 2000, 128>}, {transform_indices = @transform_4, window_bounds = array<i64: 2000, 128>}]} {
    %get3A = arith.constant 0 : index
    %get3A_0 = arith.constant 0 : index
    %get3A_1 = vector.load %arg1[%get3A, %get3A_0] : memref<2000x128xf32, #tpu.memory_space<vmem>>, vector<2000x128xf32>
    %get3A_2 = arith.constant 0 : index
    %get3A_3 = arith.constant 0 : index
    %get3A_4 = vector.load %arg2[%get3A_2, %get3A_3] : memref<128x128xf32, #tpu.memory_space<vmem>>, vector<128x128xf32>
    %dot_general3A = arith.constant dense<0.000000e+00> : vector<2000x128xf32>
    %dot_general3A_5 = tpu.matmul %get3A_1, %get3A_4, %dot_general3A {dimension_numbers = #tpu.dot_dimension_numbers<[1], [0], [0], [1], [0, 0, 1, 1], [], []>, transpose_lhs_hint = false} : vector<2000x128xf32>, vector<128x128xf32>, vector<2000x128xf32> -> vector<2000x128xf32>
    %swap3A = arith.constant 0 : index
    %swap3A_6 = arith.constant 0 : index
    %swap3A_7 = vector.load %arg4[%swap3A, %swap3A_6] : memref<2000x128xf32, #tpu.memory_space<vmem>>, vector<2000x128xf32>
    tpu.vector_store %arg4[%swap3A, %swap3A_6], %dot_general3A_5 {strides = array<i32>} : memref<2000x128xf32, #tpu.memory_space<vmem>>, vector<2000x128xf32>,
    %get3A_8 = arith.constant 0 : index
    %get3A_9 = arith.constant 0 : index
    %get3A_10 = vector.load %arg3[%get3A_8, %get3A_9] : memref<128x128xf32, #tpu.memory_space<vmem>>, vector<128x128xf32>
    %dot_general3A_11 = arith.constant dense<0.000000e+00> : vector<2000x128xf32>
    %dot_general3A_12 = tpu.matmul %get3A_1, %get3A_10, %dot_general3A_11 {dimension_numbers = #tpu.dot_dimension_numbers<[1], [0], [0], [1], [0, 0, 1, 1], [], []>, transpose_lhs_hint = false} : vector<2000x128xf32>, vector<128x128xf32>, vector<2000x128xf32> -> vector<2000x128xf32>
    %swap3A_13 = arith.constant 0 : index
    %swap3A_14 = arith.constant 0 : index
    %swap3A_15 = vector.load %arg5[%swap3A_13, %swap3A_14] : memref<2000x128xf32, #tpu.memory_space<vmem>>, vector<2000x128xf32>
    tpu.vector_store %arg5[%swap3A_13, %swap3A_14], %dot_general3A_12 {strides = array<i32>} : memref<2000x128xf32, #tpu.memory_space<vmem>>, vector<2000x128xf32>,
    return
  }
  func.func @transform_0(%arg0: i32) -> (i32, i32) {
    %c0_i32 = arith.constant 0 : i32
    %c0_i32_0 = arith.constant 0 : i32
    return %arg0, %c0_i32 : i32, i32
  }
  func.func @transform_1(%arg0: i32) -> (i32, i32) {
    %c0_i32 = arith.constant 0 : i32
    %c0_i32_0 = arith.constant 0 : i32
    %c0_i32_1 = arith.constant 0 : i32
    return %c0_i32, %c0_i32_0 : i32, i32
  }
  func.func @transform_2(%arg0: i32) -> (i32, i32) {
    %c0_i32 = arith.constant 0 : i32
    %c0_i32_0 = arith.constant 0 : i32
    %c0_i32_1 = arith.constant 0 : i32
    return %c0_i32, %c0_i32_0 : i32, i32
  }
  func.func @transform_3(%arg0: i32) -> (i32, i32) {
    %c0_i32 = arith.constant 0 : i32
    %c0_i32_0 = arith.constant 0 : i32
    return %arg0, %c0_i32 : i32, i32
  }
  func.func @transform_4(%arg0: i32) -> (i32, i32) {
    %c0_i32 = arith.constant 0 : i32
    %c0_i32_0 = arith.constant 0 : i32
    return %arg0, %c0_i32 : i32, i32
  }
}

module attributes {stable_mosaic.version = 14 : i64} {
  func.func @body(%arg0: i32, %arg1: memref<3200x128xf32, #tpu.memory_space<vmem>>, %arg2: memref<3200x128xf32, #tpu.memory_space<vmem>>, %arg3: memref<128x128xf32, #tpu.memory_space<vmem>>, %arg4: memref<128x1xf32, #tpu.memory_space<vmem>>, %arg5: memref<128x128xf32, #tpu.memory_space<vmem>>, %arg6: memref<3200x128xf32, #tpu.memory_space<vmem>>, %arg7: memref<3200x144xf32, #tpu.memory_space<vmem>>) attributes {dimension_semantics = [#tpu.dimension_semantics<arbitrary>], iteration_bounds = array<i64: 100>, scalar_prefetch = 0 : i64, scratch_operands = 0 : i64, tpu.core_type = #tpu.core_type<tc>, window_params = [{transform_indices = @transform_0, window_bounds = array<i64: 3200, 128>}, {transform_indices = @transform_1, window_bounds = array<i64: 3200, 128>}, {pipeline_mode = #tpu.pipeline_mode<synchronous>, transform_indices = @transform_2, window_bounds = array<i64: 128, 128>}, {pipeline_mode = #tpu.pipeline_mode<synchronous>, transform_indices = @transform_3, window_bounds = array<i64: 128, 1>}, {pipeline_mode = #tpu.pipeline_mode<synchronous>, transform_indices = @transform_4, window_bounds = array<i64: 128, 128>}, {transform_indices = @transform_5, window_bounds = array<i64: 3200, 128>}, {transform_indices = @transform_6, window_bounds = array<i64: 3200, 144>}]} {
    %get3A = arith.constant 0 : index
    %get3A_0 = arith.constant 0 : index
    %get3A_1 = vector.load %arg1[%get3A, %get3A_0] : memref<3200x128xf32, #tpu.memory_space<vmem>>, vector<3200x128xf32>
    %get3A_2 = arith.constant 0 : index
    %get3A_3 = arith.constant 0 : index
    %get3A_4 = vector.load %arg2[%get3A_2, %get3A_3] : memref<3200x128xf32, #tpu.memory_space<vmem>>, vector<3200x128xf32>
    %get3A_5 = arith.constant 0 : index
    %get3A_6 = arith.constant 0 : index
    %get3A_7 = vector.load %arg3[%get3A_5, %get3A_6] : memref<128x128xf32, #tpu.memory_space<vmem>>, vector<128x128xf32>
    %dot_general3A = arith.constant dense<0.000000e+00> : vector<3200x128xf32>
    %dot_general3A_8 = tpu.matmul %get3A_4, %get3A_7, %dot_general3A {dimension_numbers = #tpu.dot_dimension_numbers<[1], [0], [0], [1], [0, 0, 1, 1], [], []>, transpose_lhs_hint = false} : vector<3200x128xf32>, vector<128x128xf32>, vector<3200x128xf32> -> vector<3200x128xf32>
    %add3A = arith.addf %get3A_1, %dot_general3A_8 : vector<3200x128xf32>
    %ge3A = arith.constant 0.000000e+00 : f32
    %ge3A_9 = vector.broadcast %ge3A : f32 to vector<3200x128xf32>
    %ge3A_10 = arith.cmpf oge, %add3A, %ge3A_9 : vector<3200x128xf32>
    %mul3A = arith.constant 9.99999974E-5 : f32
    %mul3A_11 = vector.broadcast %mul3A : f32 to vector<3200x128xf32>
    %mul3A_12 = arith.mulf %mul3A_11, %add3A : vector<3200x128xf32>
    %select_n3A = arith.select %ge3A_10, %add3A, %mul3A_12 : vector<3200x128xi1>, vector<3200x128xf32>
    %swap3A = arith.constant 0 : index
    %swap3A_13 = arith.constant 0 : index
    %swap3A_14 = vector.load %arg6[%swap3A, %swap3A_13] : memref<3200x128xf32, #tpu.memory_space<vmem>>, vector<3200x128xf32>
    tpu.vector_store %arg6[%swap3A, %swap3A_13], %select_n3A {strides = array<i32>} : memref<3200x128xf32, #tpu.memory_space<vmem>>, vector<3200x128xf32>,
    %get3A_15 = arith.constant 0 : index
    %get3A_16 = arith.constant 0 : index
    %get3A_17 = vector.load %arg5[%get3A_15, %get3A_16] : memref<128x128xf32, #tpu.memory_space<vmem>>, vector<128x128xf32>
    %dot_general3A_18 = arith.constant dense<0.000000e+00> : vector<3200x128xf32>
    %dot_general3A_19 = tpu.matmul %select_n3A, %get3A_17, %dot_general3A_18 {dimension_numbers = #tpu.dot_dimension_numbers<[1], [0], [0], [1], [0, 0, 1, 1], [], []>, transpose_lhs_hint = false} : vector<3200x128xf32>, vector<128x128xf32>, vector<3200x128xf32> -> vector<3200x128xf32>
    %ge3A_20 = arith.constant 0.000000e+00 : f32
    %ge3A_21 = vector.broadcast %ge3A_20 : f32 to vector<3200x128xf32>
    %ge3A_22 = arith.cmpf oge, %dot_general3A_19, %ge3A_21 : vector<3200x128xf32>
    %mul3A_23 = arith.constant 0.00999999977 : f32
    %mul3A_24 = vector.broadcast %mul3A_23 : f32 to vector<3200x128xf32>
    %mul3A_25 = arith.mulf %mul3A_24, %dot_general3A_19 : vector<3200x128xf32>
    %select_n3A_26 = arith.select %ge3A_22, %dot_general3A_19, %mul3A_25 : vector<3200x128xi1>, vector<3200x128xf32>
    %get3A_27 = arith.constant 0 : index
    %get3A_28 = arith.constant 0 : index
    %get3A_29 = vector.load %arg4[%get3A_27, %get3A_28] : memref<128x1xf32, #tpu.memory_space<vmem>>, vector<128x1xf32>
    %dot_general3A_30 = arith.constant dense<0.000000e+00> : vector<3200x1xf32>
    %dot_general3A_31 = tpu.matmul %select_n3A, %get3A_29, %dot_general3A_30 {dimension_numbers = #tpu.dot_dimension_numbers<[1], [0], [0], [1], [0, 0, 1, 1], [], []>, transpose_lhs_hint = false} : vector<3200x128xf32>, vector<128x1xf32>, vector<3200x1xf32> -> vector<3200x1xf32>
    %ge3A_32 = arith.constant 0.000000e+00 : f32
    %ge3A_33 = vector.broadcast %ge3A_32 : f32 to vector<3200x1xf32>
    %ge3A_34 = arith.cmpf oge, %dot_general3A_31, %ge3A_33 : vector<3200x1xf32>
    %mul3A_35 = arith.constant 9.99999974E-5 : f32
    %mul3A_36 = vector.broadcast %mul3A_35 : f32 to vector<3200x1xf32>
    %mul3A_37 = arith.mulf %mul3A_36, %dot_general3A_31 : vector<3200x1xf32>
    %select_n3A_38 = arith.select %ge3A_34, %dot_general3A_31, %mul3A_37 : vector<3200x1xi1>, vector<3200x1xf32>
    %exp3A = math.exp %select_n3A_38 : vector<3200x1xf32>
    %mul3A_39 = vector.broadcast %exp3A : vector<3200x1xf32> to vector<3200x128xf32>
    %mul3A_40 = arith.mulf %select_n3A_26, %mul3A_39 : vector<3200x128xf32>
    %swap3A_41 = arith.constant 0 : index
    %swap3A_42 = arith.constant 0 : index
    %swap3A_43 = vector.load %arg7[%swap3A_41, %swap3A_42] : memref<3200x144xf32, #tpu.memory_space<vmem>>, vector<3200x128xf32>
    tpu.vector_store %arg7[%swap3A_41, %swap3A_42], %mul3A_40 {strides = array<i32>} : memref<3200x144xf32, #tpu.memory_space<vmem>>, vector<3200x128xf32>,
    %swap3A_44 = arith.constant 0 : index
    %swap3A_45 = arith.constant 128 : index
    %swap3A_46 = vector.load %arg7[%swap3A_44, %swap3A_45] : memref<3200x144xf32, #tpu.memory_space<vmem>>, vector<3200x1xf32>
    tpu.vector_store %arg7[%swap3A_44, %swap3A_45], %exp3A {strides = array<i32>} : memref<3200x144xf32, #tpu.memory_space<vmem>>, vector<3200x1xf32>,
    %broadcast_in_dim3A = arith.constant 0.000000e+00 : f32
    %broadcast_in_dim3A_47 = vector.broadcast %broadcast_in_dim3A : f32 to vector<3200x15xf32>
    %swap3A_48 = arith.constant 0 : index
    %swap3A_49 = arith.constant 129 : index
    %swap3A_50 = vector.load %arg7[%swap3A_48, %swap3A_49] : memref<3200x144xf32, #tpu.memory_space<vmem>>, vector<3200x15xf32>
    tpu.vector_store %arg7[%swap3A_48, %swap3A_49], %broadcast_in_dim3A_47 {strides = array<i32>} : memref<3200x144xf32, #tpu.memory_space<vmem>>, vector<3200x15xf32>,
    return
  }
  func.func @transform_0(%arg0: i32) -> (i32, i32) {
    %c0_i32 = arith.constant 0 : i32
    %c0_i32_0 = arith.constant 0 : i32
    return %arg0, %c0_i32 : i32, i32
  }
  func.func @transform_1(%arg0: i32) -> (i32, i32) {
    %c0_i32 = arith.constant 0 : i32
    %c0_i32_0 = arith.constant 0 : i32
    return %arg0, %c0_i32 : i32, i32
  }
  func.func @transform_2(%arg0: i32) -> (i32, i32) {
    %c0_i32 = arith.constant 0 : i32
    %c0_i32_0 = arith.constant 0 : i32
    %c0_i32_1 = arith.constant 0 : i32
    return %c0_i32, %c0_i32_0 : i32, i32
  }
  func.func @transform_3(%arg0: i32) -> (i32, i32) {
    %c0_i32 = arith.constant 0 : i32
    %c0_i32_0 = arith.constant 0 : i32
    %c0_i32_1 = arith.constant 0 : i32
    return %c0_i32, %c0_i32_0 : i32, i32
  }
  func.func @transform_4(%arg0: i32) -> (i32, i32) {
    %c0_i32 = arith.constant 0 : i32
    %c0_i32_0 = arith.constant 0 : i32
    %c0_i32_1 = arith.constant 0 : i32
    return %c0_i32, %c0_i32_0 : i32, i32
  }
  func.func @transform_5(%arg0: i32) -> (i32, i32) {
    %c0_i32 = arith.constant 0 : i32
    %c0_i32_0 = arith.constant 0 : i32
    return %arg0, %c0_i32 : i32, i32
  }
  func.func @transform_6(%arg0: i32) -> (i32, i32) {
    %c0_i32 = arith.constant 0 : i32
    %c0_i32_0 = arith.constant 0 : i32
    return %arg0, %c0_i32 : i32, i32
  }
}

module attributes {stable_mosaic.version = 14 : i64} {
  func.func @body(%arg0: i32, %arg1: memref<2000x144xf32, #tpu.memory_space<vmem>>, %arg2: memref<2000x144xf32, #tpu.memory_space<vmem>>, %arg3: memref<2000x128xf32, #tpu.memory_space<vmem>>, %arg4: memref<128x384xf32, #tpu.memory_space<vmem>>, %arg5: memref<128x384xf32, #tpu.memory_space<vmem>>, %arg6: memref<1x384xf32, #tpu.memory_space<vmem>>, %arg7: memref<1x384xf32, #tpu.memory_space<vmem>>, %arg8: memref<2000x128xf32, #tpu.memory_space<vmem>>) attributes {dimension_semantics = [#tpu.dimension_semantics<arbitrary>], iteration_bounds = array<i64: 5>, scalar_prefetch = 0 : i64, scratch_operands = 0 : i64, tpu.core_type = #tpu.core_type<tc>, window_params = [{transform_indices = @transform_0, window_bounds = array<i64: 2000, 144>}, {transform_indices = @transform_1, window_bounds = array<i64: 2000, 144>}, {transform_indices = @transform_2, window_bounds = array<i64: 2000, 128>}, {pipeline_mode = #tpu.pipeline_mode<synchronous>, transform_indices = @transform_3, window_bounds = array<i64: 128, 384>}, {pipeline_mode = #tpu.pipeline_mode<synchronous>, transform_indices = @transform_4, window_bounds = array<i64: 128, 384>}, {pipeline_mode = #tpu.pipeline_mode<synchronous>, transform_indices = @transform_5, window_bounds = array<i64: 1, 384>}, {pipeline_mode = #tpu.pipeline_mode<synchronous>, transform_indices = @transform_6, window_bounds = array<i64: 1, 384>}, {transform_indices = @transform_7, window_bounds = array<i64: 2000, 128>}]} {
    %get3A = arith.constant 0 : index
    %get3A_0 = arith.constant 0 : index
    %get3A_1 = vector.load %arg1[%get3A, %get3A_0] : memref<2000x144xf32, #tpu.memory_space<vmem>>, vector<2000x128xf32>
    %get3A_2 = arith.constant 0 : index
    %get3A_3 = arith.constant 0 : index
    %get3A_4 = vector.load %arg2[%get3A_2, %get3A_3] : memref<2000x144xf32, #tpu.memory_space<vmem>>, vector<2000x128xf32>
    %add3A = arith.addf %get3A_1, %get3A_4 : vector<2000x128xf32>
    %get3A_5 = arith.constant 0 : index
    %get3A_6 = arith.constant 128 : index
    %get3A_7 = vector.load %arg1[%get3A_5, %get3A_6] : memref<2000x144xf32, #tpu.memory_space<vmem>>, vector<2000x1xf32>
    %get3A_8 = arith.constant 0 : index
    %get3A_9 = arith.constant 128 : index
    %get3A_10 = vector.load %arg2[%get3A_8, %get3A_9] : memref<2000x144xf32, #tpu.memory_space<vmem>>, vector<2000x1xf32>
    %add3A_11 = arith.addf %get3A_7, %get3A_10 : vector<2000x1xf32>
    %gt3A = arith.constant 0.000000e+00 : f32
    %gt3A_12 = vector.broadcast %gt3A : f32 to vector<2000x1xf32>
    %gt3A_13 = arith.cmpf ogt, %add3A_11, %gt3A_12 : vector<2000x1xf32>
    %gt3A_14 = arith.constant 0.000000e+00 : f32
    %gt3A_15 = vector.broadcast %gt3A_14 : f32 to vector<2000x1xf32>
    %gt3A_16 = arith.cmpf ogt, %add3A_11, %gt3A_15 : vector<2000x1xf32>
    %jit3A = arith.constant 1.000000e+00 : f32
    %broadcast_in_dim3A = vector.broadcast %jit3A : f32 to vector<2000x1xf32>
    %select_n3A = arith.select %gt3A_16, %add3A_11, %broadcast_in_dim3A : vector<2000x1xi1>, vector<2000x1xf32>
    %div3A = vector.broadcast %select_n3A : vector<2000x1xf32> to vector<2000x128xf32>
    %div3A_17 = arith.divf %add3A, %div3A : vector<2000x128xf32>
    %jit3A_18 = arith.constant 0.000000e+00 : f32
    %broadcast_in_dim3A_19 = vector.shape_cast %gt3A_13 : vector<2000x1xi1> to vector<2000x1xi1>
    %broadcast_in_dim3A_20 = vector.broadcast %broadcast_in_dim3A_19 : vector<2000x1xi1> to vector<2000x128xi1>
    %broadcast_in_dim3A_21 = vector.broadcast %jit3A_18 : f32 to vector<2000x128xf32>
    %select_n3A_22 = arith.select %broadcast_in_dim3A_20, %div3A_17, %broadcast_in_dim3A_21 : vector<2000x128xi1>, vector<2000x128xf32>
    %gt3A_23 = arith.constant 0.000000e+00 : f32
    %gt3A_24 = vector.broadcast %gt3A_23 : f32 to vector<2000x128xf32>
    %gt3A_25 = arith.cmpf ogt, %select_n3A_22, %gt3A_24 : vector<2000x128xf32>
    %exp3A = math.exp %select_n3A_22 : vector<2000x128xf32>
    %sub3A = arith.constant 1.000000e+00 : f32
    %sub3A_26 = vector.broadcast %sub3A : f32 to vector<2000x128xf32>
    %sub3A_27 = arith.subf %exp3A, %sub3A_26 : vector<2000x128xf32>
    %select_n3A_28 = arith.select %gt3A_25, %select_n3A_22, %sub3A_27 : vector<2000x128xi1>, vector<2000x128xf32>
    %get3A_29 = arith.constant 0 : index
    %get3A_30 = arith.constant 0 : index
    %get3A_31 = vector.load %arg3[%get3A_29, %get3A_30] : memref<2000x128xf32, #tpu.memory_space<vmem>>, vector<2000x128xf32>
    %get3A_32 = arith.constant 0 : index
    %get3A_33 = arith.constant 0 : index
    %get3A_34 = vector.load %arg4[%get3A_32, %get3A_33] : memref<128x384xf32, #tpu.memory_space<vmem>>, vector<128x384xf32>
    %dot_general3A = arith.constant dense<0.000000e+00> : vector<2000x384xf32>
    %dot_general3A_35 = tpu.matmul %select_n3A_28, %get3A_34, %dot_general3A {dimension_numbers = #tpu.dot_dimension_numbers<[1], [0], [0], [1], [0, 0, 1, 1], [], []>, transpose_lhs_hint = false} : vector<2000x128xf32>, vector<128x384xf32>, vector<2000x384xf32> -> vector<2000x384xf32>
    %get3A_36 = arith.constant 0 : index
    %get3A_37 = arith.constant 0 : index
    %get3A_38 = vector.load %arg6[%get3A_36, %get3A_37] : memref<1x384xf32, #tpu.memory_space<vmem>>, vector<1x384xf32>
    %add3A_39 = vector.broadcast %get3A_38 : vector<1x384xf32> to vector<2000x384xf32>
    %add3A_40 = arith.addf %dot_general3A_35, %add3A_39 : vector<2000x384xf32>
    %get3A_41 = arith.constant 0 : index
    %get3A_42 = arith.constant 0 : index
    %get3A_43 = vector.load %arg5[%get3A_41, %get3A_42] : memref<128x384xf32, #tpu.memory_space<vmem>>, vector<128x384xf32>
    %dot_general3A_44 = arith.constant dense<0.000000e+00> : vector<2000x384xf32>
    %dot_general3A_45 = tpu.matmul %get3A_31, %get3A_43, %dot_general3A_44 {dimension_numbers = #tpu.dot_dimension_numbers<[1], [0], [0], [1], [0, 0, 1, 1], [], []>, transpose_lhs_hint = false} : vector<2000x128xf32>, vector<128x384xf32>, vector<2000x384xf32> -> vector<2000x384xf32>
    %get3A_46 = arith.constant 0 : index
    %get3A_47 = arith.constant 0 : index
    %get3A_48 = vector.load %arg7[%get3A_46, %get3A_47] : memref<1x384xf32, #tpu.memory_space<vmem>>, vector<1x384xf32>
    %add3A_49 = vector.broadcast %get3A_48 : vector<1x384xf32> to vector<2000x384xf32>
    %add3A_50 = arith.addf %dot_general3A_45, %add3A_49 : vector<2000x384xf32>
    %slice3A = vector.extract_strided_slice %add3A_40 {offsets = [0, 0], sizes = [2000, 128], strides = [1, 1]} : vector<2000x384xf32> to vector<2000x128xf32>
    %slice3A_51 = vector.extract_strided_slice %add3A_50 {offsets = [0, 0], sizes = [2000, 128], strides = [1, 1]} : vector<2000x384xf32> to vector<2000x128xf32>
    %add3A_52 = arith.addf %slice3A, %slice3A_51 : vector<2000x128xf32>
    %logistic3A = arith.negf %add3A_52 : vector<2000x128xf32>
    %logistic3A_53 = math.exp %logistic3A : vector<2000x128xf32>
    %logistic3A_54 = arith.constant 1.000000e+00 : f32
    %logistic3A_55 = vector.broadcast %logistic3A_54 : f32 to vector<2000x128xf32>
    %logistic3A_56 = arith.addf %logistic3A_55, %logistic3A_53 : vector<2000x128xf32>
    %logistic3A_57 = arith.divf %logistic3A_55, %logistic3A_56 : vector<2000x128xf32>
    %slice3A_58 = vector.extract_strided_slice %add3A_40 {offsets = [0, 128], sizes = [2000, 128], strides = [1, 1]} : vector<2000x384xf32> to vector<2000x128xf32>
    %slice3A_59 = vector.extract_strided_slice %add3A_50 {offsets = [0, 128], sizes = [2000, 128], strides = [1, 1]} : vector<2000x384xf32> to vector<2000x128xf32>
    %add3A_60 = arith.addf %slice3A_58, %slice3A_59 : vector<2000x128xf32>
    %logistic3A_61 = arith.negf %add3A_60 : vector<2000x128xf32>
    %logistic3A_62 = math.exp %logistic3A_61 : vector<2000x128xf32>
    %logistic3A_63 = arith.constant 1.000000e+00 : f32
    %logistic3A_64 = vector.broadcast %logistic3A_63 : f32 to vector<2000x128xf32>
    %logistic3A_65 = arith.addf %logistic3A_64, %logistic3A_62 : vector<2000x128xf32>
    %logistic3A_66 = arith.divf %logistic3A_64, %logistic3A_65 : vector<2000x128xf32>
    %slice3A_67 = vector.extract_strided_slice %add3A_40 {offsets = [0, 256], sizes = [2000, 128], strides = [1, 1]} : vector<2000x384xf32> to vector<2000x128xf32>
    %slice3A_68 = vector.extract_strided_slice %add3A_50 {offsets = [0, 256], sizes = [2000, 128], strides = [1, 1]} : vector<2000x384xf32> to vector<2000x128xf32>
    %mul3A = arith.mulf %logistic3A_57, %slice3A_68 : vector<2000x128xf32>
    %add3A_69 = arith.addf %slice3A_67, %mul3A : vector<2000x128xf32>
    %tanh3A = math.tanh %add3A_69 : vector<2000x128xf32>
    %sub3A_70 = arith.constant 1.000000e+00 : f32
    %sub3A_71 = vector.broadcast %sub3A_70 : f32 to vector<2000x128xf32>
    %sub3A_72 = arith.subf %sub3A_71, %logistic3A_66 : vector<2000x128xf32>
    %mul3A_73 = arith.mulf %sub3A_72, %tanh3A : vector<2000x128xf32>
    %mul3A_74 = arith.mulf %logistic3A_66, %get3A_31 : vector<2000x128xf32>
    %add3A_75 = arith.addf %mul3A_73, %mul3A_74 : vector<2000x128xf32>
    %max3A = arith.constant 0.000000e+00 : f32
    %max3A_76 = vector.broadcast %max3A : f32 to vector<2000x128xf32>
    %max3A_77 = arith.maximumf %add3A_75, %max3A_76 : vector<2000x128xf32>
    %swap3A = arith.constant 0 : index
    %swap3A_78 = arith.constant 0 : index
    %swap3A_79 = vector.load %arg8[%swap3A, %swap3A_78] : memref<2000x128xf32, #tpu.memory_space<vmem>>, vector<2000x128xf32>
    tpu.vector_store %arg8[%swap3A, %swap3A_78], %max3A_77 {strides = array<i32>} : memref<2000x128xf32, #tpu.memory_space<vmem>>, vector<2000x128xf32>,
    return
  }
  func.func @transform_0(%arg0: i32) -> (i32, i32) {
    %c0_i32 = arith.constant 0 : i32
    %c0_i32_0 = arith.constant 0 : i32
    return %arg0, %c0_i32 : i32, i32
  }
  func.func @transform_1(%arg0: i32) -> (i32, i32) {
    %c0_i32 = arith.constant 0 : i32
    %c0_i32_0 = arith.constant 0 : i32
    return %arg0, %c0_i32 : i32, i32
  }
  func.func @transform_2(%arg0: i32) -> (i32, i32) {
    %c0_i32 = arith.constant 0 : i32
    %c0_i32_0 = arith.constant 0 : i32
    return %arg0, %c0_i32 : i32, i32
  }
  func.func @transform_3(%arg0: i32) -> (i32, i32) {
    %c0_i32 = arith.constant 0 : i32
    %c0_i32_0 = arith.constant 0 : i32
    %c0_i32_1 = arith.constant 0 : i32
    return %c0_i32, %c0_i32_0 : i32, i32
  }
  func.func @transform_4(%arg0: i32) -> (i32, i32) {
    %c0_i32 = arith.constant 0 : i32
    %c0_i32_0 = arith.constant 0 : i32
    %c0_i32_1 = arith.constant 0 : i32
    return %c0_i32, %c0_i32_0 : i32, i32
  }
  func.func @transform_5(%arg0: i32) -> (i32, i32) {
    %c0_i32 = arith.constant 0 : i32
    %c0_i32_0 = arith.constant 0 : i32
    %c0_i32_1 = arith.constant 0 : i32
    return %c0_i32, %c0_i32_0 : i32, i32
  }
  func.func @transform_6(%arg0: i32) -> (i32, i32) {
    %c0_i32 = arith.constant 0 : i32
    %c0_i32_0 = arith.constant 0 : i32
    %c0_i32_1 = arith.constant 0 : i32
    return %c0_i32, %c0_i32_0 : i32, i32
  }
  func.func @transform_7(%arg0: i32) -> (i32, i32) {
    %c0_i32 = arith.constant 0 : i32
    %c0_i32_0 = arith.constant 0 : i32
    return %arg0, %c0_i32 : i32, i32
  }
}

</mosaic_0001>

<sc_bundles>
// kernel: kernel.10.cloned.1.call-start
scs
__scs_entry_jumppad:
0x0: {  	(pc) =	sbr.rel $0x88, $3  }
0x1: {  	(tag) =	ssettag $0x0;
	lr =	simm.s32 $0x1  }
0x2: {  	[smem:$0x3F97] =	sst lr;
	_ =	strace $0xD0000000  }
0x3: {  	_ = 	snop  }
0x4: {  	_ = 	snop  }
0x5: {  	_ = 	snop  }
0x6: {  	_ = 	snop  }
0x7: {  	_ = 	snop  }
__scs_overlays_trampoline_lowered:
0x8: {  	[smem:$0x3FA6] =	sst s0  }
0x9: {  	[smem:$0x3FA7] =	sst s1  }
0xa: {  	[smem:$0x3FA8] =	sst s2  }
0xb: {  	[smem:$0x3FA9] =	sst s3  }
0xc: {  	[smem:$0x3FAA] =	sst s4  }
0xd: {  	[smem:$0x3FAB] =	sst s5  }
0xe: {  	[smem:$0x3FAC] =	sst s6  }
0xf: {  	[smem:$0x3FAD] =	sst s7  }
0x10: {  	[smem:$0x3FAE] =	sst s8  }
0x11: {  	[smem:$0x3FAF] =	sst s9;
	s0 =	simm.s32 @!p0 $0x0  }
0x12: {  	s1 =	sld [smem:$0x3F95];
	s0 =	simm.s32 @p0 $0x1  }
0x13: {  	[smem:$0x3FB0] =	sst s0;
	s0 =	simm.s32 @!p1 $0x0  }
0x14: {  	s2 =	sld [smem:$0x3F94];
	s0 =	simm.s32 @p1 $0x1  }
0x15: {  	[smem:$0x3FB1] =	sst s0;
	s0 =	simm.s32 @!p2 $0x0  }
0x16: {  	s3 =	sld [smem:$0x3FDB];
	s0 =	simm.s32 @p2 $0x1  }
0x17: {  	s4 =	simm.s32 $0x1BF5;
	[smem:$0x3FB3] =	sst s0  }
0x18: {  	s0 =	sld [smem:$0x3F96];
	_ =	swait.ge [sflag:s4], $0x0  }
0x19: {  	s7 =	sld [smem:$0x3F97]  }
0x1a: {  	s8 =	sadd.s32 $0xFFFFE003, lr  }
0x1b: {  	s9 =	sadd.s32 $0xFFFFFEF7, lr;
	s5 =	simm.s32 $0xFFFFFFFF;
	p2 =	slt.u32 s8, $0xFFFFF086  }
0x1c: {  	p1 =	slt.u32 s9, $0xF7A;
	s5 =	simm.s32 @!p2 $0x0  }
0x1d: {  	s5 =	simm.s32 @p1 $0x1;
	p0 =	seq.s32 s7, s2  }
0x1e: {  	s7 =	smul.u32 @!p0 $0xF7A, s2;
	p2 =	seq.s32 @!p0 s5, $0x0  }
0x1f: {  	s9 =	smul.u32 $0xF7A, s1;
	s8 =	simm.s32 @!p0 $0x1BF5;
	p2 =	por !p2, p0  }
0x20: {  	[sflag:s8] =	ssyncset.s32 @!p0 $0xFFFFF086;
	s6 =	sadd.s32 @!p0 s3, s7;
	s7 =	simm.s32 @!p0 $0x108  }
0x21: {  	s3 =	sadd.s32 s3, s9;
	s6 =	sadd.s32 @!p0 $0x88, s6;
	s7 =	simm.s32 @p2 $0x1082  }
0x22: {  	[simem:s7], [sflag:s8] =	dma.local @!p0 [hbm:s6], $0xF7A  }
0x23: {  	s9 =	sor.u32 $0xD0000000, s2;
	s6 =	simm.s32 $0x108;
	_ =	swait.ge @!p0 [sflag:s8], $0x0  }
0x24: {  	s3 =	sadd.s32 $0x88, s3;
	s6 =	simm.s32 @!p1 $0x1082;
	[sflag:s4] =	ssyncset.s32 $0xFFFFF086  }
0x25: {  	[simem:s6], [sflag:s4] =	dma.local [hbm:s3], $0xF7A  }
0x26: {  	[smem:$0x3F97] =	sst s1;
	(tag) =	ssettag s2;
	_ =	strace s9  }
0x27: {  	s1 =	sld [smem:$0x3FA7]  }
0x28: {  	s2 =	sld [smem:$0x3FA8]  }
0x29: {  	s4 =	sld [smem:$0x3FAA]  }
0x2a: {  	p0 =	seq.s32 s5, $0x0;
	s5 =	sld [smem:$0x3FAB]  }
0x2b: {  	s6 =	sld [smem:$0x3FAC]  }
0x2c: {  	s7 =	sld [smem:$0x3FAD]  }
0x2d: {  	s3 =	simm.s32 $0x108;
	s8 =	sld [smem:$0x3FAE]  }
0x2e: {  	s3 =	simm.s32 @!p0 $0x1082;
	s9 =	sld [smem:$0x3FAF]  }
0x2f: {  	lr =	sadd.s32 s0, s3;
	s0 =	sld [smem:$0x3FA6]  }
0x30: {  	s3 =	sld [smem:$0x3FA9]  }
0x31: {  	[smem:$0x3FB2] =	sst s10  }
0x32: {  	s10 =	sld [smem:$0x3FB0];
	_ =	sdelay $0x3  }
0x33: {  	p0 =	seq.s32 s10, $0x1;
	s10 =	sld [smem:$0x3FB2];
	_ =	sdelay $0x3  }
0x34: {  	[smem:$0x3FB2] =	sst s10  }
0x35: {  	s10 =	sld [smem:$0x3FB1];
	_ =	sdelay $0x3  }
0x36: {  	p1 =	seq.s32 s10, $0x1;
	s10 =	sld [smem:$0x3FB2];
	_ =	sdelay $0x3  }
0x37: {  	[smem:$0x3FB2] =	sst s10  }
0x38: {  	s10 =	sld [smem:$0x3FB3]  }
0x39: {  	_ = 	snop;
	(pc) =	sbr.ind lr, $3  }
0x3a: {  	_ = 	snop  }
0x3b: {  	_ = 	snop  }
0x3c: {  	p2 =	seq.s32 s10, $0x1;
	s10 =	sld [smem:$0x3FB2]  }
0x3d: {  	_ =	shalt  }
0x3e: {  	_ =	shalt  }
0x3f: {  	_ =	shalt  }
0x40: {  	_ =	shalt  }
0x41: {  	_ =	shalt  }
0x42: {  	_ =	shalt  }
0x43: {  	_ =	shalt  }
0x44: {  	_ =	shalt  }
0x45: {  	_ =	shalt  }
0x46: {  	_ =	shalt  }
0x47: {  	_ =	shalt  }
0x48: {  	_ =	shalt  }
0x49: {  	_ =	shalt  }
0x4a: {  	_ =	shalt  }
0x4b: {  	_ =	shalt  }
0x4c: {  	_ =	shalt  }
0x4d: {  	_ =	shalt  }
0x4e: {  	_ =	shalt  }
0x4f: {  	_ =	shalt  }
0x50: {  	_ =	shalt  }
0x51: {  	_ =	shalt  }
0x52: {  	_ =	shalt  }
0x53: {  	_ =	shalt  }
0x54: {  	_ =	shalt  }
0x55: {  	_ =	shalt  }
0x56: {  	_ =	shalt  }
0x57: {  	_ =	shalt  }
0x58: {  	_ =	shalt  }
0x59: {  	_ =	shalt  }
0x5a: {  	_ =	shalt  }
0x5b: {  	_ =	shalt  }
0x5c: {  	_ =	shalt  }
0x5d: {  	_ =	shalt  }
0x5e: {  	_ =	shalt  }
0x5f: {  	_ =	shalt  }
0x60: {  	_ =	shalt  }
0x61: {  	_ =	shalt  }
0x62: {  	_ =	shalt  }
0x63: {  	_ =	shalt  }
0x64: {  	_ =	shalt  }
0x65: {  	_ =	shalt  }
0x66: {  	_ =	shalt  }
0x67: {  	_ =	shalt  }
0x68: {  	_ =	shalt  }
0x69: {  	_ =	shalt  }
0x6a: {  	_ =	shalt  }
0x6b: {  	_ =	shalt  }
0x6c: {  	_ =	shalt  }
0x6d: {  	_ =	shalt  }
0x6e: {  	_ =	shalt  }
0x6f: {  	_ =	shalt  }
0x70: {  	_ =	shalt  }
0x71: {  	_ =	shalt  }
0x72: {  	_ =	shalt  }
0x73: {  	_ =	shalt  }
0x74: {  	_ =	shalt  }
0x75: {  	_ =	shalt  }
0x76: {  	_ =	shalt  }
0x77: {  	_ =	shalt  }
0x78: {  	_ =	shalt  }
0x79: {  	_ =	shalt  }
0x7a: {  	_ =	shalt  }
0x7b: {  	_ =	shalt  }
0x7c: {  	_ =	shalt  }
0x7d: {  	_ =	shalt  }
0x7e: {  	_ =	shalt  }
0x7f: {  	_ =	shalt  }
0x80: {  	_ =	shalt  }
0x81: {  	_ =	shalt  }
0x82: {  	_ =	shalt  }
0x83: {  	_ =	shalt  }
0x84: {  	_ =	shalt  }
0x85: {  	_ =	shalt  }
0x86: {  	_ =	shalt  }
0x87: {  	_ =	shalt  }
.Lfunc_end0:
.L_simem_size_0:
called_computation.1_lowered:
.L_overlay_start_0:
0x88: {  	s2 =	sld [smem:$0x3FD9]  }
0x89: {  	s3 =	sld [smem:$0x3FFE];
	_ =	sdelay $0x1  }
0x8a: {  	s1 =	srdreg.scid  }
0x8b: {  	s0 =	sand.u32 $0x1, s1  }
0x8c: {  	s16 =	sshll.u32 s0, $0xA;
	s2 =	sadd.s32 s3, s2  }
0x8d: {  	s2 =	sadd.s32 s2, s16  }
0x8e: {  	[smem:$0x3FBE] =	sst s2  }
0x8f: {  	_ = 	snop  }
0x90: {  	(tm) =	ssettm $0x1  }
0x91: {  	s17 =	sld [smem:$0x3FFB];
	_ =	sdelay $0x3  }
0x92: {  	_ =	strace s17  }
0x93: {  	s2 =	sld [smem:$0x3FFC];
	_ =	sdelay $0x3  }
0x94: {  	_ =	strace s2  }
0x95: {  	s2 =	sld [smem:$0x3FFD];
	_ =	sdelay $0x3  }
0x96: {  	_ =	strace s2  }
0x97: {  	_ =	strace $0x8FFFFFFF  }
0x98: {  	s18 =	sld [smem:$0x3FDB];
	_ =	sdelay $0x1  }
0x99: {  	s19 =	simm.s32 $_scs_section_size  }
0x9a: {  	s4 =	simm.s32 $_size__tile_overlayer_lowered;
	s5 =	simm.s32 $_tile_overlayer_lowered  }
0x9b: {  	s22 =	simm.s32 $0x1BFF;
	s21 =	sshll.u32 s5, $0x1;
	s2 =	sadd.s32 s19, s18  }
0x9c: {  	s6 =	simm.s32 $0x0;
	s20 =	sshll.u32 s4, $0x1;
	s4 =	sadd.s32 s21, s2  }
0x9d: {  	[timem:s6], [sflag:s22] =	dma.local [hbm:s4], s20  }
0x9e: {  	_ =	swait.ge [sflag:s22], s20  }
0x9f: {  	s3 =	ssub.s32 $0x0, s20;
	[sflag:s22] =	ssyncset.done $0x0  }
0xa0: {  	[sflag:s22] =	ssyncadd.s32 s3;
	_ =	sdelay $0x1  }
0xa1: {  	s23 =	simm.s32 $0x1B8B  }
0xa2: {  	_ =	swait.ge [sflag:s23], $0x1  }
0xa3: {  	[sflag:s23] =	ssyncset.done $0x0  }
0xa4: {  	s25 =	simm.s32 $0x1B8E;
	s24 =	sld [smem:$0x3FFE];
	[sflag:s23] =	ssyncadd.s32 $0xFFFFFFFF  }
0xa5: {  	s26 =	simm.s32 $execute0_lowered;
	[smem:$0x3FD2] =	sst s25  }
0xa6: {  	s4 =	sshll.u32 s26, $0x1;
	_ =	strace $0x80000049;
	[dreg:$0x1] =	wrdreg $0xFFFFFFFF  }
0xa7: {  	s28 =	simm.s32 $_size_execute0_lowered;
	s2 =	sadd.s32 s2, s4;
	[dreg:$0x0] =	wrdreg $0x0  }
0xa8: {  	s4 =	sshll.u32 s28, $0x1;
	[dreg:$0x2] =	wrdreg s2  }
0xa9: {  	[dreg:$0x3] =	wrdreg s4  }
0xaa: {  	[dreg:$0x4] =	wrdreg $0xC0  }
0xab: {  	_ =	task [dreg:s6], $0x5FFFF  }
0xac: {  	[dreg:$0x1] =	wrdreg $0xFFFFFFFF  }
0xad: {  	[dreg:$0x0] =	wrdreg $0x60  }
0xae: {  	[dreg:$0x2] =	wrdreg s24  }
0xaf: {  	[dreg:$0x3] =	wrdreg $0x81100  }
0xb0: {  	[dreg:$0x4] =	wrdreg $0x9  }
0xb1: {  	_ =	task.clear_ibuf [dreg:s6], $0x5FFFF;
	_ =	strace $0x90000049  }
0xb2: {  	s29 =	simm.s32 $0x9;
	_ =	strace $0x8000004B  }
0xb3: {  	_ =	swait.ge [sflag:s29], $0x1  }
0xb4: {  	[sflag:s29] =	ssyncadd.s32 $0xFFFFFFFF  }
0xb5: {  	_ =	strace $0x9000004B  }
0xb6: {  	_ =	sfence  }
0xb7: {  	s30 =	sld [smem:$0x0];
	_ =	sdelay $0x2  }
0xb8: {  	s31 =	sshll.u32 s1, $0xD;
	s1 =	sshrl.u32 s1, $0x2  }
0xb9: {  	s3 =	sand.u32 $0x4000, s31;
	s1 =	sadd.s32 s1, s30  }
0xba: {  	s0 =	sor.u32 s3, s0;
	s1 =	sshll.u32 s1, $0x11  }
0xbb: {  	s0 =	sor.u32 s1, s0  }
0xbc: {  	s0 =	sadd.s32 $0x8F2B, s0  }
0xbd: {  	[sflag:s0] =	ssyncadd.remote.s32 $0x1  }
0xbe: {  	_ =	sfence.sel $0xFFFF  }
0xbf: {  	[dreg:$0x0] =	wrdreg $0xFFFFFFFF;
	(pc) =	sbr.abs _section_cstart, $3  }
0xc0: {  	[dreg:$0x1] =	wrdreg $0xFFFFFFFF  }
0xc1: {  	_ =	task.clear_ibuf [dreg:s6], $0x2FFFF;
	_ =	strace $0x9FFFFFFF  }
0xc2: {  	(tm) =	ssettm $0x7FFFFFFF  }
0xc3: {  	_ =	shalt  }
tec
execute0_lowered:
.L_overlay_start_1:
0x0: {  	(tag) =	ssettag $0x1  }
0x1: {  	s1 =	srdreg.scid;
	s4 =	rddreg [dreg:$0x0]  }
0x2: {  	s0 =	stileid.u32;
	s2 =	rddreg [dreg:$0x1];
	s3 =	simm.s32 $0x0  }
0x3: {  	s16 =	simm.s32 $0x1;
	s17 =	simm.s32 $0x50;
	s18 =	simm.s32 $0x2  }
0x4: {  	s19 =	simm.s32 $0x2620;
	s20 =	simm.s32 $0x2670;
	s9 =	smul.u32 $0x2D00, s0  }
0x5: {  	s21 =	simm.s32 $0x26C0;
	s22 =	simm.s32 $0x0;
	s13 =	smul.u32 $0xB400, s0  }
0x6: {  	s8 =	sand.u32 $0x1, s1;
	s1 =	rddreg [dreg:$0x2];
	s15 =	smul.u32 $0x57E40, s0  }
0x7: {  	s24 =	sshll.u32 s0, $0x1;
	[smem:$0x7FF] =	sst s3;
	s7 =	smul.u32 $0x15F900, s8  }
0x8: {  	s10 =	sadd.s32 $0xEBC800, s4;
	s5 =	sor.u32 s8, s24;
	s30 =	smul.u32 $0x2BF20, s8  }
0x9: {  	s29 =	ssub.s32 $0x8C, s0;
	s25 =	ssub.s32 $0x2, s8;
	s6 =	smul.u32 $0x2710, s5  }
0xa: {  	_ =	strace $0x8000004A;
	s26 =	sshrl.u32 s25, $0x1;
	s28 =	smul.u32 $0x15F900, s5  }
0xb: {  	s11 =	smul.u32 $0x2BF20, s5;
	s13 =	sshrl.u32 s13, $0x2;
	s31 =	sadd.s32 s15, s10  }
0xc: {  	s15 =	simm.s32 $0x5410;
	s7 =	sadd.s32 s9, s7;
	s9 =	ssub.s32 s25, s26  }
0xd: {  	s6 =	sshrl.u32 s6, $0x3;
	s7 =	sshrl.u32 s7, $0x3;
	s9 =	smax.u32 s9, $0x1  }
0xe: {  	s6 =	sadd.s32 s6, s4;
	s12 =	sadd.s32 s7, s4;
	s7 =	sshrl.u32 s28, $0x3  }
0xf: {  	s4 =	sshrl.u32 s29, $0x4;
	s5 =	sadd.s32 $0xCA00, s6;
	s14 =	sadd.s32 s10, s7  }
0x10: {  	s6 =	sadd.s32 s10, s11;
	s10 =	sadd.s32 s13, s2;
	s11 =	sadd.s32 s30, s31  }
0x11: {  	s12 =	sadd.s32 $0x16800, s12;
	s13 =	simm.s32 $0x3;
	s7 =	sadd.s32 $0x5A0, s14  }
0x12: {  	v0 =	vimm.f32 $0.0e+00;
	s8 =	sadd.s32 $0x2B980, s14;
	s11 =	sadd.s32 $0x10E0, s11;
	s14 =	simm.s32 $0x2710  }
.LBB2_1:
0x13: {  	[tilespmem:s3], [sflag:$0x3] =	stream.linear.gather [hbm4b:s5+s3], $0x2710, $0x38;
	[tilespmem:$0x1E0A0] =	vst v63  }
0x14: {  	_ =	swait.ge [sflag:s13], $0x2710  }
0x15: {  	[sflag:s13] =	ssyncset.done $0x0  }
0x16: {  	s23 =	simm.s32 $0x0;
	s24 =	simm.s32 $0x240;
	[sflag:s13] =	ssyncadd.s32 $0xFFFFD8F0  }
.LBB2_2:
0x17: {  	p0 =	sne.s32 s24, $0xB1C0;
	[tilespmem:s23+$0x2790] =	vst v0  }
0x18: {  	[tilespmem:s23+$0x2710] =	vst v0  }
0x19: {  	[tilespmem:s23+$0x2720] =	vst v0  }
0x1a: {  	[tilespmem:s23+$0x2730] =	vst v0  }
.Ltmp0:
0x1b: {  	[tilespmem:s23+$0x2740] =	vst v0;
	(pc) =	sbr.rel @p0 .LBB2_2-.Ltmp0, $4  }
0x1c: {  	[tilespmem:s23+$0x2750] =	vst v0  }
0x1d: {  	[tilespmem:s23+$0x2760] =	vst v0  }
0x1e: {  	[tilespmem:s23+$0x2770] =	vst v0  }
0x1f: {  	[tilespmem:s23+$0x2780] =	vst v0;
	s23 =	sshra.s32 s24, $0x2;
	s24 =	sadd.s32 $0x240, s24  }
0x20: {  	[tilespmem:s23+$0x2790] =	vst v0  }
0x21: {  	[tilespmem:s23+$0x2710] =	vst v0  }
0x22: {  	[tilespmem:s23+$0x2720] =	vst v0  }
0x23: {  	[tilespmem:s23+$0x2730] =	vst v0  }
0x24: {  	[tilespmem:s23+$0x2740] =	vst v0  }
0x25: {  	[tilespmem:s23+$0x2750] =	vst v0  }
0x26: {  	[tilespmem:s23+$0x2760] =	vst v0;
	p0 =	sne.s32 s4, $0x1  }
.Ltmp1:
0x27: {  	[tilespmem:s23+$0x2770] =	vst v0;
	(pc) =	sbr.rel @!p0 .LBB2_5-.Ltmp1, $4  }
0x28: {  	[tilespmem:s23+$0x2780] =	vst v0  }
0x29: {  	[spmem:s10] =	stream.linear.scatter [tilespmem:s14], [sflag:$0x3], $0x2D00, $0x38;
	[tilespmem:$0x1E0A0] =	vst v63  }
0x2a: {  	_ =	swait.ge [sflag:s13], $0x2D00  }
0x2b: {  	s23 =	sadd.s32 $0xFFFFFFFF, s4;
	s24 =	smov.u32 s10;
	[sflag:s13] =	ssyncset.done $0x0  }
.LBB2_4:
0x2c: {  	p1 =	sne.s32 s23, $0x1;
	[sflag:s13] =	ssyncadd.s32 $0xFFFFD300;
	s24 =	sadd.s32 $0x2D000, s24  }
.Ltmp2:
0x2d: {  	s23 =	sadd.s32 $0xFFFFFFFF, s23;
	(pc) =	sbr.rel @p1 .LBB2_4-.Ltmp2, $4  }
0x2e: {  	_ = 	snop  }
0x2f: {  	[spmem:s24] =	stream.linear.scatter [tilespmem:s14], [sflag:$0x3], $0x2D00, $0x38;
	[tilespmem:$0x1E0A0] =	vst v63  }
0x30: {  	_ =	swait.ge [sflag:s13], $0x2D00  }
0x31: {  	[sflag:s13] =	ssyncset.done $0x0  }
.LBB2_5:
0x32: {  	[sflag:s13] =	ssyncadd.s32 $0xFFFFD300  }
0x33: {  	s23 =	simm.s32 $0x0;
	[bflag:$0x0] =	sbarrier.arrive $0xFFFF  }
0x34: {  	[tilespmem:s14], [sflag:$0x1] =	stream.linear.gather [hbm4b:s6+s23], $0x2D00, $0x38;
	[tilespmem:$0x1E0A0] =	vst v63  }
0x35: {  	_ = 	snop  }
0x36: {  	[tilespmem:s15], [sflag:$0x2] =	stream.linear.gather [hbm4b:s7+s23], $0x2D00, $0x38;
	[tilespmem:$0x1E0A0] =	vst v63  }
0x37: {  	_ =	swait.ge [sflag:s16], $0x2D00  }
0x38: {  	[sflag:s16] =	ssyncset.done $0x0  }
0x39: {  	s29 =	simm.s32 $0x0;
	[sflag:s16] =	ssyncadd.s32 $0xFFFFD300  }
0x3a: {  	[spmem:s2] =	stream.indirect.scatter.add.f32 [tilespmem:s14], [sflag:$0x3], $0x90, s29, s17, $0xb8;
	[tilespmem:$0x1E0A0] =	vst v63  }
0x3b: {  	_ =	swait.ge [sflag:s13], $0x2D00  }
0x3c: {  	[sflag:s13] =	ssyncset.done $0x0  }
0x3d: {  	s30 =	sadd.s32 $0xFFFFFA60, s11;
	[sflag:s13] =	ssyncadd.s32 $0xFFFFD300  }
0x3e: {  	[tilespmem:s14], [sflag:$0x1] =	stream.linear.gather [hbm4b:s30+s3], $0x2D00, $0x38;
	[tilespmem:$0x1E0A0] =	vst v63  }
0x3f: {  	_ =	swait.ge [sflag:s18], $0x2D00  }
0x40: {  	[sflag:s18] =	ssyncset.done $0x0  }
0x41: {  	s31 =	simm.s32 $0x50;
	[sflag:s18] =	ssyncadd.s32 $0xFFFFD300  }
0x42: {  	[spmem:s2] =	stream.indirect.scatter.add.f32 [tilespmem:s15], [sflag:$0x3], $0x90, s31, s17, $0xb8;
	[tilespmem:$0x1E0A0] =	vst v63  }
0x43: {  	_ =	swait.ge [sflag:s13], $0x2D00  }
0x44: {  	s24 =	sadd.s32 $0xB40, s11;
	[sflag:s13] =	ssyncset.done $0x0  }
0x45: {  	s25 =	smov.u32 s11;
	s23 =	simm.s32 $0x280;
	[sflag:s13] =	ssyncadd.s32 $0xFFFFD300  }
.LBB2_6:
0x46: {  	[tilespmem:s15], [sflag:$0x2] =	stream.linear.gather [hbm4b:s25+s3], $0x2D00, $0x38;
	[tilespmem:$0x1E0A0] =	vst v63  }
0x47: {  	s26 =	smov.u32 s23;
	s25 =	smov.u32 s24  }
0x48: {  	p1 =	sne.s32 s23, $0x9600;
	s23 =	sadd.s32 $0x280, s23;
	_ =	swait.ge [sflag:s16], $0x2D00  }
0x49: {  	[sflag:s16] =	ssyncset.done $0x0  }
0x4a: {  	s26 =	sshra.s32 s26, $0x2;
	[sflag:s16] =	ssyncadd.s32 $0xFFFFD300  }
0x4b: {  	[spmem:s2] =	stream.indirect.scatter.add.f32 [tilespmem:s14], [sflag:$0x3], $0x90, s26, s17, $0xb8;
	[tilespmem:$0x1E0A0] =	vst v63  }
0x4c: {  	_ =	swait.ge [sflag:s13], $0x2D00  }
0x4d: {  	[sflag:s13] =	ssyncset.done $0x0  }
0x4e: {  	s28 =	sadd.s32 $0xFFFFFA60, s24;
	[sflag:s13] =	ssyncadd.s32 $0xFFFFD300  }
0x4f: {  	[tilespmem:s14], [sflag:$0x1] =	stream.linear.gather [hbm4b:s28+s3], $0x2D00, $0x38;
	[tilespmem:$0x1E0A0] =	vst v63  }
0x50: {  	_ =	swait.ge [sflag:s18], $0x2D00  }
0x51: {  	[sflag:s18] =	ssyncset.done $0x0  }
.Ltmp3:
0x52: {  	s26 =	sadd.s32 $0x50, s26;
	[sflag:s18] =	ssyncadd.s32 $0xFFFFD300;
	(pc) =	sbr.rel @p1 .LBB2_6-.Ltmp3, $4  }
0x53: {  	[spmem:s2] =	stream.indirect.scatter.add.f32 [tilespmem:s15], [sflag:$0x3], $0x90, s26, s17, $0xb8;
	[tilespmem:$0x1E0A0] =	vst v63  }
0x54: {  	_ =	swait.ge [sflag:s13], $0x2D00  }
0x55: {  	[sflag:s13] =	ssyncset.done $0x0  }
0x56: {  	s24 =	sadd.s32 $0xB40, s24;
	[sflag:s13] =	ssyncadd.s32 $0xFFFFD300  }
0x57: {  	[tilespmem:s15], [sflag:$0x2] =	stream.linear.gather [hbm4b:s25+s3], $0x2D00, $0x38;
	[tilespmem:$0x1E0A0] =	vst v63  }
0x58: {  	_ =	swait.ge [sflag:s16], $0x2D00  }
0x59: {  	[sflag:s16] =	ssyncset.done $0x0  }
0x5a: {  	[sflag:s16] =	ssyncadd.s32 $0xFFFFD300  }
0x5b: {  	[spmem:s2] =	stream.indirect.scatter.add.f32 [tilespmem:s14], [sflag:$0x3], $0x90, s19, s17, $0xb8;
	[tilespmem:$0x1E0A0] =	vst v63  }
0x5c: {  	_ =	swait.ge [sflag:s13], $0x2D00  }
0x5d: {  	[sflag:s13] =	ssyncset.done $0x0  }
0x5e: {  	[sflag:s13] =	ssyncadd.s32 $0xFFFFD300  }
0x5f: {  	_ =	swait.ge [sflag:s18], $0x2D00  }
0x60: {  	[sflag:s18] =	ssyncset.done $0x0  }
0x61: {  	[sflag:s18] =	ssyncadd.s32 $0xFFFFD300  }
0x62: {  	[spmem:s2] =	stream.indirect.scatter.add.f32 [tilespmem:s15], [sflag:$0x3], $0x90, s20, s17, $0xb8;
	[tilespmem:$0x1E0A0] =	vst v63  }
0x63: {  	_ =	swait.ge [sflag:s13], $0x2D00  }
0x64: {  	[sflag:s13] =	ssyncset.done $0x0  }
0x65: {  	[sflag:s13] =	ssyncadd.s32 $0xFFFFD300  }
0x66: {  	[tilespmem:s14], [sflag:$0x3] =	stream.linear.gather [hbm4b:s8+s3], $0x2D00, $0x38;
	[tilespmem:$0x1E0A0] =	vst v63  }
0x67: {  	_ =	swait.ge [sflag:s13], $0x2D00  }
0x68: {  	[sflag:s13] =	ssyncset.done $0x0  }
0x69: {  	[sflag:s13] =	ssyncadd.s32 $0xFFFFD300  }
0x6a: {  	[spmem:s2] =	stream.indirect.scatter.add.f32 [tilespmem:s14], [sflag:$0x3], $0x90, s21, s17, $0xb8;
	[tilespmem:$0x1E0A0] =	vst v63  }
0x6b: {  	_ =	swait.ge [sflag:s13], $0x2D00  }
.Ltmp4:
0x6c: {  	[sflag:s13] =	ssyncset.done $0x0;
	(pc) =	sbr.rel @!p0 .LBB2_9-.Ltmp4, $4  }
0x6d: {  	s23 =	sshll.u32 s0, $0x6;
	s24 =	sshrl.u32 s10, $0x3;
	[sflag:s13] =	ssyncadd.s32 $0xFFFFD300  }
0x6e: {  	s25 =	sadd.s32 $0x2D000, s10;
	s23 =	sor.u32 $0x1C03, s23;
	[bflag:$0x0] =	sbarrier.arrive $0xFFFF  }
0x6f: {  	[hbm:s12], [sflag:s23] =	dma.local [spmem:s24], $0x5A0  }
0x70: {  	s26 =	smov.u32 s12;
	s24 =	sadd.s32 $0xFFFFFFFF, s4;
	_ =	swait.ge [sflag:s13], $0x5A0  }
.LBB2_8:
0x71: {  	[sflag:s13] =	ssyncset.done $0x0;
	s26 =	sadd.s32 $0x5A00, s26;
	p0 =	sne.s32 s24, $0x1  }
.Ltmp5:
0x72: {  	s28 =	sshrl.u32 s25, $0x3;
	[sflag:s13] =	ssyncadd.s32 $0xFFFFFA60;
	(pc) =	sbr.rel @p0 .LBB2_8-.Ltmp5, $3  }
0x73: {  	[hbm:s26], [sflag:s23] =	dma.local [spmem:s28], $0x5A0  }
0x74: {  	s24 =	sadd.s32 $0xFFFFFFFF, s24;
	_ =	sdelay $0x1  }
0x75: {  	s25 =	sadd.s32 $0x2D000, s25;
	_ =	swait.ge [sflag:s13], $0x5A0  }
.LBB2_9:
0x76: {  	s22 =	sadd.s32 $0x1, s22  }
0x77: {  	p0 =	sne.s32 s22, s9  }
.Ltmp6:
0x78: {  	_ = 	snop;
	(pc) =	sbr.rel @p0 .LBB2_1-.Ltmp6, $3  }
0x79: {  	_ =	sdelay $0x1  }
0x7a: {  	[sflag:s13] =	ssyncset.done $0x0  }
0x7b: {  	[sflag:s13] =	ssyncadd.s32 $0xFFFFFA60  }
0x7c: {  	_ =	sfence.sel $0x180000  }
0x7d: {  	[bflag:$0x0] =	sbarrier.arrive $0xFFFF  }
0x7e: {  	p0 =	sne.s32 s0, $0x0;
	_ =	strace $0x9000004A  }
0x7f: {  	s0 =	sadd.s32 @!p0 $0x100000, s1;
	[bflag:$0x2] =	sbarrier.arrive $0xFFFF  }
0x80: {  	[sflag:s0] =	ssyncadd.tile.s32 @!p0 $0x1;
	_ =	shalt  }
.Lfunc_end2:
_tile_overlayer_lowered:
.L_overlay_start_2:
0x81: {  	(tag) =	ssettag $0x2  }
0x82: {  	s0 =	rddreg [dreg:$0x0];
	s2 =	stileid.u32  }
0x83: {  	s1 =	rddreg [dreg:$0x1];
	p0 =	sne.s32 s2, $0x0  }
0x84: {  	s3 =	rddreg [dreg:$0x2];
	[bflag:$0x3] =	sbarrier.arrive $0xFFFF;
	s2 =	simm.s32 @!p0 $0x1C03  }
0x85: {  	[timem:s3], [sflag:s2] =	dma.local @!p0 [hbm:s0], s1  }
0x86: {  	s0 =	simm.s32 @!p0 $0x3  }
0x87: {  	_ =	swait.ge @!p0 [sflag:s0], s1  }
0x88: {  	s1 =	ssub.s32 @!p0 $0x0, s1;
	[sflag:s0] =	ssyncset.done @!p0 $0x0  }
0x89: {  	[sflag:s0] =	ssyncadd.s32 @!p0 s1  }
0x8a: {  	[bflag:$0x3] =	sbarrier.arrive $0xFFFF  }
0x8b: {  	_ =	shalt  }

// kernel: kernel.7.cloned.1.call-start
scs
__scs_entry_jumppad:
0x0: {  	(pc) =	sbr.rel $0x88, $3  }
0x1: {  	(tag) =	ssettag $0x0;
	lr =	simm.s32 $0x1  }
0x2: {  	[smem:$0x3F97] =	sst lr;
	_ =	strace $0xD0000000  }
0x3: {  	_ = 	snop  }
0x4: {  	_ = 	snop  }
0x5: {  	_ = 	snop  }
0x6: {  	_ = 	snop  }
0x7: {  	_ = 	snop  }
__scs_overlays_trampoline_lowered:
0x8: {  	[smem:$0x3FA6] =	sst s0  }
0x9: {  	[smem:$0x3FA7] =	sst s1  }
0xa: {  	[smem:$0x3FA8] =	sst s2  }
0xb: {  	[smem:$0x3FA9] =	sst s3  }
0xc: {  	[smem:$0x3FAA] =	sst s4  }
0xd: {  	[smem:$0x3FAB] =	sst s5  }
0xe: {  	[smem:$0x3FAC] =	sst s6  }
0xf: {  	[smem:$0x3FAD] =	sst s7  }
0x10: {  	[smem:$0x3FAE] =	sst s8  }
0x11: {  	[smem:$0x3FAF] =	sst s9;
	s0 =	simm.s32 @!p0 $0x0  }
0x12: {  	s1 =	sld [smem:$0x3F95];
	s0 =	simm.s32 @p0 $0x1  }
0x13: {  	[smem:$0x3FB0] =	sst s0;
	s0 =	simm.s32 @!p1 $0x0  }
0x14: {  	s2 =	sld [smem:$0x3F94];
	s0 =	simm.s32 @p1 $0x1  }
0x15: {  	[smem:$0x3FB1] =	sst s0;
	s0 =	simm.s32 @!p2 $0x0  }
0x16: {  	s3 =	sld [smem:$0x3FDB];
	s0 =	simm.s32 @p2 $0x1  }
0x17: {  	s4 =	simm.s32 $0x1BF5;
	[smem:$0x3FB3] =	sst s0  }
0x18: {  	s0 =	sld [smem:$0x3F96];
	_ =	swait.ge [sflag:s4], $0x0  }
0x19: {  	s7 =	sld [smem:$0x3F97]  }
0x1a: {  	s8 =	sadd.s32 $0xFFFFE003, lr  }
0x1b: {  	s9 =	sadd.s32 $0xFFFFFEF7, lr;
	s5 =	simm.s32 $0xFFFFFFFF;
	p2 =	slt.u32 s8, $0xFFFFF086  }
0x1c: {  	p1 =	slt.u32 s9, $0xF7A;
	s5 =	simm.s32 @!p2 $0x0  }
0x1d: {  	s5 =	simm.s32 @p1 $0x1;
	p0 =	seq.s32 s7, s2  }
0x1e: {  	s7 =	smul.u32 @!p0 $0xF7A, s2;
	p2 =	seq.s32 @!p0 s5, $0x0  }
0x1f: {  	s9 =	smul.u32 $0xF7A, s1;
	s8 =	simm.s32 @!p0 $0x1BF5;
	p2 =	por !p2, p0  }
0x20: {  	[sflag:s8] =	ssyncset.s32 @!p0 $0xFFFFF086;
	s6 =	sadd.s32 @!p0 s3, s7;
	s7 =	simm.s32 @!p0 $0x108  }
0x21: {  	s3 =	sadd.s32 s3, s9;
	s6 =	sadd.s32 @!p0 $0x88, s6;
	s7 =	simm.s32 @p2 $0x1082  }
0x22: {  	[simem:s7], [sflag:s8] =	dma.local @!p0 [hbm:s6], $0xF7A  }
0x23: {  	s9 =	sor.u32 $0xD0000000, s2;
	s6 =	simm.s32 $0x108;
	_ =	swait.ge @!p0 [sflag:s8], $0x0  }
0x24: {  	s3 =	sadd.s32 $0x88, s3;
	s6 =	simm.s32 @!p1 $0x1082;
	[sflag:s4] =	ssyncset.s32 $0xFFFFF086  }
0x25: {  	[simem:s6], [sflag:s4] =	dma.local [hbm:s3], $0xF7A  }
0x26: {  	[smem:$0x3F97] =	sst s1;
	(tag) =	ssettag s2;
	_ =	strace s9  }
0x27: {  	s1 =	sld [smem:$0x3FA7]  }
0x28: {  	s2 =	sld [smem:$0x3FA8]  }
0x29: {  	s4 =	sld [smem:$0x3FAA]  }
0x2a: {  	p0 =	seq.s32 s5, $0x0;
	s5 =	sld [smem:$0x3FAB]  }
0x2b: {  	s6 =	sld [smem:$0x3FAC]  }
0x2c: {  	s7 =	sld [smem:$0x3FAD]  }
0x2d: {  	s3 =	simm.s32 $0x108;
	s8 =	sld [smem:$0x3FAE]  }
0x2e: {  	s3 =	simm.s32 @!p0 $0x1082;
	s9 =	sld [smem:$0x3FAF]  }
0x2f: {  	lr =	sadd.s32 s0, s3;
	s0 =	sld [smem:$0x3FA6]  }
0x30: {  	s3 =	sld [smem:$0x3FA9]  }
0x31: {  	[smem:$0x3FB2] =	sst s10  }
0x32: {  	s10 =	sld [smem:$0x3FB0];
	_ =	sdelay $0x3  }
0x33: {  	p0 =	seq.s32 s10, $0x1;
	s10 =	sld [smem:$0x3FB2];
	_ =	sdelay $0x3  }
0x34: {  	[smem:$0x3FB2] =	sst s10  }
0x35: {  	s10 =	sld [smem:$0x3FB1];
	_ =	sdelay $0x3  }
0x36: {  	p1 =	seq.s32 s10, $0x1;
	s10 =	sld [smem:$0x3FB2];
	_ =	sdelay $0x3  }
0x37: {  	[smem:$0x3FB2] =	sst s10  }
0x38: {  	s10 =	sld [smem:$0x3FB3]  }
0x39: {  	_ = 	snop;
	(pc) =	sbr.ind lr, $3  }
0x3a: {  	_ = 	snop  }
0x3b: {  	_ = 	snop  }
0x3c: {  	p2 =	seq.s32 s10, $0x1;
	s10 =	sld [smem:$0x3FB2]  }
0x3d: {  	_ =	shalt  }
0x3e: {  	_ =	shalt  }
0x3f: {  	_ =	shalt  }
0x40: {  	_ =	shalt  }
0x41: {  	_ =	shalt  }
0x42: {  	_ =	shalt  }
0x43: {  	_ =	shalt  }
0x44: {  	_ =	shalt  }
0x45: {  	_ =	shalt  }
0x46: {  	_ =	shalt  }
0x47: {  	_ =	shalt  }
0x48: {  	_ =	shalt  }
0x49: {  	_ =	shalt  }
0x4a: {  	_ =	shalt  }
0x4b: {  	_ =	shalt  }
0x4c: {  	_ =	shalt  }
0x4d: {  	_ =	shalt  }
0x4e: {  	_ =	shalt  }
0x4f: {  	_ =	shalt  }
0x50: {  	_ =	shalt  }
0x51: {  	_ =	shalt  }
0x52: {  	_ =	shalt  }
0x53: {  	_ =	shalt  }
0x54: {  	_ =	shalt  }
0x55: {  	_ =	shalt  }
0x56: {  	_ =	shalt  }
0x57: {  	_ =	shalt  }
0x58: {  	_ =	shalt  }
0x59: {  	_ =	shalt  }
0x5a: {  	_ =	shalt  }
0x5b: {  	_ =	shalt  }
0x5c: {  	_ =	shalt  }
0x5d: {  	_ =	shalt  }
0x5e: {  	_ =	shalt  }
0x5f: {  	_ =	shalt  }
0x60: {  	_ =	shalt  }
0x61: {  	_ =	shalt  }
0x62: {  	_ =	shalt  }
0x63: {  	_ =	shalt  }
0x64: {  	_ =	shalt  }
0x65: {  	_ =	shalt  }
0x66: {  	_ =	shalt  }
0x67: {  	_ =	shalt  }
0x68: {  	_ =	shalt  }
0x69: {  	_ =	shalt  }
0x6a: {  	_ =	shalt  }
0x6b: {  	_ =	shalt  }
0x6c: {  	_ =	shalt  }
0x6d: {  	_ =	shalt  }
0x6e: {  	_ =	shalt  }
0x6f: {  	_ =	shalt  }
0x70: {  	_ =	shalt  }
0x71: {  	_ =	shalt  }
0x72: {  	_ =	shalt  }
0x73: {  	_ =	shalt  }
0x74: {  	_ =	shalt  }
0x75: {  	_ =	shalt  }
0x76: {  	_ =	shalt  }
0x77: {  	_ =	shalt  }
0x78: {  	_ =	shalt  }
0x79: {  	_ =	shalt  }
0x7a: {  	_ =	shalt  }
0x7b: {  	_ =	shalt  }
0x7c: {  	_ =	shalt  }
0x7d: {  	_ =	shalt  }
0x7e: {  	_ =	shalt  }
0x7f: {  	_ =	shalt  }
0x80: {  	_ =	shalt  }
0x81: {  	_ =	shalt  }
0x82: {  	_ =	shalt  }
0x83: {  	_ =	shalt  }
0x84: {  	_ =	shalt  }
0x85: {  	_ =	shalt  }
0x86: {  	_ =	shalt  }
0x87: {  	_ =	shalt  }
.Lfunc_end0:
.L_simem_size_0:
called_computation_lowered:
.L_overlay_start_0:
0x88: {  	s2 =	sld [smem:$0x3FD9]  }
0x89: {  	s3 =	sld [smem:$0x3FFE];
	_ =	sdelay $0x1  }
0x8a: {  	s1 =	srdreg.scid  }
0x8b: {  	s0 =	sand.u32 $0x1, s1  }
0x8c: {  	s14 =	sshll.u32 s0, $0xA;
	s2 =	sadd.s32 s3, s2  }
0x8d: {  	s2 =	sadd.s32 s2, s14  }
0x8e: {  	[smem:$0x3FBE] =	sst s2  }
0x8f: {  	_ = 	snop  }
0x90: {  	s2 =	sld [smem:$0x3FD0];
	_ =	sdelay $0x2  }
0x91: {  	s15 =	simm.s32 $0xA;
	s4 =	simm.s32 $0x10  }
0x92: {  	[smem:s4], [sflag:s15] =	dma.local [hbm:s2], $0x1  }
0x93: {  	_ =	swait.eq [sflag:s15], $0x1  }
0x94: {  	[sflag:s15] =	ssyncset.done $0x0  }
0x95: {  	s16 =	sld [smem:$0x10];
	[sflag:s15] =	ssyncadd.s32 $0xFFFFFFFF  }
0x96: {  	s17 =	sld [smem:$0x11];
	(tm) =	ssettm $0x1  }
0x97: {  	s18 =	sld [smem:$0x3FFB];
	_ =	sdelay $0x3  }
0x98: {  	_ =	strace s18  }
0x99: {  	s4 =	sld [smem:$0x3FFC];
	_ =	sdelay $0x3  }
0x9a: {  	_ =	strace s4  }
0x9b: {  	s4 =	sld [smem:$0x3FFD];
	_ =	sdelay $0x3  }
0x9c: {  	_ =	strace s4  }
0x9d: {  	_ =	strace $0x8FFFFFFF  }
0x9e: {  	s19 =	sld [smem:$0x3FDB];
	_ =	sdelay $0x1  }
0x9f: {  	s5 =	simm.s32 $_scs_section_size  }
0xa0: {  	s6 =	simm.s32 $_size__tile_overlayer_lowered;
	s7 =	simm.s32 $_tile_overlayer_lowered  }
0xa1: {  	s22 =	simm.s32 $0x1BFF;
	s21 =	sshll.u32 s7, $0x1;
	s4 =	sadd.s32 s5, s19  }
0xa2: {  	s8 =	simm.s32 $0x0;
	s20 =	sshll.u32 s6, $0x1;
	s6 =	sadd.s32 s21, s4  }
0xa3: {  	[timem:s8], [sflag:s22] =	dma.local [hbm:s6], s20  }
0xa4: {  	_ =	swait.ge [sflag:s22], s20  }
0xa5: {  	s5 =	ssub.s32 $0x0, s20;
	[sflag:s22] =	ssyncset.done $0x0  }
0xa6: {  	[sflag:s22] =	ssyncadd.s32 s5;
	_ =	sdelay $0x1  }
0xa7: {  	s23 =	simm.s32 $0x1B8B  }
0xa8: {  	_ =	swait.ge [sflag:s23], $0x1  }
0xa9: {  	[sflag:s23] =	ssyncset.done $0x0  }
0xaa: {  	s25 =	simm.s32 $0x1B8E;
	s24 =	sld [smem:$0x3FFE];
	[sflag:s23] =	ssyncadd.s32 $0xFFFFFFFF  }
0xab: {  	s26 =	simm.s32 $execute0_lowered;
	[smem:$0x3FD2] =	sst s25  }
0xac: {  	s6 =	sshll.u32 s26, $0x1;
	_ =	strace $0x80000046;
	[dreg:$0x1] =	wrdreg $0xFFFFFFFF  }
0xad: {  	s28 =	simm.s32 $_size_execute0_lowered;
	s4 =	sadd.s32 s4, s6;
	[dreg:$0x0] =	wrdreg $0x0  }
0xae: {  	s6 =	sshll.u32 s28, $0x1;
	[dreg:$0x2] =	wrdreg s4  }
0xaf: {  	[dreg:$0x3] =	wrdreg s6  }
0xb0: {  	[dreg:$0x4] =	wrdreg $0xC0  }
0xb1: {  	_ =	task [dreg:s8], $0x5FFFF  }
0xb2: {  	[dreg:$0x1] =	wrdreg $0xFFFFFFFF  }
0xb3: {  	[dreg:$0x0] =	wrdreg $0x60  }
0xb4: {  	[dreg:$0x2] =	wrdreg s16  }
0xb5: {  	[dreg:$0x3] =	wrdreg s17  }
0xb6: {  	[dreg:$0x4] =	wrdreg s24  }
0xb7: {  	[dreg:$0x5] =	wrdreg $0x13F100  }
0xb8: {  	[dreg:$0x6] =	wrdreg $0x9  }
0xb9: {  	_ =	task.clear_ibuf [dreg:s8], $0x7FFFF;
	_ =	strace $0x90000046  }
0xba: {  	s29 =	simm.s32 $0x9;
	_ =	strace $0x80000048  }
0xbb: {  	_ =	swait.ge [sflag:s29], $0x1  }
0xbc: {  	[sflag:s29] =	ssyncadd.s32 $0xFFFFFFFF  }
0xbd: {  	_ =	strace $0x90000048  }
0xbe: {  	_ =	sfence  }
0xbf: {  	s30 =	sld [smem:$0x0];
	_ =	sdelay $0x2  }
0xc0: {  	s31 =	sshll.u32 s1, $0xD;
	s1 =	sshrl.u32 s1, $0x2  }
0xc1: {  	s3 =	sand.u32 $0x4000, s31;
	s1 =	sadd.s32 s1, s30  }
0xc2: {  	s0 =	sor.u32 s3, s0;
	s1 =	sshll.u32 s1, $0x11  }
0xc3: {  	s0 =	sor.u32 s1, s0  }
0xc4: {  	s0 =	sadd.s32 $0x8F2B, s0  }
0xc5: {  	[sflag:s0] =	ssyncadd.remote.s32 $0x1  }
0xc6: {  	_ =	sfence.sel $0xFFFF  }
0xc7: {  	[dreg:$0x0] =	wrdreg $0xFFFFFFFF;
	(pc) =	sbr.abs _section_cstart, $3  }
0xc8: {  	[dreg:$0x1] =	wrdreg $0xFFFFFFFF  }
0xc9: {  	_ =	task.clear_ibuf [dreg:s8], $0x2FFFF;
	_ =	strace $0x9FFFFFFF  }
0xca: {  	(tm) =	ssettm $0x7FFFFFFF  }
0xcb: {  	_ =	shalt  }
tec
execute0_lowered:
.L_overlay_start_1:
0x0: {  	(tag) =	ssettag $0x1  }
0x1: {  	s1 =	rddreg [dreg:$0x0]  }
0x2: {  	s2 =	rddreg [dreg:$0x1]  }
0x3: {  	s3 =	rddreg [dreg:$0x2]  }
0x4: {  	s5 =	srdreg.scid;
	s0 =	stileid.u32  }
0x5: {  	s4 =	rddreg [dreg:$0x3];
	s11 =	smul.u32 $0xF0, s0  }
0x6: {  	s7 =	simm.s32 $0x0;
	s30 =	simm.s32 $0x1;
	s17 =	smul.u32 $0x1E000, s0  }
0x7: {  	s31 =	simm.s32 $0x4;
	s5 =	sand.u32 $0x1, s5;
	s20 =	smul.u32 $0x4E200, s0  }
0x8: {  	s6 =	sshll.u32 s0, $0x1;
	[smem:$0x7FF] =	sst s7;
	s19 =	smul.u32 $0x2710, s5  }
0x9: {  	s6 =	sor.u32 s5, s6;
	s8 =	ssub.s32 $0x2, s5;
	s5 =	smul.u32 $0x27100, s5  }
0xa: {  	_ =	strace $0x80000047;
	s15 =	smul.u32 $0x2710, s6;
	s9 =	sshrl.u32 s8, $0x1  }
0xb: {  	s29 =	sadd.s32 $0x20, s11;
	s23 =	sadd.s32 $0x30, s11;
	s25 =	sadd.s32 $0x40, s11  }
0xc: {  	s22 =	sadd.s32 $0x60, s11;
	s28 =	sadd.s32 $0x70, s11;
	s14 =	sadd.s32 $0xA0, s11  }
0xd: {  	s6 =	smul.u32 $0x138800, s6;
	s13 =	sadd.s32 $0xC0, s11;
	s12 =	ssub.s32 s8, s9  }
0xe: {  	v14 =	vlaneseq.u32;
	s8 =	sshrl.u32 s17, $0x2;
	s17 =	smul.u32 $0x4E20, s0;
	s10 =	sshll.u32 s14, $0x7  }
0xf: {  	s0 =	sadd.s32 $0x90, s11;
	v2 =	vor.u32 s29, v14;
	s29 =	simm.s32 $0x11710;
	v3 =	vor.u32 s23, v14;
	s23 =	simm.s32 $0x5  }
0x10: {  	v4 =	vor.u32 s25, v14;
	s25 =	simm.s32 $0x3;
	v7 =	vor.u32 s28, v14;
	s28 =	simm.s32 $0x6;
	s7 =	sshrl.u32 s15, $0x3  }
0x11: {  	s8 =	sadd.s32 s8, s4;
	s10 =	sadd.s32 s10, s4;
	s6 =	sshrl.u32 s6, $0x3  }
0x12: {  	s26 =	smax.u32 s12, $0x1;
	s12 =	sadd.s32 $0x80, s11;
	s15 =	sadd.s32 $0xB0, s11  }
0x13: {  	s7 =	sadd.s32 s7, s3;
	s3 =	sadd.s32 $0x16800, s3;
	s17 =	sadd.s32 s19, s17  }
0x14: {  	[dreg:$0x9] =	wrdreg s26;
	s19 =	simm.s32 $0x50;
	s16 =	sadd.s32 $0x2C00, s7  }
0x15: {  	s26 =	simm.s32 $0x9F10;
	s7 =	sadd.s32 $0xCA00, s7;
	[dreg:$0x5] =	wrdreg s16  }
0x16: {  	s17 =	sshll.u32 s17, $0x4;
	s6 =	sadd.s32 s3, s6;
	[dreg:$0x6] =	wrdreg s7  }
0x17: {  	s7 =	sadd.s32 $0x10, s11;
	s16 =	sadd.s32 $0x50, s11;
	s17 =	sadd.s32 s3, s17  }
0x18: {  	s3 =	sadd.s32 s20, s3;
	s21 =	sadd.s32 $0x26700, s6;
	s24 =	sadd.s32 $0x26C00, s6  }
0x19: {  	s20 =	simm.s32 $0x4F10;
	s18 =	sshll.u32 s16, $0x7;
	[dreg:$0x7] =	wrdreg s21  }
0x1a: {  	[dreg:$0x8] =	wrdreg s24;
	s3 =	sadd.s32 s5, s3;
	s5 =	sadd.s32 $0xA00, s17  }
.Ltmp0:
0x1b: {  	s6 =	sadd.s32 $0x500, s17;
	s24 =	sadd.s32 $0xE0, s11;
	(pc) =	sbr.rel .LBB2_1-.Ltmp0, $4  }
0x1c: {  	v0 =	vor.u32 s11, v14;
	v6 =	vor.u32 s22, v14;
	s17 =	simm.s32 $0x7;
	s21 =	simm.s32 $0xC710;
	[dreg:$0xa] =	wrdreg s3  }
0x1d: {  	v10 =	vor.u32 s14, v14;
	v12 =	vor.u32 s13, v14;
	v1 =	vor.u32 s7, v14;
	s7 =	simm.s32 $0x4E70;
	s9 =	sadd.s32 s18, s4;
	[dreg:$0xb] =	wrdreg s5  }
0x1e: {  	v9 =	vor.u32 s0, v14;
	v8 =	vor.u32 s12, v14;
	v11 =	vor.u32 s15, v14;
	[dreg:$0xc] =	wrdreg s6;
	s18 =	sadd.s32 $0xD0, s11;
	s3 =	simm.s32 $0x2  }
0x1f: {  	v5 =	vor.u32 s16, v14;
	s6 =	simm.s32 $0x4E20;
	s11 =	simm.s32 $0x4EC0;
	s5 =	simm.s32 $0x0;
	v13 =	vor.u32 s18, v14;
	v14 =	vor.u32 s24, v14  }
.LBB2_4:
0x20: {  	s0 =	simm.s32 $0x2670  }
0x21: {  	[tilespmem:s20], [sflag:$0x1] =	stream.indirect.gather [hbm4b:s1+s19], $0x80, s0, s19, $0xb8;
	[tilespmem:$0x1B710] =	vst v63  }
0x22: {  	s12 =	simm.s32 $0x4D80  }
0x23: {  	[tilespmem:s21], [sflag:$0x4] =	stream.indirect.gather [hbm4b:s2+s19], $0x80, s12, s19, $0xb8;
	[tilespmem:$0x1B710] =	vst v63  }
0x24: {  	_ =	swait.ge [sflag:s30], $0x2800  }
0x25: {  	[sflag:s30] =	ssyncset.done $0x0  }
0x26: {  	[sflag:s30] =	ssyncadd.s32 $0xFFFFD800  }
0x27: {  	_ =	swait.ge [sflag:s31], $0x2800  }
0x28: {  	[sflag:s31] =	ssyncset.done $0x0  }
0x29: {  	[sflag:s31] =	ssyncadd.s32 $0xFFFFD800  }
0x2a: {  	[spmem:s8] =	stream.linear.scatter [tilespmem:s20], [sflag:$0x7], $0x2800, $0x38;
	[tilespmem:$0x1B710] =	vst v63  }
0x2b: {  	_ =	swait.ge [sflag:s17], $0x2800  }
0x2c: {  	[sflag:s17] =	ssyncset.done $0x0  }
0x2d: {  	[sflag:s17] =	ssyncadd.s32 $0xFFFFD800  }
0x2e: {  	[spmem:s4] =	stream.indirect.scatter.add.f32 [tilespmem:s21], [sflag:$0x7], $0x80, s6, s19, $0xb8;
	[tilespmem:$0x1B710] =	vst v63  }
0x2f: {  	_ =	swait.ge [sflag:s17], $0x2800  }
0x30: {  	[sflag:s17] =	ssyncset.done $0x0  }
0x31: {  	s13 =	rddreg [dreg:$0x7];
	[sflag:s17] =	ssyncadd.s32 $0xFFFFD800  }
0x32: {  	[hbm:s13], [sflag:s18] =	dma.local [spmem:s5], $0x500  }
0x33: {  	_ =	swait.ge [sflag:s17], $0x500  }
0x34: {  	[sflag:s17] =	ssyncset.done $0x0  }
0x35: {  	s14 =	simm.s32 $0x26C0;
	[sflag:s17] =	ssyncadd.s32 $0xFFFFFB00  }
0x36: {  	[tilespmem:s20], [sflag:$0x1] =	stream.indirect.gather [hbm4b:s1+s19], $0x80, s14, s19, $0xb8;
	[tilespmem:$0x1B710] =	vst v63  }
0x37: {  	s15 =	simm.s32 $0x4DD0  }
0x38: {  	[tilespmem:s21], [sflag:$0x4] =	stream.indirect.gather [hbm4b:s2+s19], $0x80, s15, s19, $0xb8;
	[tilespmem:$0x1B710] =	vst v63  }
0x39: {  	_ =	swait.ge [sflag:s30], $0x2800  }
0x3a: {  	[sflag:s30] =	ssyncset.done $0x0  }
0x3b: {  	[sflag:s30] =	ssyncadd.s32 $0xFFFFD800  }
0x3c: {  	_ =	swait.ge [sflag:s31], $0x2800  }
0x3d: {  	[sflag:s31] =	ssyncset.done $0x0  }
0x3e: {  	[sflag:s31] =	ssyncadd.s32 $0xFFFFD800  }
0x3f: {  	[spmem:s8] =	stream.linear.scatter [tilespmem:s20], [sflag:$0x7], $0x2800, $0x38;
	[tilespmem:$0x1B710] =	vst v63  }
0x40: {  	_ =	swait.ge [sflag:s17], $0x2800  }
0x41: {  	[sflag:s17] =	ssyncset.done $0x0  }
0x42: {  	[sflag:s17] =	ssyncadd.s32 $0xFFFFD800  }
0x43: {  	[spmem:s4] =	stream.indirect.scatter.add.f32 [tilespmem:s21], [sflag:$0x7], $0x80, s6, s19, $0xb8;
	[tilespmem:$0x1B710] =	vst v63  }
0x44: {  	_ =	swait.ge [sflag:s17], $0x2800  }
0x45: {  	[sflag:s17] =	ssyncset.done $0x0  }
0x46: {  	s16 =	rddreg [dreg:$0x8];
	[sflag:s17] =	ssyncadd.s32 $0xFFFFD800  }
0x47: {  	[hbm:s16], [sflag:s18] =	dma.local [spmem:s5], $0x500  }
0x48: {  	_ =	swait.ge [sflag:s17], $0x500  }
0x49: {  	s22 =	rddreg [dreg:$0xd]  }
0x4a: {  	s24 =	rddreg [dreg:$0x9];
	s5 =	sadd.s32 $0x1, s22  }
0x4b: {  	p0 =	sne.s32 s5, s24  }
.Ltmp1:
0x4c: {  	_ = 	snop;
	(pc) =	sbr.rel @!p0 .LBB2_5-.Ltmp1, $3  }
0x4d: {  	_ =	sdelay $0x1  }
0x4e: {  	[sflag:s17] =	ssyncset.done $0x0  }
0x4f: {  	[sflag:s17] =	ssyncadd.s32 $0xFFFFFB00  }
.LBB2_1:
0x50: {  	[dreg:$0xd] =	wrdreg s5  }
0x51: {  	s0 =	simm.s32 $0x0;
	s13 =	rddreg [dreg:$0x5]  }
0x52: {  	[tilespmem:s0], [sflag:$0x7] =	stream.linear.gather [hbm4b:s13+s0], $0x2710, $0x38;
	[tilespmem:$0x1B710] =	vst v63  }
0x53: {  	_ =	swait.ge [sflag:s17], $0x2710  }
0x54: {  	[sflag:s17] =	ssyncset.done $0x0  }
0x55: {  	s12 =	simm.s32 $0x2710;
	s14 =	rddreg [dreg:$0x6];
	[sflag:s17] =	ssyncadd.s32 $0xFFFFD8F0  }
0x56: {  	[tilespmem:s12], [sflag:$0x7] =	stream.linear.gather [hbm4b:s14+s0], $0x2710, $0x38;
	[tilespmem:$0x1B710] =	vst v63  }
0x57: {  	_ =	swait.ge [sflag:s17], $0x2710  }
0x58: {  	[sflag:s17] =	ssyncset.done $0x0  }
0x59: {  	[sflag:s17] =	ssyncadd.s32 $0xFFFFD8F0  }
0x5a: {  	[tilespmem:$0x4E20] =	vst v0  }
0x5b: {  	[tilespmem:$0x4E30] =	vst v1  }
0x5c: {  	[tilespmem:$0x4E40] =	vst v2  }
0x5d: {  	[tilespmem:$0x4E50] =	vst v3  }
0x5e: {  	[tilespmem:$0x4E60] =	vst v4  }
0x5f: {  	[tilespmem:$0x4E70] =	vst v5  }
0x60: {  	[tilespmem:$0x4E80] =	vst v6  }
0x61: {  	[tilespmem:$0x4E90] =	vst v7  }
0x62: {  	[tilespmem:$0x4EA0] =	vst v8  }
0x63: {  	[tilespmem:$0x4EB0] =	vst v9  }
0x64: {  	[tilespmem:$0x4EC0] =	vst v10  }
0x65: {  	[tilespmem:$0x4ED0] =	vst v11  }
0x66: {  	[tilespmem:$0x4EE0] =	vst v12  }
0x67: {  	[tilespmem:$0x4EF0] =	vst v13  }
0x68: {  	[tilespmem:$0x4F00] =	vst v14  }
0x69: {  	[tilespmem:s20], [sflag:$0x1] =	stream.indirect.gather [hbm4b:s1+s19], $0x80, s0, s19, $0xb8;
	[tilespmem:$0x1B710] =	vst v63  }
0x6a: {  	_ = 	snop  }
0x6b: {  	[tilespmem:s21], [sflag:$0x4] =	stream.indirect.gather [hbm4b:s2+s19], $0x80, s12, s19, $0xb8;
	[tilespmem:$0x1B710] =	vst v63  }
0x6c: {  	s15 =	simm.s32 $0x7710  }
0x6d: {  	[tilespmem:s15], [sflag:$0x2] =	stream.indirect.gather [hbm4b:s1+s19], $0x80, s19, s19, $0xb8;
	[tilespmem:$0x1B710] =	vst v63  }
0x6e: {  	s16 =	simm.s32 $0x2760;
	s18 =	simm.s32 $0xEF10;
	s14 =	rddreg [dreg:$0xa]  }
0x6f: {  	[tilespmem:s18], [sflag:$0x5] =	stream.indirect.gather [hbm4b:s2+s19], $0x80, s16, s19, $0xb8;
	[tilespmem:$0x1B710] =	vst v63  }
0x70: {  	s22 =	simm.s32 $0xA0;
	s15 =	rddreg [dreg:$0xb]  }
0x71: {  	[tilespmem:s26], [sflag:$0x3] =	stream.indirect.gather [hbm4b:s1+s19], $0x80, s22, s19, $0xb8;
	[tilespmem:$0x1B710] =	vst v63  }
0x72: {  	s24 =	simm.s32 $0x27B0;
	s13 =	simm.s32 $0x0;
	s16 =	rddreg [dreg:$0xc]  }
0x73: {  	[tilespmem:s29], [sflag:$0x6] =	stream.indirect.gather [hbm4b:s2+s19], $0x80, s24, s19, $0xb8;
	[tilespmem:$0x1B710] =	vst v63  }
.LBB2_2:
0x74: {  	_ =	swait.ge [sflag:s30], $0x2800  }
0x75: {  	[sflag:s30] =	ssyncset.done $0x0  }
0x76: {  	[sflag:s30] =	ssyncadd.s32 $0xFFFFD800  }
0x77: {  	_ =	swait.ge [sflag:s31], $0x2800  }
0x78: {  	[sflag:s31] =	ssyncset.done $0x0  }
0x79: {  	[sflag:s31] =	ssyncadd.s32 $0xFFFFD800  }
0x7a: {  	_ =	swait.ge [sflag:s3], $0x2800  }
0x7b: {  	[sflag:s3] =	ssyncset.done $0x0  }
0x7c: {  	[sflag:s3] =	ssyncadd.s32 $0xFFFFD800  }
0x7d: {  	_ =	swait.ge [sflag:s23], $0x2800  }
0x7e: {  	[sflag:s23] =	ssyncset.done $0x0  }
0x7f: {  	[sflag:s23] =	ssyncadd.s32 $0xFFFFD800  }
0x80: {  	_ =	swait.ge [sflag:s25], $0x2800  }
0x81: {  	[sflag:s25] =	ssyncset.done $0x0  }
0x82: {  	[sflag:s25] =	ssyncadd.s32 $0xFFFFD800  }
0x83: {  	_ =	swait.ge [sflag:s28], $0x2800  }
0x84: {  	[sflag:s28] =	ssyncset.done $0x0  }
0x85: {  	[sflag:s28] =	ssyncadd.s32 $0xFFFFD800  }
0x86: {  	[spmem:s8] =	stream.linear.scatter [tilespmem:s20], [sflag:$0x7], $0x2800, $0x38;
	[tilespmem:$0x1B710] =	vst v63  }
0x87: {  	_ =	swait.ge [sflag:s17], $0x2800  }
0x88: {  	[sflag:s17] =	ssyncset.done $0x0  }
0x89: {  	[sflag:s17] =	ssyncadd.s32 $0xFFFFD800  }
0x8a: {  	[spmem:s4] =	stream.indirect.scatter.add.f32 [tilespmem:s21], [sflag:$0x7], $0x80, s6, s19, $0xb8;
	[tilespmem:$0x1B710] =	vst v63  }
0x8b: {  	s0 =	stileid.u32;
	_ =	swait.ge [sflag:s17], $0x2800  }
0x8c: {  	s5 =	sshll.u32 s0, $0x6;
	[sflag:s17] =	ssyncset.done $0x0  }
0x8d: {  	s18 =	sor.u32 $0x1C07, s5;
	s5 =	sshrl.u32 s8, $0x3;
	[sflag:s17] =	ssyncadd.s32 $0xFFFFD800  }
0x8e: {  	[hbm:s14], [sflag:s18] =	dma.local [spmem:s5], $0x500  }
0x8f: {  	p0 =	seq.s32 s13, $0x9600;
	_ =	swait.ge [sflag:s17], $0x500  }
0x90: {  	s12 =	sshra.s32 @!p0 s13, $0x2;
	s22 =	simm.s32 @!p0 $0x50;
	[sflag:s17] =	ssyncset.done $0x0  }
0x91: {  	s24 =	simm.s32 @!p0 $0x4F10;
	s0 =	sadd.s32 @!p0 $0xF0, s12;
	[sflag:s17] =	ssyncadd.s32 $0xFFFFFB00  }
0x92: {  	[tilespmem:s24], [sflag:$0x1] =	stream.indirect.gather @!p0 [hbm4b:s1+s22], $0x80, s0, s22, $0xb8;
	[tilespmem:$0x1B710] =	vst v63  }
0x93: {  	s0 =	sadd.s32 @!p0 $0x2800, s12;
	s24 =	simm.s32 @!p0 $0xC710  }
0x94: {  	[tilespmem:s24], [sflag:$0x4] =	stream.indirect.gather @!p0 [hbm4b:s2+s22], $0x80, s0, s22, $0xb8;
	[tilespmem:$0x1B710] =	vst v63  }
0x95: {  	s24 =	simm.s32 $0x7710  }
0x96: {  	[spmem:s9] =	stream.linear.scatter [tilespmem:s24], [sflag:$0x7], $0x2800, $0x38;
	[tilespmem:$0x1B710] =	vst v63  }
0x97: {  	_ =	swait.ge [sflag:s17], $0x2800  }
0x98: {  	[sflag:s17] =	ssyncset.done $0x0  }
0x99: {  	s24 =	simm.s32 $0xEF10;
	[sflag:s17] =	ssyncadd.s32 $0xFFFFD800  }
0x9a: {  	[spmem:s4] =	stream.indirect.scatter.add.f32 [tilespmem:s24], [sflag:$0x7], $0x80, s7, s19, $0xb8;
	[tilespmem:$0x1B710] =	vst v63  }
0x9b: {  	_ =	swait.ge [sflag:s17], $0x2800  }
0x9c: {  	[sflag:s17] =	ssyncset.done $0x0  }
0x9d: {  	s24 =	sshrl.u32 s9, $0x3;
	[sflag:s17] =	ssyncadd.s32 $0xFFFFD800  }
0x9e: {  	[hbm:s16], [sflag:s18] =	dma.local [spmem:s24], $0x500  }
0x9f: {  	_ =	swait.ge [sflag:s17], $0x500  }
0xa0: {  	[sflag:s17] =	ssyncset.done $0x0  }
0xa1: {  	s0 =	sadd.s32 @!p0 $0x140, s12;
	s24 =	simm.s32 @!p0 $0x7710;
	[sflag:s17] =	ssyncadd.s32 $0xFFFFFB00  }
0xa2: {  	[tilespmem:s24], [sflag:$0x2] =	stream.indirect.gather @!p0 [hbm4b:s1+s22], $0x80, s0, s22, $0xb8;
	[tilespmem:$0x1B710] =	vst v63  }
0xa3: {  	s0 =	sadd.s32 @!p0 $0x2850, s12;
	s12 =	simm.s32 @!p0 $0xEF10  }
0xa4: {  	[tilespmem:s12], [sflag:$0x5] =	stream.indirect.gather @!p0 [hbm4b:s2+s22], $0x80, s0, s22, $0xb8;
	[tilespmem:$0x1B710] =	vst v63  }
0xa5: {  	_ = 	snop  }
0xa6: {  	[spmem:s10] =	stream.linear.scatter [tilespmem:s26], [sflag:$0x7], $0x2800, $0x38;
	[tilespmem:$0x1B710] =	vst v63  }
0xa7: {  	_ =	swait.ge [sflag:s17], $0x2800  }
0xa8: {  	[sflag:s17] =	ssyncset.done $0x0  }
0xa9: {  	[sflag:s17] =	ssyncadd.s32 $0xFFFFD800  }
0xaa: {  	[spmem:s4] =	stream.indirect.scatter.add.f32 [tilespmem:s29], [sflag:$0x7], $0x80, s11, s19, $0xb8;
	[tilespmem:$0x1B710] =	vst v63  }
0xab: {  	_ =	swait.ge [sflag:s17], $0x2800  }
0xac: {  	[sflag:s17] =	ssyncset.done $0x0  }
.Ltmp2:
0xad: {  	s24 =	sshrl.u32 s10, $0x3;
	[sflag:s17] =	ssyncadd.s32 $0xFFFFD800;
	(pc) =	sbr.rel @p0 .LBB2_4-.Ltmp2, $4  }
0xae: {  	[hbm:s15], [sflag:s18] =	dma.local [spmem:s24], $0x500  }
0xaf: {  	_ =	swait.ge [sflag:s17], $0x500  }
0xb0: {  	[sflag:s17] =	ssyncset.done $0x0  }
0xb1: {  	[sflag:s17] =	ssyncadd.s32 $0xFFFFFB00  }
.Ltmp3:
0xb2: {  	s0 =	sshra.s32 s13, $0x2;
	(pc) =	sbr.rel .LBB2_2-.Ltmp3, $4  }
0xb3: {  	s13 =	sadd.s32 $0x3C0, s13;
	s15 =	sadd.s32 $0xF00, s15;
	s5 =	sadd.s32 $0x190, s0  }
0xb4: {  	[tilespmem:s26], [sflag:$0x3] =	stream.indirect.gather [hbm4b:s1+s19], $0x80, s5, s19, $0xb8;
	[tilespmem:$0x1B710] =	vst v63  }
0xb5: {  	s16 =	sadd.s32 $0xF00, s16;
	s14 =	sadd.s32 $0xF00, s14;
	s0 =	sadd.s32 $0x28A0, s0  }
0xb6: {  	[tilespmem:s29], [sflag:$0x6] =	stream.indirect.gather [hbm4b:s2+s19], $0x80, s0, s19, $0xb8;
	[tilespmem:$0x1B710] =	vst v63  }
.LBB2_5:
0xb7: {  	_ =	sfence.sel $0x180000  }
0xb8: {  	[bflag:$0x0] =	sbarrier.arrive $0xFFFF  }
0xb9: {  	_ =	strace $0x90000047  }
0xba: {  	s0 =	stileid.u32;
	[bflag:$0x2] =	sbarrier.arrive $0xFFFF  }
0xbb: {  	p0 =	sne.s32 s0, $0x0;
	s0 =	rddreg [dreg:$0x4]  }
0xbc: {  	s0 =	sadd.s32 @!p0 $0x100000, s0  }
0xbd: {  	[sflag:s0] =	ssyncadd.tile.s32 @!p0 $0x1;
	_ =	shalt  }
.Lfunc_end2:
_tile_overlayer_lowered:
.L_overlay_start_2:
0xbe: {  	(tag) =	ssettag $0x2  }
0xbf: {  	s0 =	rddreg [dreg:$0x0];
	s2 =	stileid.u32  }
0xc0: {  	s1 =	rddreg [dreg:$0x1];
	p0 =	sne.s32 s2, $0x0  }
0xc1: {  	s3 =	rddreg [dreg:$0x2];
	[bflag:$0x3] =	sbarrier.arrive $0xFFFF;
	s2 =	simm.s32 @!p0 $0x1C07  }
0xc2: {  	[timem:s3], [sflag:s2] =	dma.local @!p0 [hbm:s0], s1  }
0xc3: {  	s0 =	simm.s32 @!p0 $0x7  }
0xc4: {  	_ =	swait.ge @!p0 [sflag:s0], s1  }
0xc5: {  	s1 =	ssub.s32 @!p0 $0x0, s1;
	[sflag:s0] =	ssyncset.done @!p0 $0x0  }
0xc6: {  	[sflag:s0] =	ssyncadd.s32 @!p0 s1  }
0xc7: {  	[bflag:$0x3] =	sbarrier.arrive $0xFFFF  }
0xc8: {  	_ =	shalt  }

</sc_bundles>
